<compile_context>
chip_gen: v7x
topology: tpu7x:2x2x1
jax: 0.10.2.dev20260603
libtpu: 0.0.44.dev20260713+nightly
codegen_flags: <defaults>
</compile_context>

<pallas_src>
import functools

import jax
import jax.numpy as jnp
from jax import lax
from jax.experimental import pallas as pl
from jax.experimental.pallas import tpu as pltpu
from jax.experimental.pallas import tpu_sc as plsc

N = 10000
E = 320000
DF = 128
DE = 16

NC = 2
NS = 16
NW = NC * NS

B = 128
NCH = 80
NPH = 2
NCH2 = NCH // NPH
EPW = NCH * B
E_PAD = NW * EPW

BE = 128
NCHE = EPW // BE
NPHE = 2
NCHE2 = NCHE // NPHE

ROWS_PER_TILE = 632
N_PAD = NS * ROWS_PER_TILE

EA_W = 128


DEPTH = 2


def _sc_agg_body(y_hbm, src_hbm, dst_hbm, z128_hbm, g_out,
                 src_v, dst_v, *rest):
    msgs = list(rest[:DEPTH])
    acc = rest[DEPTH]
    sems = list(rest[DEPTH + 1:])
    cid = lax.axis_index("c")
    sid = lax.axis_index("s")
    wid = cid * NS + sid
    rows = pl.ds(sid * ROWS_PER_TILE, ROWS_PER_TILE)

    pltpu.sync_copy(z128_hbm.at[rows], acc.at[rows])
    plsc.subcore_barrier()

    for p in range(NPH):
        blk = wid * NPH + p
        pltpu.sync_copy(src_hbm.at[blk], src_v)
        pltpu.sync_copy(dst_hbm.at[blk], dst_v)

        for k in range(DEPTH):
            pltpu.async_copy(y_hbm.at[src_v.at[k]], msgs[k], sems[k])

        def chunk(i, carry):
            for k in range(DEPTH):
                j = DEPTH * i + k
                pltpu.make_async_copy(
                    y_hbm.at[src_v.at[j]], msgs[k], sems[k]).wait()
                pltpu.sync_copy(msgs[k], acc.at[dst_v.at[j]], add=True)
                pltpu.async_copy(
                    y_hbm.at[src_v.at[jnp.minimum(j + DEPTH,
                                                  NCH2 - DEPTH + k)]],
                    msgs[k], sems[k])
            return carry

        lax.fori_loop(0, NCH2 // DEPTH, chunk, 0)
        for k in range(DEPTH):
            pltpu.make_async_copy(
                y_hbm.at[src_v.at[NCH2 - DEPTH + k]], msgs[k],
                sems[k]).wait()

    plsc.subcore_barrier()
    pltpu.sync_copy(acc.at[rows], g_out.at[cid, rows])


def _sc_ea_body(ea_hbm, dst_hbm, z128_hbm, ea_out,
                dst_v, ea0_v, ea1_v, acc2, sem0, sem1):
    cid = lax.axis_index("c")
    sid = lax.axis_index("s")
    wid = cid * NS + sid
    rows = pl.ds(sid * ROWS_PER_TILE, ROWS_PER_TILE)

    pltpu.sync_copy(z128_hbm.at[rows], acc2.at[rows])
    for p in range(NPHE):
        pltpu.sync_copy(dst_hbm.at[wid * NPHE + p],
                        dst_v.at[pl.ds(p * NCHE2, NCHE2)])
    plsc.subcore_barrier()

    base = wid * NCHE
    pltpu.async_copy(ea_hbm.at[base], ea0_v, sem0)
    pltpu.async_copy(ea_hbm.at[base + 1], ea1_v, sem1)

    def chunk(i, carry):
        j0 = 2 * i
        j1 = j0 + 1
        pltpu.make_async_copy(ea_hbm.at[base + j0], ea0_v, sem0).wait()
        pltpu.sync_copy(ea0_v, acc2.at[dst_v.at[j0]], add=True)
        pltpu.async_copy(
            ea_hbm.at[base + jnp.minimum(j0 + 2, NCHE - 2)], ea0_v, sem0)
        pltpu.make_async_copy(ea_hbm.at[base + j1], ea1_v, sem1).wait()
        pltpu.sync_copy(ea1_v, acc2.at[dst_v.at[j1]], add=True)
        pltpu.async_copy(
            ea_hbm.at[base + jnp.minimum(j1 + 2, NCHE - 1)], ea1_v, sem1)
        return carry

    lax.fori_loop(0, NCHE // 2, chunk, 0)
    pltpu.make_async_copy(ea_hbm.at[base + NCHE - 2], ea0_v, sem0).wait()
    pltpu.make_async_copy(ea_hbm.at[base + NCHE - 1], ea1_v, sem1).wait()
    plsc.subcore_barrier()
    pltpu.sync_copy(acc2.at[rows], ea_out.at[cid, rows])


_mesh = plsc.VectorSubcoreMesh(core_axis_name="c", subcore_axis_name="s")

_sc_agg = pl.kernel(
    _sc_agg_body,
    out_type=jax.ShapeDtypeStruct((NC, N_PAD, DF), jnp.float32),
    mesh=_mesh,
    scratch_types=(
        [pltpu.VMEM((NCH2, B), jnp.int32),
         pltpu.VMEM((NCH2, B), jnp.int32)]
        + [pltpu.VMEM((B, DF), jnp.float32)] * DEPTH
        + [pltpu.VMEM_SHARED((N_PAD, DF), jnp.float32)]
        + [pltpu.SemaphoreType.DMA] * DEPTH
    ),
    name="sc_gcn_agg",
)

_sc_ea = pl.kernel(
    _sc_ea_body,
    out_type=jax.ShapeDtypeStruct((NC, N_PAD, EA_W), jnp.float32),
    mesh=_mesh,
    scratch_types=[
        pltpu.VMEM((NCHE, BE), jnp.int32),
        pltpu.VMEM((BE, EA_W), jnp.float32),
        pltpu.VMEM((BE, EA_W), jnp.float32),
        pltpu.VMEM_SHARED((N_PAD, EA_W), jnp.float32),
        pltpu.SemaphoreType.DMA,
        pltpu.SemaphoreType.DMA,
    ],
    name="sc_gcn_ea",
)


R = 1000


def _mm_body(x_ref, w_ref, y_ref):
    y_ref[...] = jnp.dot(x_ref[...], w_ref[...],
                         preferred_element_type=jnp.float32)


_mm = pl.pallas_call(
    _mm_body,
    grid=(N // R,),
    in_specs=[pl.BlockSpec((R, DF), lambda i: (i, 0)),
              pl.BlockSpec((DF, DF), lambda i: (0, 0))],
    out_specs=pl.BlockSpec((R, DF), lambda i: (i, 0)),
    out_shape=jax.ShapeDtypeStruct((N, DF), jnp.float32),
)


def _stage_body(residual, emit_y, *refs):
    it = iter(refs)
    g0 = next(it)[...]
    g1 = next(it)[...]
    ea0 = next(it)[...]
    ea1 = next(it)[...]
    xp = next(it)[...] if residual else None
    we = next(it)[...]
    b = next(it)[...]
    wx = next(it)[...] if emit_y else None
    out_refs = list(it)

    g = g0 + g1
    ea = ea0 + ea1
    s = ea[:, :DE]
    deg = ea[:, DE:DE + 1]
    invd = 1.0 / jnp.maximum(deg, 1.0)
    m = (g + jnp.dot(s, we, preferred_element_type=jnp.float32)
         + deg * b) * invd
    if residual:
        xnew = xp + jnp.maximum(m, 0.0)
    else:
        xnew = m
    out_refs[0][...] = xnew
    if emit_y:
        out_refs[1][...] = jnp.dot(xnew, wx,
                                   preferred_element_type=jnp.float32)


def _make_stage(residual, emit_y):
    row = lambda i: (i, 0)
    fix = lambda i: (0, 0)
    in_specs = [pl.BlockSpec((R, DF), row),
                pl.BlockSpec((R, DF), row),
                pl.BlockSpec((R, EA_W), row),
                pl.BlockSpec((R, EA_W), row)]
    if residual:
        in_specs.append(pl.BlockSpec((R, DF), row))
    in_specs += [pl.BlockSpec((DE, DF), fix),
                 pl.BlockSpec((1, DF), fix)]
    if emit_y:
        in_specs.append(pl.BlockSpec((DF, DF), fix))
    n_out = 2 if emit_y else 1
    out_specs = [pl.BlockSpec((R, DF), row)] * n_out
    out_shape = [jax.ShapeDtypeStruct((N, DF), jnp.float32)] * n_out
    if n_out == 1:
        out_specs, out_shape = out_specs[0], out_shape[0]
    return pl.pallas_call(
        functools.partial(_stage_body, residual, emit_y),
        grid=(N // R,),
        in_specs=in_specs,
        out_specs=out_specs,
        out_shape=out_shape,
    )


_stage_first = _make_stage(residual=False, emit_y=True)
_stage_mid = _make_stage(residual=True, emit_y=True)
_stage_last = _make_stage(residual=True, emit_y=False)


def kernel(x, edge_index, edge_attr, W0, b0, W1, b1, W2, b2):
    src = edge_index[0].astype(jnp.int32)
    dst = edge_index[1].astype(jnp.int32)
    pad = E_PAD - E
    src_p = jnp.concatenate([src, jnp.zeros((pad,), jnp.int32)]
                            ).reshape(NW * NPH, NCH2, B)
    dst_full = jnp.concatenate([dst, jnp.full((pad,), N, jnp.int32)])
    dst_p = dst_full.reshape(NW * NPH, NCH2, B)
    dst_pe = dst_full.reshape(NW * NPHE, NCHE2, BE)
    ea_aug = jnp.concatenate(
        [edge_attr,
         jnp.ones((E, 1), jnp.float32),
         jnp.zeros((E, EA_W - DE - 1), jnp.float32)], axis=1)
    ea_p = jnp.concatenate([ea_aug, jnp.zeros((pad, EA_W), jnp.float32)]
                           ).reshape(NW * NCHE, BE, EA_W)
    z128 = jnp.zeros((N_PAD, DF), jnp.float32)

    Wx0, We0 = W0[:DF], W0[DF:]
    Wx1, We1 = W1[:DF], W1[DF:]
    Wx2, We2 = W2[:DF], W2[DF:]
    b0r = b0.reshape(1, DF)
    b1r = b1.reshape(1, DF)
    b2r = b2.reshape(1, DF)

    y0 = _mm(x, Wx0)
    eacc = _sc_ea(ea_p, dst_pe, z128)
    ea0, ea1 = eacc[0, :N], eacc[1, :N]
    g = _sc_agg(y0, src_p, dst_p, z128)
    x1, y1 = _stage_first(g[0, :N], g[1, :N], ea0, ea1, We0, b0r, Wx1)
    g = _sc_agg(y1, src_p, dst_p, z128)
    x2, y2 = _stage_mid(g[0, :N], g[1, :N], ea0, ea1, x1, We1, b1r, Wx2)
    g = _sc_agg(y2, src_p, dst_p, z128)
    x3 = _stage_last(g[0, :N], g[1, :N], ea0, ea1, x2, We2, b2r)
    return x3

# --- scband reference (transcript-rebuilt; emitter-appended) ---
"""Pipeline reference for scband-gcnblock-84842783965680 (READ-ONLY COPY).

The authoritative reference and input builder live on the scoring server;
editing this copy changes nothing except your own understanding.
"""

import jax, jax.numpy as jnp
import numpy as np

N_NODES = 10000
N_EDGES = 320000
D_FEAT = 128
D_EDGE = 16
LAYER_SIZE = 128


def _init_linear(key, fan_in, fan_out):
    kw, kb = jax.random.split(key)
    bound = 1.0 / np.sqrt(fan_in)
    W = jax.random.uniform(kw, (fan_in, fan_out), minval=-bound, maxval=bound, dtype=jnp.float32)
    b = jax.random.uniform(kb, (fan_out,), minval=-bound, maxval=bound, dtype=jnp.float32)
    return W, b


def setup_inputs(seed: int = 0) -> dict:
    key = jax.random.key(seed)
    kx, ke, ea, k0, k1, k2 = jax.random.split(key, 6)
    x = jax.random.normal(kx, (N_NODES, D_FEAT), dtype=jnp.float32)
    edge_index = jax.random.randint(ke, (2, N_EDGES), 0, N_NODES, dtype=jnp.int64)
    edge_attr = jax.random.normal(ea, (N_EDGES, D_EDGE), dtype=jnp.float32)
    W0, b0 = _init_linear(k0, D_FEAT + D_EDGE, LAYER_SIZE)
    W1, b1 = _init_linear(k1, LAYER_SIZE + D_EDGE, LAYER_SIZE)
    W2, b2 = _init_linear(k2, LAYER_SIZE + D_EDGE, LAYER_SIZE)
    return {"x": x, "edge_index": edge_index, "edge_attr": edge_attr,
            "W0": W0, "b0": b0, "W1": W1, "b1": b1, "W2": W2, "b2": b2}


def _edge_conv(x, edge_index, edge_attr, W, b, num_nodes):
    src = edge_index[0]
    dst = edge_index[1]
    x_j = jnp.take(x, src, axis=0)
    merged = jnp.concatenate([x_j, edge_attr], axis=1)
    msg = merged @ W + b
    summed = jax.ops.segment_sum(msg, dst, num_segments=num_nodes)
    deg = jax.ops.segment_sum(jnp.ones((dst.shape[0],), dtype=x.dtype), dst, num_segments=num_nodes)
    return summed / jnp.maximum(deg, 1.0)[:, None]


def reference(x, edge_index, edge_attr, W0, b0, W1, b1, W2, b2):
    n = x.shape[0]
    x = _edge_conv(x, edge_index, edge_attr, W0, b0, n)
    for W, b in ((W1, b1), (W2, b2)):
        z = _edge_conv(x, edge_index, edge_attr, W, b, n)
        z = jax.nn.relu(z)
        x = x + z
    return x

if __name__ == "__main__":
    import jax
    _d = setup_inputs()
    print(jax.jit(kernel)(*tuple(_d.values())))

</pallas_src>

<mosaic_0001>
#map = affine_map<(d0, d1) -> (0, 0)>
#map1 = affine_map<(d0, d1) -> (0, 0, 0)>
module attributes {stable_mosaic.version = 14 : i64} {
  func.func @sc_gcn_agg(%arg0: i32, %arg1: i32, %arg2: memref<10000x128xf32, #tpu.memory_space<hbm>>, %arg3: memref<64x40x128xi32, #tpu.memory_space<hbm>>, %arg4: memref<64x40x128xi32, #tpu.memory_space<hbm>>, %arg5: memref<10112x128xf32, #tpu.memory_space<hbm>>, %arg6: memref<2x10112x128xf32, #tpu.memory_space<hbm>>, %arg7: memref<40x128xi32, #tpu.memory_space<vmem>>, %arg8: memref<40x128xi32, #tpu.memory_space<vmem>>, %arg9: memref<128x128xf32, #tpu.memory_space<vmem>>, %arg10: memref<128x128xf32, #tpu.memory_space<vmem>>, %arg11: memref<10112x128xf32, #tpu.memory_space<vmem_shared>>, %arg12: memref<!tpu.dma_semaphore, #tpu.memory_space<semaphore_mem>>, %arg13: memref<!tpu.dma_semaphore, #tpu.memory_space<semaphore_mem>>) attributes {dimension_semantics = [#tpu.dimension_semantics<core_parallel>, #tpu.dimension_semantics<subcore_parallel>], iteration_bounds = array<i64: 2, 16>, scalar_prefetch = 0 : i64, scratch_operands = 7 : i64, tpu.core_type = #tpu.core_type<sc_vector_subcore>, window_params = [{transform_indices = #map}, {transform_indices = #map1}, {transform_indices = #map1}, {transform_indices = #map}, {transform_indices = #map1}]} {
    %mul3A = arith.constant 16 : i32
    %mul3A_0 = arith.muli %arg0, %mul3A : i32
    %add3A = arith.addi %mul3A_0, %arg1 : i32
    %mul3A_1 = arith.constant 632 : i32
    %mul3A_2 = arith.muli %arg1, %mul3A_1 : i32
    "tpu.region"() ({
      %run_scoped3A = tpu.sem_alloc : memref<!tpu.dma_semaphore, #tpu.memory_space<semaphore_mem>>
      %dma_start3A_77 = arith.constant 0 : i32
      %dma_start3A_78 = tpu.memref_slice %arg11[%mul3A_2, %dma_start3A_77] : memref<10112x128xf32, #tpu.memory_space<vmem_shared>> -> memref<632x128xf32, #tpu.memory_space<vmem_shared>>
      %dma_start3A_79 = arith.constant 0 : i32
      %dma_start3A_80 = tpu.memref_slice %arg5[%mul3A_2, %dma_start3A_79] : memref<10112x128xf32, #tpu.memory_space<hbm>> -> memref<632x128xf32, #tpu.memory_space<hbm>>
      tpu.enqueue_dma source(%dma_start3A_80 : memref<632x128xf32, #tpu.memory_space<hbm>>) target(%dma_start3A_78 : memref<632x128xf32, #tpu.memory_space<vmem_shared>>) target_semaphore(%run_scoped3A : memref<!tpu.dma_semaphore, #tpu.memory_space<semaphore_mem>>)
      %dma_wait3A_81 = arith.constant 0 : i32
      %dma_wait3A_82 = tpu.memref_slice %arg11[%mul3A_2, %dma_wait3A_81] : memref<10112x128xf32, #tpu.memory_space<vmem_shared>> -> memref<632x128xf32, #tpu.memory_space<vmem_shared>>
      %dma_wait3A_83 = arith.constant 0 : i32
      %dma_wait3A_84 = tpu.memref_slice %arg5[%mul3A_2, %dma_wait3A_83] : memref<10112x128xf32, #tpu.memory_space<hbm>> -> memref<632x128xf32, #tpu.memory_space<hbm>>
      tpu.wait_dma2 semaphore(%run_scoped3A : memref<!tpu.dma_semaphore, #tpu.memory_space<semaphore_mem>>) src(%dma_wait3A_84 : memref<632x128xf32, #tpu.memory_space<hbm>>) dst(%dma_wait3A_82 : memref<632x128xf32, #tpu.memory_space<vmem_shared>>)
      tpu.yield
    }) : () -> ()
    %barrier3A = arith.constant 0 : index
    tpu.barrier barrier_id(%barrier3A)
    %mul3A_3 = arith.constant 2 : i32
    %mul3A_4 = arith.muli %add3A, %mul3A_3 : i32
    %add3A_5 = arith.constant 0 : i32
    %add3A_6 = arith.addi %mul3A_4, %add3A_5 : i32
    "tpu.region"() ({
      %run_scoped3A = tpu.sem_alloc : memref<!tpu.dma_semaphore, #tpu.memory_space<semaphore_mem>>
      %dma_start3A_77 = arith.constant 0 : i32
      %dma_start3A_78 = arith.constant 0 : i32
      %dma_start3A_79 = tpu.memref_slice %arg3[%add3A_6, %dma_start3A_77, %dma_start3A_78] : memref<64x40x128xi32, #tpu.memory_space<hbm>> -> memref<1x40x128xi32, #tpu.memory_space<hbm>>
      %dma_start3A_80 = tpu.memref_squeeze %dma_start3A_79 : memref<1x40x128xi32, #tpu.memory_space<hbm>> -> memref<40x128xi32, #tpu.memory_space<hbm>>
      %dma_start3A_81 = arith.constant 0 : i32
      %dma_start3A_82 = arith.constant 0 : i32
      %dma_start3A_83 = tpu.memref_slice %arg3[%add3A_6, %dma_start3A_81, %dma_start3A_82] : memref<64x40x128xi32, #tpu.memory_space<hbm>> -> memref<1x40x128xi32, #tpu.memory_space<hbm>>
      %dma_start3A_84 = tpu.memref_squeeze %dma_start3A_83 : memref<1x40x128xi32, #tpu.memory_space<hbm>> -> memref<40x128xi32, #tpu.memory_space<hbm>>
      tpu.enqueue_dma source(%dma_start3A_84 : memref<40x128xi32, #tpu.memory_space<hbm>>) target(%arg7 : memref<40x128xi32, #tpu.memory_space<vmem>>) target_semaphore(%run_scoped3A : memref<!tpu.dma_semaphore, #tpu.memory_space<semaphore_mem>>)
      %dma_wait3A_85 = arith.constant 0 : i32
      %dma_wait3A_86 = arith.constant 0 : i32
      %dma_wait3A_87 = tpu.memref_slice %arg3[%add3A_6, %dma_wait3A_85, %dma_wait3A_86] : memref<64x40x128xi32, #tpu.memory_space<hbm>> -> memref<1x40x128xi32, #tpu.memory_space<hbm>>
      %dma_wait3A_88 = tpu.memref_squeeze %dma_wait3A_87 : memref<1x40x128xi32, #tpu.memory_space<hbm>> -> memref<40x128xi32, #tpu.memory_space<hbm>>
      %dma_wait3A_89 = arith.constant 0 : i32
      %dma_wait3A_90 = arith.constant 0 : i32
      %dma_wait3A_91 = tpu.memref_slice %arg3[%add3A_6, %dma_wait3A_89, %dma_wait3A_90] : memref<64x40x128xi32, #tpu.memory_space<hbm>> -> memref<1x40x128xi32, #tpu.memory_space<hbm>>
      %dma_wait3A_92 = tpu.memref_squeeze %dma_wait3A_91 : memref<1x40x128xi32, #tpu.memory_space<hbm>> -> memref<40x128xi32, #tpu.memory_space<hbm>>
      tpu.wait_dma2 semaphore(%run_scoped3A : memref<!tpu.dma_semaphore, #tpu.memory_space<semaphore_mem>>) src(%dma_wait3A_92 : memref<40x128xi32, #tpu.memory_space<hbm>>) dst(%arg7 : memref<40x128xi32, #tpu.memory_space<vmem>>)
      tpu.yield
    }) : () -> ()
    "tpu.region"() ({
      %run_scoped3A = tpu.sem_alloc : memref<!tpu.dma_semaphore, #tpu.memory_space<semaphore_mem>>
      %dma_start3A_77 = arith.constant 0 : i32
      %dma_start3A_78 = arith.constant 0 : i32
      %dma_start3A_79 = tpu.memref_slice %arg4[%add3A_6, %dma_start3A_77, %dma_start3A_78] : memref<64x40x128xi32, #tpu.memory_space<hbm>> -> memref<1x40x128xi32, #tpu.memory_space<hbm>>
      %dma_start3A_80 = tpu.memref_squeeze %dma_start3A_79 : memref<1x40x128xi32, #tpu.memory_space<hbm>> -> memref<40x128xi32, #tpu.memory_space<hbm>>
      %dma_start3A_81 = arith.constant 0 : i32
      %dma_start3A_82 = arith.constant 0 : i32
      %dma_start3A_83 = tpu.memref_slice %arg4[%add3A_6, %dma_start3A_81, %dma_start3A_82] : memref<64x40x128xi32, #tpu.memory_space<hbm>> -> memref<1x40x128xi32, #tpu.memory_space<hbm>>
      %dma_start3A_84 = tpu.memref_squeeze %dma_start3A_83 : memref<1x40x128xi32, #tpu.memory_space<hbm>> -> memref<40x128xi32, #tpu.memory_space<hbm>>
      tpu.enqueue_dma source(%dma_start3A_84 : memref<40x128xi32, #tpu.memory_space<hbm>>) target(%arg8 : memref<40x128xi32, #tpu.memory_space<vmem>>) target_semaphore(%run_scoped3A : memref<!tpu.dma_semaphore, #tpu.memory_space<semaphore_mem>>)
      %dma_wait3A_85 = arith.constant 0 : i32
      %dma_wait3A_86 = arith.constant 0 : i32
      %dma_wait3A_87 = tpu.memref_slice %arg4[%add3A_6, %dma_wait3A_85, %dma_wait3A_86] : memref<64x40x128xi32, #tpu.memory_space<hbm>> -> memref<1x40x128xi32, #tpu.memory_space<hbm>>
      %dma_wait3A_88 = tpu.memref_squeeze %dma_wait3A_87 : memref<1x40x128xi32, #tpu.memory_space<hbm>> -> memref<40x128xi32, #tpu.memory_space<hbm>>
      %dma_wait3A_89 = arith.constant 0 : i32
      %dma_wait3A_90 = arith.constant 0 : i32
      %dma_wait3A_91 = tpu.memref_slice %arg4[%add3A_6, %dma_wait3A_89, %dma_wait3A_90] : memref<64x40x128xi32, #tpu.memory_space<hbm>> -> memref<1x40x128xi32, #tpu.memory_space<hbm>>
      %dma_wait3A_92 = tpu.memref_squeeze %dma_wait3A_91 : memref<1x40x128xi32, #tpu.memory_space<hbm>> -> memref<40x128xi32, #tpu.memory_space<hbm>>
      tpu.wait_dma2 semaphore(%run_scoped3A : memref<!tpu.dma_semaphore, #tpu.memory_space<semaphore_mem>>) src(%dma_wait3A_92 : memref<40x128xi32, #tpu.memory_space<hbm>>) dst(%arg8 : memref<40x128xi32, #tpu.memory_space<vmem>>)
      tpu.yield
    }) : () -> ()
    %dma_start3A = arith.constant 0 : i32
    %dma_start3A_7 = arith.constant 0 : i32
    %dma_start3A_8 = tpu.memref_slice %arg7[%dma_start3A, %dma_start3A_7] : memref<40x128xi32, #tpu.memory_space<vmem>> -> memref<1x128xi32, #tpu.memory_space<vmem>>
    %dma_start3A_9 = tpu.memref_squeeze %dma_start3A_8 : memref<1x128xi32, #tpu.memory_space<vmem>> -> memref<128xi32, #tpu.memory_space<vmem>>
    %dma_start3A_10 = arith.constant 0 : i32
    %dma_start3A_11 = arith.constant 0 : i32
    %dma_start3A_12 = tpu.memref_slice %arg2[%dma_start3A_10, %dma_start3A_11] : memref<10000x128xf32, #tpu.memory_space<hbm>> -> memref<10000x128xf32, #tpu.memory_space<hbm>>
    tpu.enqueue_indirect_dma source(%dma_start3A_12 : memref<10000x128xf32, #tpu.memory_space<hbm>>) target(%arg9 : memref<128x128xf32, #tpu.memory_space<vmem>>) offsets(%dma_start3A_9 : memref<128xi32, #tpu.memory_space<vmem>>) semaphore(%arg12 : memref<!tpu.dma_semaphore, #tpu.memory_space<semaphore_mem>>)
    %dma_start3A_13 = arith.constant 1 : i32
    %dma_start3A_14 = arith.constant 0 : i32
    %dma_start3A_15 = tpu.memref_slice %arg7[%dma_start3A_13, %dma_start3A_14] : memref<40x128xi32, #tpu.memory_space<vmem>> -> memref<1x128xi32, #tpu.memory_space<vmem>>
    %dma_start3A_16 = tpu.memref_squeeze %dma_start3A_15 : memref<1x128xi32, #tpu.memory_space<vmem>> -> memref<128xi32, #tpu.memory_space<vmem>>
    %dma_start3A_17 = arith.constant 0 : i32
    %dma_start3A_18 = arith.constant 0 : i32
    %dma_start3A_19 = tpu.memref_slice %arg2[%dma_start3A_17, %dma_start3A_18] : memref<10000x128xf32, #tpu.memory_space<hbm>> -> memref<10000x128xf32, #tpu.memory_space<hbm>>
    tpu.enqueue_indirect_dma source(%dma_start3A_19 : memref<10000x128xf32, #tpu.memory_space<hbm>>) target(%arg10 : memref<128x128xf32, #tpu.memory_space<vmem>>) offsets(%dma_start3A_16 : memref<128xi32, #tpu.memory_space<vmem>>) semaphore(%arg13 : memref<!tpu.dma_semaphore, #tpu.memory_space<semaphore_mem>>)
    %scan3A = arith.constant 0 : i32
    %scan3A_20 = arith.constant 0 : i32
    %scan3A_21 = arith.constant 20 : i32
    %scan3A_22 = arith.addi %scan3A_20, %scan3A_21 : i32
    %scan3A_23 = arith.constant 1 : i32
    scf.for %scan3A_77 = %scan3A_20 to %scan3A_22 step %scan3A_23  : i32 {
      %mul3A_78 = arith.constant 2 : i32
      %mul3A_79 = arith.muli %mul3A_78, %scan3A_77 : i32
      %add3A_80 = arith.constant 0 : i32
      %add3A_81 = arith.addi %mul3A_79, %add3A_80 : i32
      %dma_wait3A_82 = arith.constant 0 : i32
      %dma_wait3A_83 = tpu.memref_slice %arg7[%add3A_81, %dma_wait3A_82] : memref<40x128xi32, #tpu.memory_space<vmem>> -> memref<1x128xi32, #tpu.memory_space<vmem>>
      %dma_wait3A_84 = tpu.memref_squeeze %dma_wait3A_83 : memref<1x128xi32, #tpu.memory_space<vmem>> -> memref<128xi32, #tpu.memory_space<vmem>>
      %dma_wait3A_85 = arith.constant 0 : i32
      %dma_wait3A_86 = arith.constant 0 : i32
      %dma_wait3A_87 = tpu.memref_slice %arg2[%dma_wait3A_85, %dma_wait3A_86] : memref<10000x128xf32, #tpu.memory_space<hbm>> -> memref<10000x128xf32, #tpu.memory_space<hbm>>
      tpu.wait_indirect_dma semaphore(%arg12 : memref<!tpu.dma_semaphore, #tpu.memory_space<semaphore_mem>>) src(%dma_wait3A_87 : memref<10000x128xf32, #tpu.memory_space<hbm>>) dst(%arg9 : memref<128x128xf32, #tpu.memory_space<vmem>>)
      "tpu.region"() ({
        %run_scoped3A = tpu.sem_alloc : memref<!tpu.dma_semaphore, #tpu.memory_space<semaphore_mem>>
        %dma_start3A_117 = arith.constant 0 : i32
        %dma_start3A_118 = tpu.memref_slice %arg8[%add3A_81, %dma_start3A_117] : memref<40x128xi32, #tpu.memory_space<vmem>> -> memref<1x128xi32, #tpu.memory_space<vmem>>
        %dma_start3A_119 = tpu.memref_squeeze %dma_start3A_118 : memref<1x128xi32, #tpu.memory_space<vmem>> -> memref<128xi32, #tpu.memory_space<vmem>>
        %dma_start3A_120 = arith.constant 0 : i32
        %dma_start3A_121 = arith.constant 0 : i32
        %dma_start3A_122 = tpu.memref_slice %arg11[%dma_start3A_120, %dma_start3A_121] : memref<10112x128xf32, #tpu.memory_space<vmem_shared>> -> memref<10112x128xf32, #tpu.memory_space<vmem_shared>>
        tpu.enqueue_indirect_dma source(%arg9 : memref<128x128xf32, #tpu.memory_space<vmem>>) target(%dma_start3A_122 : memref<10112x128xf32, #tpu.memory_space<vmem_shared>>) offsets(%dma_start3A_119 : memref<128xi32, #tpu.memory_space<vmem>>) semaphore(%run_scoped3A : memref<!tpu.dma_semaphore, #tpu.memory_space<semaphore_mem>>) {add = true}
        %dma_wait3A_123 = arith.constant 0 : i32
        %dma_wait3A_124 = tpu.memref_slice %arg8[%add3A_81, %dma_wait3A_123] : memref<40x128xi32, #tpu.memory_space<vmem>> -> memref<1x128xi32, #tpu.memory_space<vmem>>
        %dma_wait3A_125 = tpu.memref_squeeze %dma_wait3A_124 : memref<1x128xi32, #tpu.memory_space<vmem>> -> memref<128xi32, #tpu.memory_space<vmem>>
        %dma_wait3A_126 = arith.constant 0 : i32
        %dma_wait3A_127 = arith.constant 0 : i32
        %dma_wait3A_128 = tpu.memref_slice %arg11[%dma_wait3A_126, %dma_wait3A_127] : memref<10112x128xf32, #tpu.memory_space<vmem_shared>> -> memref<10112x128xf32, #tpu.memory_space<vmem_shared>>
        tpu.wait_indirect_dma semaphore(%run_scoped3A : memref<!tpu.dma_semaphore, #tpu.memory_space<semaphore_mem>>) src(%arg9 : memref<128x128xf32, #tpu.memory_space<vmem>>) dst(%dma_wait3A_128 : memref<10112x128xf32, #tpu.memory_space<vmem_shared>>)
        tpu.yield
      }) : () -> ()
      %add3A_88 = arith.constant 2 : i32
      %add3A_89 = arith.addi %add3A_81, %add3A_88 : i32
      %min3A = arith.constant 38 : i32
      %min3A_90 = arith.minsi %add3A_89, %min3A : i32
      %dma_start3A_91 = arith.constant 0 : i32
      %dma_start3A_92 = tpu.memref_slice %arg7[%min3A_90, %dma_start3A_91] : memref<40x128xi32, #tpu.memory_space<vmem>> -> memref<1x128xi32, #tpu.memory_space<vmem>>
      %dma_start3A_93 = tpu.memref_squeeze %dma_start3A_92 : memref<1x128xi32, #tpu.memory_space<vmem>> -> memref<128xi32, #tpu.memory_space<vmem>>
      %dma_start3A_94 = arith.constant 0 : i32
      %dma_start3A_95 = arith.constant 0 : i32
      %dma_start3A_96 = tpu.memref_slice %arg2[%dma_start3A_94, %dma_start3A_95] : memref<10000x128xf32, #tpu.memory_space<hbm>> -> memref<10000x128xf32, #tpu.memory_space<hbm>>
      tpu.enqueue_indirect_dma source(%dma_start3A_96 : memref<10000x128xf32, #tpu.memory_space<hbm>>) target(%arg9 : memref<128x128xf32, #tpu.memory_space<vmem>>) offsets(%dma_start3A_93 : memref<128xi32, #tpu.memory_space<vmem>>) semaphore(%arg12 : memref<!tpu.dma_semaphore, #tpu.memory_space<semaphore_mem>>)
      %mul3A_97 = arith.constant 2 : i32
      %mul3A_98 = arith.muli %mul3A_97, %scan3A_77 : i32
      %add3A_99 = arith.constant 1 : i32
      %add3A_100 = arith.addi %mul3A_98, %add3A_99 : i32
      %dma_wait3A_101 = arith.constant 0 : i32
      %dma_wait3A_102 = tpu.memref_slice %arg7[%add3A_100, %dma_wait3A_101] : memref<40x128xi32, #tpu.memory_space<vmem>> -> memref<1x128xi32, #tpu.memory_space<vmem>>
      %dma_wait3A_103 = tpu.memref_squeeze %dma_wait3A_102 : memref<1x128xi32, #tpu.memory_space<vmem>> -> memref<128xi32, #tpu.memory_space<vmem>>
      %dma_wait3A_104 = arith.constant 0 : i32
      %dma_wait3A_105 = arith.constant 0 : i32
      %dma_wait3A_106 = tpu.memref_slice %arg2[%dma_wait3A_104, %dma_wait3A_105] : memref<10000x128xf32, #tpu.memory_space<hbm>> -> memref<10000x128xf32, #tpu.memory_space<hbm>>
      tpu.wait_indirect_dma semaphore(%arg13 : memref<!tpu.dma_semaphore, #tpu.memory_space<semaphore_mem>>) src(%dma_wait3A_106 : memref<10000x128xf32, #tpu.memory_space<hbm>>) dst(%arg10 : memref<128x128xf32, #tpu.memory_space<vmem>>)
      "tpu.region"() ({
        %run_scoped3A = tpu.sem_alloc : memref<!tpu.dma_semaphore, #tpu.memory_space<semaphore_mem>>
        %dma_start3A_117 = arith.constant 0 : i32
        %dma_start3A_118 = tpu.memref_slice %arg8[%add3A_100, %dma_start3A_117] : memref<40x128xi32, #tpu.memory_space<vmem>> -> memref<1x128xi32, #tpu.memory_space<vmem>>
        %dma_start3A_119 = tpu.memref_squeeze %dma_start3A_118 : memref<1x128xi32, #tpu.memory_space<vmem>> -> memref<128xi32, #tpu.memory_space<vmem>>
        %dma_start3A_120 = arith.constant 0 : i32
        %dma_start3A_121 = arith.constant 0 : i32
        %dma_start3A_122 = tpu.memref_slice %arg11[%dma_start3A_120, %dma_start3A_121] : memref<10112x128xf32, #tpu.memory_space<vmem_shared>> -> memref<10112x128xf32, #tpu.memory_space<vmem_shared>>
        tpu.enqueue_indirect_dma source(%arg10 : memref<128x128xf32, #tpu.memory_space<vmem>>) target(%dma_start3A_122 : memref<10112x128xf32, #tpu.memory_space<vmem_shared>>) offsets(%dma_start3A_119 : memref<128xi32, #tpu.memory_space<vmem>>) semaphore(%run_scoped3A : memref<!tpu.dma_semaphore, #tpu.memory_space<semaphore_mem>>) {add = true}
        %dma_wait3A_123 = arith.constant 0 : i32
        %dma_wait3A_124 = tpu.memref_slice %arg8[%add3A_100, %dma_wait3A_123] : memref<40x128xi32, #tpu.memory_space<vmem>> -> memref<1x128xi32, #tpu.memory_space<vmem>>
        %dma_wait3A_125 = tpu.memref_squeeze %dma_wait3A_124 : memref<1x128xi32, #tpu.memory_space<vmem>> -> memref<128xi32, #tpu.memory_space<vmem>>
        %dma_wait3A_126 = arith.constant 0 : i32
        %dma_wait3A_127 = arith.constant 0 : i32
        %dma_wait3A_128 = tpu.memref_slice %arg11[%dma_wait3A_126, %dma_wait3A_127] : memref<10112x128xf32, #tpu.memory_space<vmem_shared>> -> memref<10112x128xf32, #tpu.memory_space<vmem_shared>>
        tpu.wait_indirect_dma semaphore(%run_scoped3A : memref<!tpu.dma_semaphore, #tpu.memory_space<semaphore_mem>>) src(%arg10 : memref<128x128xf32, #tpu.memory_space<vmem>>) dst(%dma_wait3A_128 : memref<10112x128xf32, #tpu.memory_space<vmem_shared>>)
        tpu.yield
      }) : () -> ()
      %add3A_107 = arith.constant 2 : i32
      %add3A_108 = arith.addi %add3A_100, %add3A_107 : i32
      %min3A_109 = arith.constant 39 : i32
      %min3A_110 = arith.minsi %add3A_108, %min3A_109 : i32
      %dma_start3A_111 = arith.constant 0 : i32
      %dma_start3A_112 = tpu.memref_slice %arg7[%min3A_110, %dma_start3A_111] : memref<40x128xi32, #tpu.memory_space<vmem>> -> memref<1x128xi32, #tpu.memory_space<vmem>>
      %dma_start3A_113 = tpu.memref_squeeze %dma_start3A_112 : memref<1x128xi32, #tpu.memory_space<vmem>> -> memref<128xi32, #tpu.memory_space<vmem>>
      %dma_start3A_114 = arith.constant 0 : i32
      %dma_start3A_115 = arith.constant 0 : i32
      %dma_start3A_116 = tpu.memref_slice %arg2[%dma_start3A_114, %dma_start3A_115] : memref<10000x128xf32, #tpu.memory_space<hbm>> -> memref<10000x128xf32, #tpu.memory_space<hbm>>
      tpu.enqueue_indirect_dma source(%dma_start3A_116 : memref<10000x128xf32, #tpu.memory_space<hbm>>) target(%arg10 : memref<128x128xf32, #tpu.memory_space<vmem>>) offsets(%dma_start3A_113 : memref<128xi32, #tpu.memory_space<vmem>>) semaphore(%arg13 : memref<!tpu.dma_semaphore, #tpu.memory_space<semaphore_mem>>)
    }
    %scan3A_24 = arith.constant 20 : i32
    %dma_wait3A = arith.constant 38 : i32
    %dma_wait3A_25 = arith.constant 0 : i32
    %dma_wait3A_26 = tpu.memref_slice %arg7[%dma_wait3A, %dma_wait3A_25] : memref<40x128xi32, #tpu.memory_space<vmem>> -> memref<1x128xi32, #tpu.memory_space<vmem>>
    %dma_wait3A_27 = tpu.memref_squeeze %dma_wait3A_26 : memref<1x128xi32, #tpu.memory_space<vmem>> -> memref<128xi32, #tpu.memory_space<vmem>>
    %dma_wait3A_28 = arith.constant 0 : i32
    %dma_wait3A_29 = arith.constant 0 : i32
    %dma_wait3A_30 = tpu.memref_slice %arg2[%dma_wait3A_28, %dma_wait3A_29] : memref<10000x128xf32, #tpu.memory_space<hbm>> -> memref<10000x128xf32, #tpu.memory_space<hbm>>
    tpu.wait_indirect_dma semaphore(%arg12 : memref<!tpu.dma_semaphore, #tpu.memory_space<semaphore_mem>>) src(%dma_wait3A_30 : memref<10000x128xf32, #tpu.memory_space<hbm>>) dst(%arg9 : memref<128x128xf32, #tpu.memory_space<vmem>>)
    %dma_wait3A_31 = arith.constant 39 : i32
    %dma_wait3A_32 = arith.constant 0 : i32
    %dma_wait3A_33 = tpu.memref_slice %arg7[%dma_wait3A_31, %dma_wait3A_32] : memref<40x128xi32, #tpu.memory_space<vmem>> -> memref<1x128xi32, #tpu.memory_space<vmem>>
    %dma_wait3A_34 = tpu.memref_squeeze %dma_wait3A_33 : memref<1x128xi32, #tpu.memory_space<vmem>> -> memref<128xi32, #tpu.memory_space<vmem>>
    %dma_wait3A_35 = arith.constant 0 : i32
    %dma_wait3A_36 = arith.constant 0 : i32
    %dma_wait3A_37 = tpu.memref_slice %arg2[%dma_wait3A_35, %dma_wait3A_36] : memref<10000x128xf32, #tpu.memory_space<hbm>> -> memref<10000x128xf32, #tpu.memory_space<hbm>>
    tpu.wait_indirect_dma semaphore(%arg13 : memref<!tpu.dma_semaphore, #tpu.memory_space<semaphore_mem>>) src(%dma_wait3A_37 : memref<10000x128xf32, #tpu.memory_space<hbm>>) dst(%arg10 : memref<128x128xf32, #tpu.memory_space<vmem>>)
    %mul3A_38 = arith.constant 2 : i32
    %mul3A_39 = arith.muli %add3A, %mul3A_38 : i32
    %add3A_40 = arith.constant 1 : i32
    %add3A_41 = arith.addi %mul3A_39, %add3A_40 : i32
    "tpu.region"() ({
      %run_scoped3A = tpu.sem_alloc : memref<!tpu.dma_semaphore, #tpu.memory_space<semaphore_mem>>
      %dma_start3A_77 = arith.constant 0 : i32
      %dma_start3A_78 = arith.constant 0 : i32
      %dma_start3A_79 = tpu.memref_slice %arg3[%add3A_41, %dma_start3A_77, %dma_start3A_78] : memref<64x40x128xi32, #tpu.memory_space<hbm>> -> memref<1x40x128xi32, #tpu.memory_space<hbm>>
      %dma_start3A_80 = tpu.memref_squeeze %dma_start3A_79 : memref<1x40x128xi32, #tpu.memory_space<hbm>> -> memref<40x128xi32, #tpu.memory_space<hbm>>
      %dma_start3A_81 = arith.constant 0 : i32
      %dma_start3A_82 = arith.constant 0 : i32
      %dma_start3A_83 = tpu.memref_slice %arg3[%add3A_41, %dma_start3A_81, %dma_start3A_82] : memref<64x40x128xi32, #tpu.memory_space<hbm>> -> memref<1x40x128xi32, #tpu.memory_space<hbm>>
      %dma_start3A_84 = tpu.memref_squeeze %dma_start3A_83 : memref<1x40x128xi32, #tpu.memory_space<hbm>> -> memref<40x128xi32, #tpu.memory_space<hbm>>
      tpu.enqueue_dma source(%dma_start3A_84 : memref<40x128xi32, #tpu.memory_space<hbm>>) target(%arg7 : memref<40x128xi32, #tpu.memory_space<vmem>>) target_semaphore(%run_scoped3A : memref<!tpu.dma_semaphore, #tpu.memory_space<semaphore_mem>>)
      %dma_wait3A_85 = arith.constant 0 : i32
      %dma_wait3A_86 = arith.constant 0 : i32
      %dma_wait3A_87 = tpu.memref_slice %arg3[%add3A_41, %dma_wait3A_85, %dma_wait3A_86] : memref<64x40x128xi32, #tpu.memory_space<hbm>> -> memref<1x40x128xi32, #tpu.memory_space<hbm>>
      %dma_wait3A_88 = tpu.memref_squeeze %dma_wait3A_87 : memref<1x40x128xi32, #tpu.memory_space<hbm>> -> memref<40x128xi32, #tpu.memory_space<hbm>>
      %dma_wait3A_89 = arith.constant 0 : i32
      %dma_wait3A_90 = arith.constant 0 : i32
      %dma_wait3A_91 = tpu.memref_slice %arg3[%add3A_41, %dma_wait3A_89, %dma_wait3A_90] : memref<64x40x128xi32, #tpu.memory_space<hbm>> -> memref<1x40x128xi32, #tpu.memory_space<hbm>>
      %dma_wait3A_92 = tpu.memref_squeeze %dma_wait3A_91 : memref<1x40x128xi32, #tpu.memory_space<hbm>> -> memref<40x128xi32, #tpu.memory_space<hbm>>
      tpu.wait_dma2 semaphore(%run_scoped3A : memref<!tpu.dma_semaphore, #tpu.memory_space<semaphore_mem>>) src(%dma_wait3A_92 : memref<40x128xi32, #tpu.memory_space<hbm>>) dst(%arg7 : memref<40x128xi32, #tpu.memory_space<vmem>>)
      tpu.yield
    }) : () -> ()
    "tpu.region"() ({
      %run_scoped3A = tpu.sem_alloc : memref<!tpu.dma_semaphore, #tpu.memory_space<semaphore_mem>>
      %dma_start3A_77 = arith.constant 0 : i32
      %dma_start3A_78 = arith.constant 0 : i32
      %dma_start3A_79 = tpu.memref_slice %arg4[%add3A_41, %dma_start3A_77, %dma_start3A_78] : memref<64x40x128xi32, #tpu.memory_space<hbm>> -> memref<1x40x128xi32, #tpu.memory_space<hbm>>
      %dma_start3A_80 = tpu.memref_squeeze %dma_start3A_79 : memref<1x40x128xi32, #tpu.memory_space<hbm>> -> memref<40x128xi32, #tpu.memory_space<hbm>>
      %dma_start3A_81 = arith.constant 0 : i32
      %dma_start3A_82 = arith.constant 0 : i32
      %dma_start3A_83 = tpu.memref_slice %arg4[%add3A_41, %dma_start3A_81, %dma_start3A_82] : memref<64x40x128xi32, #tpu.memory_space<hbm>> -> memref<1x40x128xi32, #tpu.memory_space<hbm>>
      %dma_start3A_84 = tpu.memref_squeeze %dma_start3A_83 : memref<1x40x128xi32, #tpu.memory_space<hbm>> -> memref<40x128xi32, #tpu.memory_space<hbm>>
      tpu.enqueue_dma source(%dma_start3A_84 : memref<40x128xi32, #tpu.memory_space<hbm>>) target(%arg8 : memref<40x128xi32, #tpu.memory_space<vmem>>) target_semaphore(%run_scoped3A : memref<!tpu.dma_semaphore, #tpu.memory_space<semaphore_mem>>)
      %dma_wait3A_85 = arith.constant 0 : i32
      %dma_wait3A_86 = arith.constant 0 : i32
      %dma_wait3A_87 = tpu.memref_slice %arg4[%add3A_41, %dma_wait3A_85, %dma_wait3A_86] : memref<64x40x128xi32, #tpu.memory_space<hbm>> -> memref<1x40x128xi32, #tpu.memory_space<hbm>>
      %dma_wait3A_88 = tpu.memref_squeeze %dma_wait3A_87 : memref<1x40x128xi32, #tpu.memory_space<hbm>> -> memref<40x128xi32, #tpu.memory_space<hbm>>
      %dma_wait3A_89 = arith.constant 0 : i32
      %dma_wait3A_90 = arith.constant 0 : i32
      %dma_wait3A_91 = tpu.memref_slice %arg4[%add3A_41, %dma_wait3A_89, %dma_wait3A_90] : memref<64x40x128xi32, #tpu.memory_space<hbm>> -> memref<1x40x128xi32, #tpu.memory_space<hbm>>
      %dma_wait3A_92 = tpu.memref_squeeze %dma_wait3A_91 : memref<1x40x128xi32, #tpu.memory_space<hbm>> -> memref<40x128xi32, #tpu.memory_space<hbm>>
      tpu.wait_dma2 semaphore(%run_scoped3A : memref<!tpu.dma_semaphore, #tpu.memory_space<semaphore_mem>>) src(%dma_wait3A_92 : memref<40x128xi32, #tpu.memory_space<hbm>>) dst(%arg8 : memref<40x128xi32, #tpu.memory_space<vmem>>)
      tpu.yield
    }) : () -> ()
    %dma_start3A_42 = arith.constant 0 : i32
    %dma_start3A_43 = arith.constant 0 : i32
    %dma_start3A_44 = tpu.memref_slice %arg7[%dma_start3A_42, %dma_start3A_43] : memref<40x128xi32, #tpu.memory_space<vmem>> -> memref<1x128xi32, #tpu.memory_space<vmem>>
    %dma_start3A_45 = tpu.memref_squeeze %dma_start3A_44 : memref<1x128xi32, #tpu.memory_space<vmem>> -> memref<128xi32, #tpu.memory_space<vmem>>
    %dma_start3A_46 = arith.constant 0 : i32
    %dma_start3A_47 = arith.constant 0 : i32
    %dma_start3A_48 = tpu.memref_slice %arg2[%dma_start3A_46, %dma_start3A_47] : memref<10000x128xf32, #tpu.memory_space<hbm>> -> memref<10000x128xf32, #tpu.memory_space<hbm>>
    tpu.enqueue_indirect_dma source(%dma_start3A_48 : memref<10000x128xf32, #tpu.memory_space<hbm>>) target(%arg9 : memref<128x128xf32, #tpu.memory_space<vmem>>) offsets(%dma_start3A_45 : memref<128xi32, #tpu.memory_space<vmem>>) semaphore(%arg12 : memref<!tpu.dma_semaphore, #tpu.memory_space<semaphore_mem>>)
    %dma_start3A_49 = arith.constant 1 : i32
    %dma_start3A_50 = arith.constant 0 : i32
    %dma_start3A_51 = tpu.memref_slice %arg7[%dma_start3A_49, %dma_start3A_50] : memref<40x128xi32, #tpu.memory_space<vmem>> -> memref<1x128xi32, #tpu.memory_space<vmem>>
    %dma_start3A_52 = tpu.memref_squeeze %dma_start3A_51 : memref<1x128xi32, #tpu.memory_space<vmem>> -> memref<128xi32, #tpu.memory_space<vmem>>
    %dma_start3A_53 = arith.constant 0 : i32
    %dma_start3A_54 = arith.constant 0 : i32
    %dma_start3A_55 = tpu.memref_slice %arg2[%dma_start3A_53, %dma_start3A_54] : memref<10000x128xf32, #tpu.memory_space<hbm>> -> memref<10000x128xf32, #tpu.memory_space<hbm>>
    tpu.enqueue_indirect_dma source(%dma_start3A_55 : memref<10000x128xf32, #tpu.memory_space<hbm>>) target(%arg10 : memref<128x128xf32, #tpu.memory_space<vmem>>) offsets(%dma_start3A_52 : memref<128xi32, #tpu.memory_space<vmem>>) semaphore(%arg13 : memref<!tpu.dma_semaphore, #tpu.memory_space<semaphore_mem>>)
    %scan3A_56 = arith.constant 0 : i32
    %scan3A_57 = arith.constant 0 : i32
    %scan3A_58 = arith.constant 20 : i32
    %scan3A_59 = arith.addi %scan3A_57, %scan3A_58 : i32
    %scan3A_60 = arith.constant 1 : i32
    scf.for %scan3A_77 = %scan3A_57 to %scan3A_59 step %scan3A_60  : i32 {
      %mul3A_78 = arith.constant 2 : i32
      %mul3A_79 = arith.muli %mul3A_78, %scan3A_77 : i32
      %add3A_80 = arith.constant 0 : i32
      %add3A_81 = arith.addi %mul3A_79, %add3A_80 : i32
      %dma_wait3A_82 = arith.constant 0 : i32
      %dma_wait3A_83 = tpu.memref_slice %arg7[%add3A_81, %dma_wait3A_82] : memref<40x128xi32, #tpu.memory_space<vmem>> -> memref<1x128xi32, #tpu.memory_space<vmem>>
      %dma_wait3A_84 = tpu.memref_squeeze %dma_wait3A_83 : memref<1x128xi32, #tpu.memory_space<vmem>> -> memref<128xi32, #tpu.memory_space<vmem>>
      %dma_wait3A_85 = arith.constant 0 : i32
      %dma_wait3A_86 = arith.constant 0 : i32
      %dma_wait3A_87 = tpu.memref_slice %arg2[%dma_wait3A_85, %dma_wait3A_86] : memref<10000x128xf32, #tpu.memory_space<hbm>> -> memref<10000x128xf32, #tpu.memory_space<hbm>>
      tpu.wait_indirect_dma semaphore(%arg12 : memref<!tpu.dma_semaphore, #tpu.memory_space<semaphore_mem>>) src(%dma_wait3A_87 : memref<10000x128xf32, #tpu.memory_space<hbm>>) dst(%arg9 : memref<128x128xf32, #tpu.memory_space<vmem>>)
      "tpu.region"() ({
        %run_scoped3A = tpu.sem_alloc : memref<!tpu.dma_semaphore, #tpu.memory_space<semaphore_mem>>
        %dma_start3A_117 = arith.constant 0 : i32
        %dma_start3A_118 = tpu.memref_slice %arg8[%add3A_81, %dma_start3A_117] : memref<40x128xi32, #tpu.memory_space<vmem>> -> memref<1x128xi32, #tpu.memory_space<vmem>>
        %dma_start3A_119 = tpu.memref_squeeze %dma_start3A_118 : memref<1x128xi32, #tpu.memory_space<vmem>> -> memref<128xi32, #tpu.memory_space<vmem>>
        %dma_start3A_120 = arith.constant 0 : i32
        %dma_start3A_121 = arith.constant 0 : i32
        %dma_start3A_122 = tpu.memref_slice %arg11[%dma_start3A_120, %dma_start3A_121] : memref<10112x128xf32, #tpu.memory_space<vmem_shared>> -> memref<10112x128xf32, #tpu.memory_space<vmem_shared>>
        tpu.enqueue_indirect_dma source(%arg9 : memref<128x128xf32, #tpu.memory_space<vmem>>) target(%dma_start3A_122 : memref<10112x128xf32, #tpu.memory_space<vmem_shared>>) offsets(%dma_start3A_119 : memref<128xi32, #tpu.memory_space<vmem>>) semaphore(%run_scoped3A : memref<!tpu.dma_semaphore, #tpu.memory_space<semaphore_mem>>) {add = true}
        %dma_wait3A_123 = arith.constant 0 : i32
        %dma_wait3A_124 = tpu.memref_slice %arg8[%add3A_81, %dma_wait3A_123] : memref<40x128xi32, #tpu.memory_space<vmem>> -> memref<1x128xi32, #tpu.memory_space<vmem>>
        %dma_wait3A_125 = tpu.memref_squeeze %dma_wait3A_124 : memref<1x128xi32, #tpu.memory_space<vmem>> -> memref<128xi32, #tpu.memory_space<vmem>>
        %dma_wait3A_126 = arith.constant 0 : i32
        %dma_wait3A_127 = arith.constant 0 : i32
        %dma_wait3A_128 = tpu.memref_slice %arg11[%dma_wait3A_126, %dma_wait3A_127] : memref<10112x128xf32, #tpu.memory_space<vmem_shared>> -> memref<10112x128xf32, #tpu.memory_space<vmem_shared>>
        tpu.wait_indirect_dma semaphore(%run_scoped3A : memref<!tpu.dma_semaphore, #tpu.memory_space<semaphore_mem>>) src(%arg9 : memref<128x128xf32, #tpu.memory_space<vmem>>) dst(%dma_wait3A_128 : memref<10112x128xf32, #tpu.memory_space<vmem_shared>>)
        tpu.yield
      }) : () -> ()
      %add3A_88 = arith.constant 2 : i32
      %add3A_89 = arith.addi %add3A_81, %add3A_88 : i32
      %min3A = arith.constant 38 : i32
      %min3A_90 = arith.minsi %add3A_89, %min3A : i32
      %dma_start3A_91 = arith.constant 0 : i32
      %dma_start3A_92 = tpu.memref_slice %arg7[%min3A_90, %dma_start3A_91] : memref<40x128xi32, #tpu.memory_space<vmem>> -> memref<1x128xi32, #tpu.memory_space<vmem>>
      %dma_start3A_93 = tpu.memref_squeeze %dma_start3A_92 : memref<1x128xi32, #tpu.memory_space<vmem>> -> memref<128xi32, #tpu.memory_space<vmem>>
      %dma_start3A_94 = arith.constant 0 : i32
      %dma_start3A_95 = arith.constant 0 : i32
      %dma_start3A_96 = tpu.memref_slice %arg2[%dma_start3A_94, %dma_start3A_95] : memref<10000x128xf32, #tpu.memory_space<hbm>> -> memref<10000x128xf32, #tpu.memory_space<hbm>>
      tpu.enqueue_indirect_dma source(%dma_start3A_96 : memref<10000x128xf32, #tpu.memory_space<hbm>>) target(%arg9 : memref<128x128xf32, #tpu.memory_space<vmem>>) offsets(%dma_start3A_93 : memref<128xi32, #tpu.memory_space<vmem>>) semaphore(%arg12 : memref<!tpu.dma_semaphore, #tpu.memory_space<semaphore_mem>>)
      %mul3A_97 = arith.constant 2 : i32
      %mul3A_98 = arith.muli %mul3A_97, %scan3A_77 : i32
      %add3A_99 = arith.constant 1 : i32
      %add3A_100 = arith.addi %mul3A_98, %add3A_99 : i32
      %dma_wait3A_101 = arith.constant 0 : i32
      %dma_wait3A_102 = tpu.memref_slice %arg7[%add3A_100, %dma_wait3A_101] : memref<40x128xi32, #tpu.memory_space<vmem>> -> memref<1x128xi32, #tpu.memory_space<vmem>>
      %dma_wait3A_103 = tpu.memref_squeeze %dma_wait3A_102 : memref<1x128xi32, #tpu.memory_space<vmem>> -> memref<128xi32, #tpu.memory_space<vmem>>
      %dma_wait3A_104 = arith.constant 0 : i32
      %dma_wait3A_105 = arith.constant 0 : i32
      %dma_wait3A_106 = tpu.memref_slice %arg2[%dma_wait3A_104, %dma_wait3A_105] : memref<10000x128xf32, #tpu.memory_space<hbm>> -> memref<10000x128xf32, #tpu.memory_space<hbm>>
      tpu.wait_indirect_dma semaphore(%arg13 : memref<!tpu.dma_semaphore, #tpu.memory_space<semaphore_mem>>) src(%dma_wait3A_106 : memref<10000x128xf32, #tpu.memory_space<hbm>>) dst(%arg10 : memref<128x128xf32, #tpu.memory_space<vmem>>)
      "tpu.region"() ({
        %run_scoped3A = tpu.sem_alloc : memref<!tpu.dma_semaphore, #tpu.memory_space<semaphore_mem>>
        %dma_start3A_117 = arith.constant 0 : i32
        %dma_start3A_118 = tpu.memref_slice %arg8[%add3A_100, %dma_start3A_117] : memref<40x128xi32, #tpu.memory_space<vmem>> -> memref<1x128xi32, #tpu.memory_space<vmem>>
        %dma_start3A_119 = tpu.memref_squeeze %dma_start3A_118 : memref<1x128xi32, #tpu.memory_space<vmem>> -> memref<128xi32, #tpu.memory_space<vmem>>
        %dma_start3A_120 = arith.constant 0 : i32
        %dma_start3A_121 = arith.constant 0 : i32
        %dma_start3A_122 = tpu.memref_slice %arg11[%dma_start3A_120, %dma_start3A_121] : memref<10112x128xf32, #tpu.memory_space<vmem_shared>> -> memref<10112x128xf32, #tpu.memory_space<vmem_shared>>
        tpu.enqueue_indirect_dma source(%arg10 : memref<128x128xf32, #tpu.memory_space<vmem>>) target(%dma_start3A_122 : memref<10112x128xf32, #tpu.memory_space<vmem_shared>>) offsets(%dma_start3A_119 : memref<128xi32, #tpu.memory_space<vmem>>) semaphore(%run_scoped3A : memref<!tpu.dma_semaphore, #tpu.memory_space<semaphore_mem>>) {add = true}
        %dma_wait3A_123 = arith.constant 0 : i32
        %dma_wait3A_124 = tpu.memref_slice %arg8[%add3A_100, %dma_wait3A_123] : memref<40x128xi32, #tpu.memory_space<vmem>> -> memref<1x128xi32, #tpu.memory_space<vmem>>
        %dma_wait3A_125 = tpu.memref_squeeze %dma_wait3A_124 : memref<1x128xi32, #tpu.memory_space<vmem>> -> memref<128xi32, #tpu.memory_space<vmem>>
        %dma_wait3A_126 = arith.constant 0 : i32
        %dma_wait3A_127 = arith.constant 0 : i32
        %dma_wait3A_128 = tpu.memref_slice %arg11[%dma_wait3A_126, %dma_wait3A_127] : memref<10112x128xf32, #tpu.memory_space<vmem_shared>> -> memref<10112x128xf32, #tpu.memory_space<vmem_shared>>
        tpu.wait_indirect_dma semaphore(%run_scoped3A : memref<!tpu.dma_semaphore, #tpu.memory_space<semaphore_mem>>) src(%arg10 : memref<128x128xf32, #tpu.memory_space<vmem>>) dst(%dma_wait3A_128 : memref<10112x128xf32, #tpu.memory_space<vmem_shared>>)
        tpu.yield
      }) : () -> ()
      %add3A_107 = arith.constant 2 : i32
      %add3A_108 = arith.addi %add3A_100, %add3A_107 : i32
      %min3A_109 = arith.constant 39 : i32
      %min3A_110 = arith.minsi %add3A_108, %min3A_109 : i32
      %dma_start3A_111 = arith.constant 0 : i32
      %dma_start3A_112 = tpu.memref_slice %arg7[%min3A_110, %dma_start3A_111] : memref<40x128xi32, #tpu.memory_space<vmem>> -> memref<1x128xi32, #tpu.memory_space<vmem>>
      %dma_start3A_113 = tpu.memref_squeeze %dma_start3A_112 : memref<1x128xi32, #tpu.memory_space<vmem>> -> memref<128xi32, #tpu.memory_space<vmem>>
      %dma_start3A_114 = arith.constant 0 : i32
      %dma_start3A_115 = arith.constant 0 : i32
      %dma_start3A_116 = tpu.memref_slice %arg2[%dma_start3A_114, %dma_start3A_115] : memref<10000x128xf32, #tpu.memory_space<hbm>> -> memref<10000x128xf32, #tpu.memory_space<hbm>>
      tpu.enqueue_indirect_dma source(%dma_start3A_116 : memref<10000x128xf32, #tpu.memory_space<hbm>>) target(%arg10 : memref<128x128xf32, #tpu.memory_space<vmem>>) offsets(%dma_start3A_113 : memref<128xi32, #tpu.memory_space<vmem>>) semaphore(%arg13 : memref<!tpu.dma_semaphore, #tpu.memory_space<semaphore_mem>>)
    }
    %scan3A_61 = arith.constant 20 : i32
    %dma_wait3A_62 = arith.constant 38 : i32
    %dma_wait3A_63 = arith.constant 0 : i32
    %dma_wait3A_64 = tpu.memref_slice %arg7[%dma_wait3A_62, %dma_wait3A_63] : memref<40x128xi32, #tpu.memory_space<vmem>> -> memref<1x128xi32, #tpu.memory_space<vmem>>
    %dma_wait3A_65 = tpu.memref_squeeze %dma_wait3A_64 : memref<1x128xi32, #tpu.memory_space<vmem>> -> memref<128xi32, #tpu.memory_space<vmem>>
    %dma_wait3A_66 = arith.constant 0 : i32
    %dma_wait3A_67 = arith.constant 0 : i32
    %dma_wait3A_68 = tpu.memref_slice %arg2[%dma_wait3A_66, %dma_wait3A_67] : memref<10000x128xf32, #tpu.memory_space<hbm>> -> memref<10000x128xf32, #tpu.memory_space<hbm>>
    tpu.wait_indirect_dma semaphore(%arg12 : memref<!tpu.dma_semaphore, #tpu.memory_space<semaphore_mem>>) src(%dma_wait3A_68 : memref<10000x128xf32, #tpu.memory_space<hbm>>) dst(%arg9 : memref<128x128xf32, #tpu.memory_space<vmem>>)
    %dma_wait3A_69 = arith.constant 39 : i32
    %dma_wait3A_70 = arith.constant 0 : i32
    %dma_wait3A_71 = tpu.memref_slice %arg7[%dma_wait3A_69, %dma_wait3A_70] : memref<40x128xi32, #tpu.memory_space<vmem>> -> memref<1x128xi32, #tpu.memory_space<vmem>>
    %dma_wait3A_72 = tpu.memref_squeeze %dma_wait3A_71 : memref<1x128xi32, #tpu.memory_space<vmem>> -> memref<128xi32, #tpu.memory_space<vmem>>
    %dma_wait3A_73 = arith.constant 0 : i32
    %dma_wait3A_74 = arith.constant 0 : i32
    %dma_wait3A_75 = tpu.memref_slice %arg2[%dma_wait3A_73, %dma_wait3A_74] : memref<10000x128xf32, #tpu.memory_space<hbm>> -> memref<10000x128xf32, #tpu.memory_space<hbm>>
    tpu.wait_indirect_dma semaphore(%arg13 : memref<!tpu.dma_semaphore, #tpu.memory_space<semaphore_mem>>) src(%dma_wait3A_75 : memref<10000x128xf32, #tpu.memory_space<hbm>>) dst(%arg10 : memref<128x128xf32, #tpu.memory_space<vmem>>)
    %barrier3A_76 = arith.constant 0 : index
    tpu.barrier barrier_id(%barrier3A_76)
    "tpu.region"() ({
      %run_scoped3A = tpu.sem_alloc : memref<!tpu.dma_semaphore, #tpu.memory_space<semaphore_mem>>
      %dma_start3A_77 = arith.constant 0 : i32
      %dma_start3A_78 = tpu.memref_slice %arg6[%arg0, %mul3A_2, %dma_start3A_77] : memref<2x10112x128xf32, #tpu.memory_space<hbm>> -> memref<1x632x128xf32, #tpu.memory_space<hbm>>
      %dma_start3A_79 = tpu.memref_squeeze %dma_start3A_78 : memref<1x632x128xf32, #tpu.memory_space<hbm>> -> memref<632x128xf32, #tpu.memory_space<hbm>>
      %dma_start3A_80 = arith.constant 0 : i32
      %dma_start3A_81 = tpu.memref_slice %arg11[%mul3A_2, %dma_start3A_80] : memref<10112x128xf32, #tpu.memory_space<vmem_shared>> -> memref<632x128xf32, #tpu.memory_space<vmem_shared>>
      tpu.enqueue_dma source(%dma_start3A_81 : memref<632x128xf32, #tpu.memory_space<vmem_shared>>) target(%dma_start3A_79 : memref<632x128xf32, #tpu.memory_space<hbm>>) target_semaphore(%run_scoped3A : memref<!tpu.dma_semaphore, #tpu.memory_space<semaphore_mem>>)
      %dma_wait3A_82 = arith.constant 0 : i32
      %dma_wait3A_83 = tpu.memref_slice %arg6[%arg0, %mul3A_2, %dma_wait3A_82] : memref<2x10112x128xf32, #tpu.memory_space<hbm>> -> memref<1x632x128xf32, #tpu.memory_space<hbm>>
      %dma_wait3A_84 = tpu.memref_squeeze %dma_wait3A_83 : memref<1x632x128xf32, #tpu.memory_space<hbm>> -> memref<632x128xf32, #tpu.memory_space<hbm>>
      %dma_wait3A_85 = arith.constant 0 : i32
      %dma_wait3A_86 = tpu.memref_slice %arg11[%mul3A_2, %dma_wait3A_85] : memref<10112x128xf32, #tpu.memory_space<vmem_shared>> -> memref<632x128xf32, #tpu.memory_space<vmem_shared>>
      tpu.wait_dma2 semaphore(%run_scoped3A : memref<!tpu.dma_semaphore, #tpu.memory_space<semaphore_mem>>) src(%dma_wait3A_86 : memref<632x128xf32, #tpu.memory_space<vmem_shared>>) dst(%dma_wait3A_84 : memref<632x128xf32, #tpu.memory_space<hbm>>)
      tpu.yield
    }) : () -> ()
    return
  }
}

#map = affine_map<(d0, d1) -> (0, 0, 0)>
#map1 = affine_map<(d0, d1) -> (0, 0)>
module attributes {stable_mosaic.version = 14 : i64} {
  func.func @sc_gcn_ea(%arg0: i32, %arg1: i32, %arg2: memref<2560x128x128xf32, #tpu.memory_space<hbm>>, %arg3: memref<64x40x128xi32, #tpu.memory_space<hbm>>, %arg4: memref<10112x128xf32, #tpu.memory_space<hbm>>, %arg5: memref<2x10112x128xf32, #tpu.memory_space<hbm>>, %arg6: memref<80x128xi32, #tpu.memory_space<vmem>>, %arg7: memref<128x128xf32, #tpu.memory_space<vmem>>, %arg8: memref<128x128xf32, #tpu.memory_space<vmem>>, %arg9: memref<10112x128xf32, #tpu.memory_space<vmem_shared>>, %arg10: memref<!tpu.dma_semaphore, #tpu.memory_space<semaphore_mem>>, %arg11: memref<!tpu.dma_semaphore, #tpu.memory_space<semaphore_mem>>) attributes {dimension_semantics = [#tpu.dimension_semantics<core_parallel>, #tpu.dimension_semantics<subcore_parallel>], iteration_bounds = array<i64: 2, 16>, scalar_prefetch = 0 : i64, scratch_operands = 6 : i64, tpu.core_type = #tpu.core_type<sc_vector_subcore>, window_params = [{transform_indices = #map}, {transform_indices = #map}, {transform_indices = #map1}, {transform_indices = #map}]} {
    %mul3A = arith.constant 16 : i32
    %mul3A_0 = arith.muli %arg0, %mul3A : i32
    %add3A = arith.addi %mul3A_0, %arg1 : i32
    %mul3A_1 = arith.constant 632 : i32
    %mul3A_2 = arith.muli %arg1, %mul3A_1 : i32
    "tpu.region"() ({
      %run_scoped3A = tpu.sem_alloc : memref<!tpu.dma_semaphore, #tpu.memory_space<semaphore_mem>>
      %dma_start3A_58 = arith.constant 0 : i32
      %dma_start3A_59 = tpu.memref_slice %arg9[%mul3A_2, %dma_start3A_58] : memref<10112x128xf32, #tpu.memory_space<vmem_shared>> -> memref<632x128xf32, #tpu.memory_space<vmem_shared>>
      %dma_start3A_60 = arith.constant 0 : i32
      %dma_start3A_61 = tpu.memref_slice %arg4[%mul3A_2, %dma_start3A_60] : memref<10112x128xf32, #tpu.memory_space<hbm>> -> memref<632x128xf32, #tpu.memory_space<hbm>>
      tpu.enqueue_dma source(%dma_start3A_61 : memref<632x128xf32, #tpu.memory_space<hbm>>) target(%dma_start3A_59 : memref<632x128xf32, #tpu.memory_space<vmem_shared>>) target_semaphore(%run_scoped3A : memref<!tpu.dma_semaphore, #tpu.memory_space<semaphore_mem>>)
      %dma_wait3A_62 = arith.constant 0 : i32
      %dma_wait3A_63 = tpu.memref_slice %arg9[%mul3A_2, %dma_wait3A_62] : memref<10112x128xf32, #tpu.memory_space<vmem_shared>> -> memref<632x128xf32, #tpu.memory_space<vmem_shared>>
      %dma_wait3A_64 = arith.constant 0 : i32
      %dma_wait3A_65 = tpu.memref_slice %arg4[%mul3A_2, %dma_wait3A_64] : memref<10112x128xf32, #tpu.memory_space<hbm>> -> memref<632x128xf32, #tpu.memory_space<hbm>>
      tpu.wait_dma2 semaphore(%run_scoped3A : memref<!tpu.dma_semaphore, #tpu.memory_space<semaphore_mem>>) src(%dma_wait3A_65 : memref<632x128xf32, #tpu.memory_space<hbm>>) dst(%dma_wait3A_63 : memref<632x128xf32, #tpu.memory_space<vmem_shared>>)
      tpu.yield
    }) : () -> ()
    %mul3A_3 = arith.constant 2 : i32
    %mul3A_4 = arith.muli %add3A, %mul3A_3 : i32
    %add3A_5 = arith.constant 0 : i32
    %add3A_6 = arith.addi %mul3A_4, %add3A_5 : i32
    "tpu.region"() ({
      %run_scoped3A = tpu.sem_alloc : memref<!tpu.dma_semaphore, #tpu.memory_space<semaphore_mem>>
      %dma_start3A_58 = arith.constant 0 : i32
      %dma_start3A_59 = arith.constant 0 : i32
      %dma_start3A_60 = tpu.memref_slice %arg6[%dma_start3A_58, %dma_start3A_59] : memref<80x128xi32, #tpu.memory_space<vmem>> -> memref<40x128xi32, #tpu.memory_space<vmem>>
      %dma_start3A_61 = arith.constant 0 : i32
      %dma_start3A_62 = arith.constant 0 : i32
      %dma_start3A_63 = tpu.memref_slice %arg3[%add3A_6, %dma_start3A_61, %dma_start3A_62] : memref<64x40x128xi32, #tpu.memory_space<hbm>> -> memref<1x40x128xi32, #tpu.memory_space<hbm>>
      %dma_start3A_64 = tpu.memref_squeeze %dma_start3A_63 : memref<1x40x128xi32, #tpu.memory_space<hbm>> -> memref<40x128xi32, #tpu.memory_space<hbm>>
      %dma_start3A_65 = arith.constant 0 : i32
      %dma_start3A_66 = arith.constant 0 : i32
      %dma_start3A_67 = tpu.memref_slice %arg6[%dma_start3A_65, %dma_start3A_66] : memref<80x128xi32, #tpu.memory_space<vmem>> -> memref<40x128xi32, #tpu.memory_space<vmem>>
      %dma_start3A_68 = arith.constant 0 : i32
      %dma_start3A_69 = arith.constant 0 : i32
      %dma_start3A_70 = tpu.memref_slice %arg3[%add3A_6, %dma_start3A_68, %dma_start3A_69] : memref<64x40x128xi32, #tpu.memory_space<hbm>> -> memref<1x40x128xi32, #tpu.memory_space<hbm>>
      %dma_start3A_71 = tpu.memref_squeeze %dma_start3A_70 : memref<1x40x128xi32, #tpu.memory_space<hbm>> -> memref<40x128xi32, #tpu.memory_space<hbm>>
      tpu.enqueue_dma source(%dma_start3A_71 : memref<40x128xi32, #tpu.memory_space<hbm>>) target(%dma_start3A_67 : memref<40x128xi32, #tpu.memory_space<vmem>>) target_semaphore(%run_scoped3A : memref<!tpu.dma_semaphore, #tpu.memory_space<semaphore_mem>>)
      %dma_wait3A_72 = arith.constant 0 : i32
      %dma_wait3A_73 = arith.constant 0 : i32
      %dma_wait3A_74 = tpu.memref_slice %arg6[%dma_wait3A_72, %dma_wait3A_73] : memref<80x128xi32, #tpu.memory_space<vmem>> -> memref<40x128xi32, #tpu.memory_space<vmem>>
      %dma_wait3A_75 = arith.constant 0 : i32
      %dma_wait3A_76 = arith.constant 0 : i32
      %dma_wait3A_77 = tpu.memref_slice %arg3[%add3A_6, %dma_wait3A_75, %dma_wait3A_76] : memref<64x40x128xi32, #tpu.memory_space<hbm>> -> memref<1x40x128xi32, #tpu.memory_space<hbm>>
      %dma_wait3A_78 = tpu.memref_squeeze %dma_wait3A_77 : memref<1x40x128xi32, #tpu.memory_space<hbm>> -> memref<40x128xi32, #tpu.memory_space<hbm>>
      %dma_wait3A_79 = arith.constant 0 : i32
      %dma_wait3A_80 = arith.constant 0 : i32
      %dma_wait3A_81 = tpu.memref_slice %arg6[%dma_wait3A_79, %dma_wait3A_80] : memref<80x128xi32, #tpu.memory_space<vmem>> -> memref<40x128xi32, #tpu.memory_space<vmem>>
      %dma_wait3A_82 = arith.constant 0 : i32
      %dma_wait3A_83 = arith.constant 0 : i32
      %dma_wait3A_84 = tpu.memref_slice %arg3[%add3A_6, %dma_wait3A_82, %dma_wait3A_83] : memref<64x40x128xi32, #tpu.memory_space<hbm>> -> memref<1x40x128xi32, #tpu.memory_space<hbm>>
      %dma_wait3A_85 = tpu.memref_squeeze %dma_wait3A_84 : memref<1x40x128xi32, #tpu.memory_space<hbm>> -> memref<40x128xi32, #tpu.memory_space<hbm>>
      tpu.wait_dma2 semaphore(%run_scoped3A : memref<!tpu.dma_semaphore, #tpu.memory_space<semaphore_mem>>) src(%dma_wait3A_85 : memref<40x128xi32, #tpu.memory_space<hbm>>) dst(%dma_wait3A_81 : memref<40x128xi32, #tpu.memory_space<vmem>>)
      tpu.yield
    }) : () -> ()
    %mul3A_7 = arith.constant 2 : i32
    %mul3A_8 = arith.muli %add3A, %mul3A_7 : i32
    %add3A_9 = arith.constant 1 : i32
    %add3A_10 = arith.addi %mul3A_8, %add3A_9 : i32
    "tpu.region"() ({
      %run_scoped3A = tpu.sem_alloc : memref<!tpu.dma_semaphore, #tpu.memory_space<semaphore_mem>>
      %dma_start3A_58 = arith.constant 40 : i32
      %dma_start3A_59 = arith.constant 0 : i32
      %dma_start3A_60 = tpu.memref_slice %arg6[%dma_start3A_58, %dma_start3A_59] : memref<80x128xi32, #tpu.memory_space<vmem>> -> memref<40x128xi32, #tpu.memory_space<vmem>>
      %dma_start3A_61 = arith.constant 0 : i32
      %dma_start3A_62 = arith.constant 0 : i32
      %dma_start3A_63 = tpu.memref_slice %arg3[%add3A_10, %dma_start3A_61, %dma_start3A_62] : memref<64x40x128xi32, #tpu.memory_space<hbm>> -> memref<1x40x128xi32, #tpu.memory_space<hbm>>
      %dma_start3A_64 = tpu.memref_squeeze %dma_start3A_63 : memref<1x40x128xi32, #tpu.memory_space<hbm>> -> memref<40x128xi32, #tpu.memory_space<hbm>>
      %dma_start3A_65 = arith.constant 40 : i32
      %dma_start3A_66 = arith.constant 0 : i32
      %dma_start3A_67 = tpu.memref_slice %arg6[%dma_start3A_65, %dma_start3A_66] : memref<80x128xi32, #tpu.memory_space<vmem>> -> memref<40x128xi32, #tpu.memory_space<vmem>>
      %dma_start3A_68 = arith.constant 0 : i32
      %dma_start3A_69 = arith.constant 0 : i32
      %dma_start3A_70 = tpu.memref_slice %arg3[%add3A_10, %dma_start3A_68, %dma_start3A_69] : memref<64x40x128xi32, #tpu.memory_space<hbm>> -> memref<1x40x128xi32, #tpu.memory_space<hbm>>
      %dma_start3A_71 = tpu.memref_squeeze %dma_start3A_70 : memref<1x40x128xi32, #tpu.memory_space<hbm>> -> memref<40x128xi32, #tpu.memory_space<hbm>>
      tpu.enqueue_dma source(%dma_start3A_71 : memref<40x128xi32, #tpu.memory_space<hbm>>) target(%dma_start3A_67 : memref<40x128xi32, #tpu.memory_space<vmem>>) target_semaphore(%run_scoped3A : memref<!tpu.dma_semaphore, #tpu.memory_space<semaphore_mem>>)
      %dma_wait3A_72 = arith.constant 40 : i32
      %dma_wait3A_73 = arith.constant 0 : i32
      %dma_wait3A_74 = tpu.memref_slice %arg6[%dma_wait3A_72, %dma_wait3A_73] : memref<80x128xi32, #tpu.memory_space<vmem>> -> memref<40x128xi32, #tpu.memory_space<vmem>>
      %dma_wait3A_75 = arith.constant 0 : i32
      %dma_wait3A_76 = arith.constant 0 : i32
      %dma_wait3A_77 = tpu.memref_slice %arg3[%add3A_10, %dma_wait3A_75, %dma_wait3A_76] : memref<64x40x128xi32, #tpu.memory_space<hbm>> -> memref<1x40x128xi32, #tpu.memory_space<hbm>>
      %dma_wait3A_78 = tpu.memref_squeeze %dma_wait3A_77 : memref<1x40x128xi32, #tpu.memory_space<hbm>> -> memref<40x128xi32, #tpu.memory_space<hbm>>
      %dma_wait3A_79 = arith.constant 40 : i32
      %dma_wait3A_80 = arith.constant 0 : i32
      %dma_wait3A_81 = tpu.memref_slice %arg6[%dma_wait3A_79, %dma_wait3A_80] : memref<80x128xi32, #tpu.memory_space<vmem>> -> memref<40x128xi32, #tpu.memory_space<vmem>>
      %dma_wait3A_82 = arith.constant 0 : i32
      %dma_wait3A_83 = arith.constant 0 : i32
      %dma_wait3A_84 = tpu.memref_slice %arg3[%add3A_10, %dma_wait3A_82, %dma_wait3A_83] : memref<64x40x128xi32, #tpu.memory_space<hbm>> -> memref<1x40x128xi32, #tpu.memory_space<hbm>>
      %dma_wait3A_85 = tpu.memref_squeeze %dma_wait3A_84 : memref<1x40x128xi32, #tpu.memory_space<hbm>> -> memref<40x128xi32, #tpu.memory_space<hbm>>
      tpu.wait_dma2 semaphore(%run_scoped3A : memref<!tpu.dma_semaphore, #tpu.memory_space<semaphore_mem>>) src(%dma_wait3A_85 : memref<40x128xi32, #tpu.memory_space<hbm>>) dst(%dma_wait3A_81 : memref<40x128xi32, #tpu.memory_space<vmem>>)
      tpu.yield
    }) : () -> ()
    %barrier3A = arith.constant 0 : index
    tpu.barrier barrier_id(%barrier3A)
    %mul3A_11 = arith.constant 80 : i32
    %mul3A_12 = arith.muli %add3A, %mul3A_11 : i32
    %dma_start3A = arith.constant 0 : i32
    %dma_start3A_13 = arith.constant 0 : i32
    %dma_start3A_14 = tpu.memref_slice %arg2[%mul3A_12, %dma_start3A, %dma_start3A_13] : memref<2560x128x128xf32, #tpu.memory_space<hbm>> -> memref<1x128x128xf32, #tpu.memory_space<hbm>>
    %dma_start3A_15 = tpu.memref_squeeze %dma_start3A_14 : memref<1x128x128xf32, #tpu.memory_space<hbm>> -> memref<128x128xf32, #tpu.memory_space<hbm>>
    %dma_start3A_16 = arith.constant 0 : i32
    %dma_start3A_17 = arith.constant 0 : i32
    %dma_start3A_18 = tpu.memref_slice %arg2[%mul3A_12, %dma_start3A_16, %dma_start3A_17] : memref<2560x128x128xf32, #tpu.memory_space<hbm>> -> memref<1x128x128xf32, #tpu.memory_space<hbm>>
    %dma_start3A_19 = tpu.memref_squeeze %dma_start3A_18 : memref<1x128x128xf32, #tpu.memory_space<hbm>> -> memref<128x128xf32, #tpu.memory_space<hbm>>
    tpu.enqueue_dma source(%dma_start3A_19 : memref<128x128xf32, #tpu.memory_space<hbm>>) target(%arg7 : memref<128x128xf32, #tpu.memory_space<vmem>>) target_semaphore(%arg10 : memref<!tpu.dma_semaphore, #tpu.memory_space<semaphore_mem>>)
    %add3A_20 = arith.constant 1 : i32
    %add3A_21 = arith.addi %mul3A_12, %add3A_20 : i32
    %dma_start3A_22 = arith.constant 0 : i32
    %dma_start3A_23 = arith.constant 0 : i32
    %dma_start3A_24 = tpu.memref_slice %arg2[%add3A_21, %dma_start3A_22, %dma_start3A_23] : memref<2560x128x128xf32, #tpu.memory_space<hbm>> -> memref<1x128x128xf32, #tpu.memory_space<hbm>>
    %dma_start3A_25 = tpu.memref_squeeze %dma_start3A_24 : memref<1x128x128xf32, #tpu.memory_space<hbm>> -> memref<128x128xf32, #tpu.memory_space<hbm>>
    %dma_start3A_26 = arith.constant 0 : i32
    %dma_start3A_27 = arith.constant 0 : i32
    %dma_start3A_28 = tpu.memref_slice %arg2[%add3A_21, %dma_start3A_26, %dma_start3A_27] : memref<2560x128x128xf32, #tpu.memory_space<hbm>> -> memref<1x128x128xf32, #tpu.memory_space<hbm>>
    %dma_start3A_29 = tpu.memref_squeeze %dma_start3A_28 : memref<1x128x128xf32, #tpu.memory_space<hbm>> -> memref<128x128xf32, #tpu.memory_space<hbm>>
    tpu.enqueue_dma source(%dma_start3A_29 : memref<128x128xf32, #tpu.memory_space<hbm>>) target(%arg8 : memref<128x128xf32, #tpu.memory_space<vmem>>) target_semaphore(%arg11 : memref<!tpu.dma_semaphore, #tpu.memory_space<semaphore_mem>>)
    %scan3A = arith.constant 0 : i32
    %scan3A_30 = arith.constant 0 : i32
    %scan3A_31 = arith.constant 40 : i32
    %scan3A_32 = arith.addi %scan3A_30, %scan3A_31 : i32
    %scan3A_33 = arith.constant 1 : i32
    scf.for %scan3A_58 = %scan3A_30 to %scan3A_32 step %scan3A_33  : i32 {
      %mul3A_59 = arith.constant 2 : i32
      %mul3A_60 = arith.muli %mul3A_59, %scan3A_58 : i32
      %add3A_61 = arith.constant 1 : i32
      %add3A_62 = arith.addi %mul3A_60, %add3A_61 : i32
      %add3A_63 = arith.addi %mul3A_12, %mul3A_60 : i32
      %dma_wait3A_64 = arith.constant 0 : i32
      %dma_wait3A_65 = arith.constant 0 : i32
      %dma_wait3A_66 = tpu.memref_slice %arg2[%add3A_63, %dma_wait3A_64, %dma_wait3A_65] : memref<2560x128x128xf32, #tpu.memory_space<hbm>> -> memref<1x128x128xf32, #tpu.memory_space<hbm>>
      %dma_wait3A_67 = tpu.memref_squeeze %dma_wait3A_66 : memref<1x128x128xf32, #tpu.memory_space<hbm>> -> memref<128x128xf32, #tpu.memory_space<hbm>>
      %dma_wait3A_68 = arith.constant 0 : i32
      %dma_wait3A_69 = arith.constant 0 : i32
      %dma_wait3A_70 = tpu.memref_slice %arg2[%add3A_63, %dma_wait3A_68, %dma_wait3A_69] : memref<2560x128x128xf32, #tpu.memory_space<hbm>> -> memref<1x128x128xf32, #tpu.memory_space<hbm>>
      %dma_wait3A_71 = tpu.memref_squeeze %dma_wait3A_70 : memref<1x128x128xf32, #tpu.memory_space<hbm>> -> memref<128x128xf32, #tpu.memory_space<hbm>>
      tpu.wait_dma2 semaphore(%arg10 : memref<!tpu.dma_semaphore, #tpu.memory_space<semaphore_mem>>) src(%dma_wait3A_71 : memref<128x128xf32, #tpu.memory_space<hbm>>) dst(%arg7 : memref<128x128xf32, #tpu.memory_space<vmem>>)
      "tpu.region"() ({
        %run_scoped3A = tpu.sem_alloc : memref<!tpu.dma_semaphore, #tpu.memory_space<semaphore_mem>>
        %dma_start3A_106 = arith.constant 0 : i32
        %dma_start3A_107 = tpu.memref_slice %arg6[%mul3A_60, %dma_start3A_106] : memref<80x128xi32, #tpu.memory_space<vmem>> -> memref<1x128xi32, #tpu.memory_space<vmem>>
        %dma_start3A_108 = tpu.memref_squeeze %dma_start3A_107 : memref<1x128xi32, #tpu.memory_space<vmem>> -> memref<128xi32, #tpu.memory_space<vmem>>
        %dma_start3A_109 = arith.constant 0 : i32
        %dma_start3A_110 = arith.constant 0 : i32
        %dma_start3A_111 = tpu.memref_slice %arg9[%dma_start3A_109, %dma_start3A_110] : memref<10112x128xf32, #tpu.memory_space<vmem_shared>> -> memref<10112x128xf32, #tpu.memory_space<vmem_shared>>
        tpu.enqueue_indirect_dma source(%arg7 : memref<128x128xf32, #tpu.memory_space<vmem>>) target(%dma_start3A_111 : memref<10112x128xf32, #tpu.memory_space<vmem_shared>>) offsets(%dma_start3A_108 : memref<128xi32, #tpu.memory_space<vmem>>) semaphore(%run_scoped3A : memref<!tpu.dma_semaphore, #tpu.memory_space<semaphore_mem>>) {add = true}
        %dma_wait3A_112 = arith.constant 0 : i32
        %dma_wait3A_113 = tpu.memref_slice %arg6[%mul3A_60, %dma_wait3A_112] : memref<80x128xi32, #tpu.memory_space<vmem>> -> memref<1x128xi32, #tpu.memory_space<vmem>>
        %dma_wait3A_114 = tpu.memref_squeeze %dma_wait3A_113 : memref<1x128xi32, #tpu.memory_space<vmem>> -> memref<128xi32, #tpu.memory_space<vmem>>
        %dma_wait3A_115 = arith.constant 0 : i32
        %dma_wait3A_116 = arith.constant 0 : i32
        %dma_wait3A_117 = tpu.memref_slice %arg9[%dma_wait3A_115, %dma_wait3A_116] : memref<10112x128xf32, #tpu.memory_space<vmem_shared>> -> memref<10112x128xf32, #tpu.memory_space<vmem_shared>>
        tpu.wait_indirect_dma semaphore(%run_scoped3A : memref<!tpu.dma_semaphore, #tpu.memory_space<semaphore_mem>>) src(%arg7 : memref<128x128xf32, #tpu.memory_space<vmem>>) dst(%dma_wait3A_117 : memref<10112x128xf32, #tpu.memory_space<vmem_shared>>)
        tpu.yield
      }) : () -> ()
      %add3A_72 = arith.constant 2 : i32
      %add3A_73 = arith.addi %mul3A_60, %add3A_72 : i32
      %min3A = arith.constant 78 : i32
      %min3A_74 = arith.minsi %add3A_73, %min3A : i32
      %add3A_75 = arith.addi %mul3A_12, %min3A_74 : i32
      %dma_start3A_76 = arith.constant 0 : i32
      %dma_start3A_77 = arith.constant 0 : i32
      %dma_start3A_78 = tpu.memref_slice %arg2[%add3A_75, %dma_start3A_76, %dma_start3A_77] : memref<2560x128x128xf32, #tpu.memory_space<hbm>> -> memref<1x128x128xf32, #tpu.memory_space<hbm>>
      %dma_start3A_79 = tpu.memref_squeeze %dma_start3A_78 : memref<1x128x128xf32, #tpu.memory_space<hbm>> -> memref<128x128xf32, #tpu.memory_space<hbm>>
      %dma_start3A_80 = arith.constant 0 : i32
      %dma_start3A_81 = arith.constant 0 : i32
      %dma_start3A_82 = tpu.memref_slice %arg2[%add3A_75, %dma_start3A_80, %dma_start3A_81] : memref<2560x128x128xf32, #tpu.memory_space<hbm>> -> memref<1x128x128xf32, #tpu.memory_space<hbm>>
      %dma_start3A_83 = tpu.memref_squeeze %dma_start3A_82 : memref<1x128x128xf32, #tpu.memory_space<hbm>> -> memref<128x128xf32, #tpu.memory_space<hbm>>
      tpu.enqueue_dma source(%dma_start3A_83 : memref<128x128xf32, #tpu.memory_space<hbm>>) target(%arg7 : memref<128x128xf32, #tpu.memory_space<vmem>>) target_semaphore(%arg10 : memref<!tpu.dma_semaphore, #tpu.memory_space<semaphore_mem>>)
      %add3A_84 = arith.addi %mul3A_12, %add3A_62 : i32
      %dma_wait3A_85 = arith.constant 0 : i32
      %dma_wait3A_86 = arith.constant 0 : i32
      %dma_wait3A_87 = tpu.memref_slice %arg2[%add3A_84, %dma_wait3A_85, %dma_wait3A_86] : memref<2560x128x128xf32, #tpu.memory_space<hbm>> -> memref<1x128x128xf32, #tpu.memory_space<hbm>>
      %dma_wait3A_88 = tpu.memref_squeeze %dma_wait3A_87 : memref<1x128x128xf32, #tpu.memory_space<hbm>> -> memref<128x128xf32, #tpu.memory_space<hbm>>
      %dma_wait3A_89 = arith.constant 0 : i32
      %dma_wait3A_90 = arith.constant 0 : i32
      %dma_wait3A_91 = tpu.memref_slice %arg2[%add3A_84, %dma_wait3A_89, %dma_wait3A_90] : memref<2560x128x128xf32, #tpu.memory_space<hbm>> -> memref<1x128x128xf32, #tpu.memory_space<hbm>>
      %dma_wait3A_92 = tpu.memref_squeeze %dma_wait3A_91 : memref<1x128x128xf32, #tpu.memory_space<hbm>> -> memref<128x128xf32, #tpu.memory_space<hbm>>
      tpu.wait_dma2 semaphore(%arg11 : memref<!tpu.dma_semaphore, #tpu.memory_space<semaphore_mem>>) src(%dma_wait3A_92 : memref<128x128xf32, #tpu.memory_space<hbm>>) dst(%arg8 : memref<128x128xf32, #tpu.memory_space<vmem>>)
      "tpu.region"() ({
        %run_scoped3A = tpu.sem_alloc : memref<!tpu.dma_semaphore, #tpu.memory_space<semaphore_mem>>
        %dma_start3A_106 = arith.constant 0 : i32
        %dma_start3A_107 = tpu.memref_slice %arg6[%add3A_62, %dma_start3A_106] : memref<80x128xi32, #tpu.memory_space<vmem>> -> memref<1x128xi32, #tpu.memory_space<vmem>>
        %dma_start3A_108 = tpu.memref_squeeze %dma_start3A_107 : memref<1x128xi32, #tpu.memory_space<vmem>> -> memref<128xi32, #tpu.memory_space<vmem>>
        %dma_start3A_109 = arith.constant 0 : i32
        %dma_start3A_110 = arith.constant 0 : i32
        %dma_start3A_111 = tpu.memref_slice %arg9[%dma_start3A_109, %dma_start3A_110] : memref<10112x128xf32, #tpu.memory_space<vmem_shared>> -> memref<10112x128xf32, #tpu.memory_space<vmem_shared>>
        tpu.enqueue_indirect_dma source(%arg8 : memref<128x128xf32, #tpu.memory_space<vmem>>) target(%dma_start3A_111 : memref<10112x128xf32, #tpu.memory_space<vmem_shared>>) offsets(%dma_start3A_108 : memref<128xi32, #tpu.memory_space<vmem>>) semaphore(%run_scoped3A : memref<!tpu.dma_semaphore, #tpu.memory_space<semaphore_mem>>) {add = true}
        %dma_wait3A_112 = arith.constant 0 : i32
        %dma_wait3A_113 = tpu.memref_slice %arg6[%add3A_62, %dma_wait3A_112] : memref<80x128xi32, #tpu.memory_space<vmem>> -> memref<1x128xi32, #tpu.memory_space<vmem>>
        %dma_wait3A_114 = tpu.memref_squeeze %dma_wait3A_113 : memref<1x128xi32, #tpu.memory_space<vmem>> -> memref<128xi32, #tpu.memory_space<vmem>>
        %dma_wait3A_115 = arith.constant 0 : i32
        %dma_wait3A_116 = arith.constant 0 : i32
        %dma_wait3A_117 = tpu.memref_slice %arg9[%dma_wait3A_115, %dma_wait3A_116] : memref<10112x128xf32, #tpu.memory_space<vmem_shared>> -> memref<10112x128xf32, #tpu.memory_space<vmem_shared>>
        tpu.wait_indirect_dma semaphore(%run_scoped3A : memref<!tpu.dma_semaphore, #tpu.memory_space<semaphore_mem>>) src(%arg8 : memref<128x128xf32, #tpu.memory_space<vmem>>) dst(%dma_wait3A_117 : memref<10112x128xf32, #tpu.memory_space<vmem_shared>>)
        tpu.yield
      }) : () -> ()
      %add3A_93 = arith.constant 2 : i32
      %add3A_94 = arith.addi %add3A_62, %add3A_93 : i32
      %min3A_95 = arith.constant 79 : i32
      %min3A_96 = arith.minsi %add3A_94, %min3A_95 : i32
      %add3A_97 = arith.addi %mul3A_12, %min3A_96 : i32
      %dma_start3A_98 = arith.constant 0 : i32
      %dma_start3A_99 = arith.constant 0 : i32
      %dma_start3A_100 = tpu.memref_slice %arg2[%add3A_97, %dma_start3A_98, %dma_start3A_99] : memref<2560x128x128xf32, #tpu.memory_space<hbm>> -> memref<1x128x128xf32, #tpu.memory_space<hbm>>
      %dma_start3A_101 = tpu.memref_squeeze %dma_start3A_100 : memref<1x128x128xf32, #tpu.memory_space<hbm>> -> memref<128x128xf32, #tpu.memory_space<hbm>>
      %dma_start3A_102 = arith.constant 0 : i32
      %dma_start3A_103 = arith.constant 0 : i32
      %dma_start3A_104 = tpu.memref_slice %arg2[%add3A_97, %dma_start3A_102, %dma_start3A_103] : memref<2560x128x128xf32, #tpu.memory_space<hbm>> -> memref<1x128x128xf32, #tpu.memory_space<hbm>>
      %dma_start3A_105 = tpu.memref_squeeze %dma_start3A_104 : memref<1x128x128xf32, #tpu.memory_space<hbm>> -> memref<128x128xf32, #tpu.memory_space<hbm>>
      tpu.enqueue_dma source(%dma_start3A_105 : memref<128x128xf32, #tpu.memory_space<hbm>>) target(%arg8 : memref<128x128xf32, #tpu.memory_space<vmem>>) target_semaphore(%arg11 : memref<!tpu.dma_semaphore, #tpu.memory_space<semaphore_mem>>)
    }
    %scan3A_34 = arith.constant 40 : i32
    %add3A_35 = arith.constant 80 : i32
    %add3A_36 = arith.addi %mul3A_12, %add3A_35 : i32
    %sub3A = arith.constant 2 : i32
    %sub3A_37 = arith.subi %add3A_36, %sub3A : i32
    %dma_wait3A = arith.constant 0 : i32
    %dma_wait3A_38 = arith.constant 0 : i32
    %dma_wait3A_39 = tpu.memref_slice %arg2[%sub3A_37, %dma_wait3A, %dma_wait3A_38] : memref<2560x128x128xf32, #tpu.memory_space<hbm>> -> memref<1x128x128xf32, #tpu.memory_space<hbm>>
    %dma_wait3A_40 = tpu.memref_squeeze %dma_wait3A_39 : memref<1x128x128xf32, #tpu.memory_space<hbm>> -> memref<128x128xf32, #tpu.memory_space<hbm>>
    %dma_wait3A_41 = arith.constant 0 : i32
    %dma_wait3A_42 = arith.constant 0 : i32
    %dma_wait3A_43 = tpu.memref_slice %arg2[%sub3A_37, %dma_wait3A_41, %dma_wait3A_42] : memref<2560x128x128xf32, #tpu.memory_space<hbm>> -> memref<1x128x128xf32, #tpu.memory_space<hbm>>
    %dma_wait3A_44 = tpu.memref_squeeze %dma_wait3A_43 : memref<1x128x128xf32, #tpu.memory_space<hbm>> -> memref<128x128xf32, #tpu.memory_space<hbm>>
    tpu.wait_dma2 semaphore(%arg10 : memref<!tpu.dma_semaphore, #tpu.memory_space<semaphore_mem>>) src(%dma_wait3A_44 : memref<128x128xf32, #tpu.memory_space<hbm>>) dst(%arg7 : memref<128x128xf32, #tpu.memory_space<vmem>>)
    %add3A_45 = arith.constant 80 : i32
    %add3A_46 = arith.addi %mul3A_12, %add3A_45 : i32
    %sub3A_47 = arith.constant 1 : i32
    %sub3A_48 = arith.subi %add3A_46, %sub3A_47 : i32
    %dma_wait3A_49 = arith.constant 0 : i32
    %dma_wait3A_50 = arith.constant 0 : i32
    %dma_wait3A_51 = tpu.memref_slice %arg2[%sub3A_48, %dma_wait3A_49, %dma_wait3A_50] : memref<2560x128x128xf32, #tpu.memory_space<hbm>> -> memref<1x128x128xf32, #tpu.memory_space<hbm>>
    %dma_wait3A_52 = tpu.memref_squeeze %dma_wait3A_51 : memref<1x128x128xf32, #tpu.memory_space<hbm>> -> memref<128x128xf32, #tpu.memory_space<hbm>>
    %dma_wait3A_53 = arith.constant 0 : i32
    %dma_wait3A_54 = arith.constant 0 : i32
    %dma_wait3A_55 = tpu.memref_slice %arg2[%sub3A_48, %dma_wait3A_53, %dma_wait3A_54] : memref<2560x128x128xf32, #tpu.memory_space<hbm>> -> memref<1x128x128xf32, #tpu.memory_space<hbm>>
    %dma_wait3A_56 = tpu.memref_squeeze %dma_wait3A_55 : memref<1x128x128xf32, #tpu.memory_space<hbm>> -> memref<128x128xf32, #tpu.memory_space<hbm>>
    tpu.wait_dma2 semaphore(%arg11 : memref<!tpu.dma_semaphore, #tpu.memory_space<semaphore_mem>>) src(%dma_wait3A_56 : memref<128x128xf32, #tpu.memory_space<hbm>>) dst(%arg8 : memref<128x128xf32, #tpu.memory_space<vmem>>)
    %barrier3A_57 = arith.constant 0 : index
    tpu.barrier barrier_id(%barrier3A_57)
    "tpu.region"() ({
      %run_scoped3A = tpu.sem_alloc : memref<!tpu.dma_semaphore, #tpu.memory_space<semaphore_mem>>
      %dma_start3A_58 = arith.constant 0 : i32
      %dma_start3A_59 = tpu.memref_slice %arg5[%arg0, %mul3A_2, %dma_start3A_58] : memref<2x10112x128xf32, #tpu.memory_space<hbm>> -> memref<1x632x128xf32, #tpu.memory_space<hbm>>
      %dma_start3A_60 = tpu.memref_squeeze %dma_start3A_59 : memref<1x632x128xf32, #tpu.memory_space<hbm>> -> memref<632x128xf32, #tpu.memory_space<hbm>>
      %dma_start3A_61 = arith.constant 0 : i32
      %dma_start3A_62 = tpu.memref_slice %arg9[%mul3A_2, %dma_start3A_61] : memref<10112x128xf32, #tpu.memory_space<vmem_shared>> -> memref<632x128xf32, #tpu.memory_space<vmem_shared>>
      tpu.enqueue_dma source(%dma_start3A_62 : memref<632x128xf32, #tpu.memory_space<vmem_shared>>) target(%dma_start3A_60 : memref<632x128xf32, #tpu.memory_space<hbm>>) target_semaphore(%run_scoped3A : memref<!tpu.dma_semaphore, #tpu.memory_space<semaphore_mem>>)
      %dma_wait3A_63 = arith.constant 0 : i32
      %dma_wait3A_64 = tpu.memref_slice %arg5[%arg0, %mul3A_2, %dma_wait3A_63] : memref<2x10112x128xf32, #tpu.memory_space<hbm>> -> memref<1x632x128xf32, #tpu.memory_space<hbm>>
      %dma_wait3A_65 = tpu.memref_squeeze %dma_wait3A_64 : memref<1x632x128xf32, #tpu.memory_space<hbm>> -> memref<632x128xf32, #tpu.memory_space<hbm>>
      %dma_wait3A_66 = arith.constant 0 : i32
      %dma_wait3A_67 = tpu.memref_slice %arg9[%mul3A_2, %dma_wait3A_66] : memref<10112x128xf32, #tpu.memory_space<vmem_shared>> -> memref<632x128xf32, #tpu.memory_space<vmem_shared>>
      tpu.wait_dma2 semaphore(%run_scoped3A : memref<!tpu.dma_semaphore, #tpu.memory_space<semaphore_mem>>) src(%dma_wait3A_67 : memref<632x128xf32, #tpu.memory_space<vmem_shared>>) dst(%dma_wait3A_65 : memref<632x128xf32, #tpu.memory_space<hbm>>)
      tpu.yield
    }) : () -> ()
    return
  }
}

#map = affine_map<(d0, d1) -> (0, 0)>
#map1 = affine_map<(d0, d1) -> (0, 0, 0)>
module attributes {stable_mosaic.version = 14 : i64} {
  func.func @sc_gcn_agg(%arg0: i32, %arg1: i32, %arg2: memref<10000x128xf32, #tpu.memory_space<hbm>>, %arg3: memref<64x40x128xi32, #tpu.memory_space<hbm>>, %arg4: memref<64x40x128xi32, #tpu.memory_space<hbm>>, %arg5: memref<10112x128xf32, #tpu.memory_space<hbm>>, %arg6: memref<2x10112x128xf32, #tpu.memory_space<hbm>>, %arg7: memref<40x128xi32, #tpu.memory_space<vmem>>, %arg8: memref<40x128xi32, #tpu.memory_space<vmem>>, %arg9: memref<128x128xf32, #tpu.memory_space<vmem>>, %arg10: memref<128x128xf32, #tpu.memory_space<vmem>>, %arg11: memref<10112x128xf32, #tpu.memory_space<vmem_shared>>, %arg12: memref<!tpu.dma_semaphore, #tpu.memory_space<semaphore_mem>>, %arg13: memref<!tpu.dma_semaphore, #tpu.memory_space<semaphore_mem>>) attributes {dimension_semantics = [#tpu.dimension_semantics<core_parallel>, #tpu.dimension_semantics<subcore_parallel>], iteration_bounds = array<i64: 2, 16>, scalar_prefetch = 0 : i64, scratch_operands = 7 : i64, tpu.core_type = #tpu.core_type<sc_vector_subcore>, window_params = [{transform_indices = #map}, {transform_indices = #map1}, {transform_indices = #map1}, {transform_indices = #map}, {transform_indices = #map1}]} {
    %mul3A = arith.constant 16 : i32
    %mul3A_0 = arith.muli %arg0, %mul3A : i32
    %add3A = arith.addi %mul3A_0, %arg1 : i32
    %mul3A_1 = arith.constant 632 : i32
    %mul3A_2 = arith.muli %arg1, %mul3A_1 : i32
    "tpu.region"() ({
      %run_scoped3A = tpu.sem_alloc : memref<!tpu.dma_semaphore, #tpu.memory_space<semaphore_mem>>
      %dma_start3A_77 = arith.constant 0 : i32
      %dma_start3A_78 = tpu.memref_slice %arg11[%mul3A_2, %dma_start3A_77] : memref<10112x128xf32, #tpu.memory_space<vmem_shared>> -> memref<632x128xf32, #tpu.memory_space<vmem_shared>>
      %dma_start3A_79 = arith.constant 0 : i32
      %dma_start3A_80 = tpu.memref_slice %arg5[%mul3A_2, %dma_start3A_79] : memref<10112x128xf32, #tpu.memory_space<hbm>> -> memref<632x128xf32, #tpu.memory_space<hbm>>
      tpu.enqueue_dma source(%dma_start3A_80 : memref<632x128xf32, #tpu.memory_space<hbm>>) target(%dma_start3A_78 : memref<632x128xf32, #tpu.memory_space<vmem_shared>>) target_semaphore(%run_scoped3A : memref<!tpu.dma_semaphore, #tpu.memory_space<semaphore_mem>>)
      %dma_wait3A_81 = arith.constant 0 : i32
      %dma_wait3A_82 = tpu.memref_slice %arg11[%mul3A_2, %dma_wait3A_81] : memref<10112x128xf32, #tpu.memory_space<vmem_shared>> -> memref<632x128xf32, #tpu.memory_space<vmem_shared>>
      %dma_wait3A_83 = arith.constant 0 : i32
      %dma_wait3A_84 = tpu.memref_slice %arg5[%mul3A_2, %dma_wait3A_83] : memref<10112x128xf32, #tpu.memory_space<hbm>> -> memref<632x128xf32, #tpu.memory_space<hbm>>
      tpu.wait_dma2 semaphore(%run_scoped3A : memref<!tpu.dma_semaphore, #tpu.memory_space<semaphore_mem>>) src(%dma_wait3A_84 : memref<632x128xf32, #tpu.memory_space<hbm>>) dst(%dma_wait3A_82 : memref<632x128xf32, #tpu.memory_space<vmem_shared>>)
      tpu.yield
    }) : () -> ()
    %barrier3A = arith.constant 0 : index
    tpu.barrier barrier_id(%barrier3A)
    %mul3A_3 = arith.constant 2 : i32
    %mul3A_4 = arith.muli %add3A, %mul3A_3 : i32
    %add3A_5 = arith.constant 0 : i32
    %add3A_6 = arith.addi %mul3A_4, %add3A_5 : i32
    "tpu.region"() ({
      %run_scoped3A = tpu.sem_alloc : memref<!tpu.dma_semaphore, #tpu.memory_space<semaphore_mem>>
      %dma_start3A_77 = arith.constant 0 : i32
      %dma_start3A_78 = arith.constant 0 : i32
      %dma_start3A_79 = tpu.memref_slice %arg3[%add3A_6, %dma_start3A_77, %dma_start3A_78] : memref<64x40x128xi32, #tpu.memory_space<hbm>> -> memref<1x40x128xi32, #tpu.memory_space<hbm>>
      %dma_start3A_80 = tpu.memref_squeeze %dma_start3A_79 : memref<1x40x128xi32, #tpu.memory_space<hbm>> -> memref<40x128xi32, #tpu.memory_space<hbm>>
      %dma_start3A_81 = arith.constant 0 : i32
      %dma_start3A_82 = arith.constant 0 : i32
      %dma_start3A_83 = tpu.memref_slice %arg3[%add3A_6, %dma_start3A_81, %dma_start3A_82] : memref<64x40x128xi32, #tpu.memory_space<hbm>> -> memref<1x40x128xi32, #tpu.memory_space<hbm>>
      %dma_start3A_84 = tpu.memref_squeeze %dma_start3A_83 : memref<1x40x128xi32, #tpu.memory_space<hbm>> -> memref<40x128xi32, #tpu.memory_space<hbm>>
      tpu.enqueue_dma source(%dma_start3A_84 : memref<40x128xi32, #tpu.memory_space<hbm>>) target(%arg7 : memref<40x128xi32, #tpu.memory_space<vmem>>) target_semaphore(%run_scoped3A : memref<!tpu.dma_semaphore, #tpu.memory_space<semaphore_mem>>)
      %dma_wait3A_85 = arith.constant 0 : i32
      %dma_wait3A_86 = arith.constant 0 : i32
      %dma_wait3A_87 = tpu.memref_slice %arg3[%add3A_6, %dma_wait3A_85, %dma_wait3A_86] : memref<64x40x128xi32, #tpu.memory_space<hbm>> -> memref<1x40x128xi32, #tpu.memory_space<hbm>>
      %dma_wait3A_88 = tpu.memref_squeeze %dma_wait3A_87 : memref<1x40x128xi32, #tpu.memory_space<hbm>> -> memref<40x128xi32, #tpu.memory_space<hbm>>
      %dma_wait3A_89 = arith.constant 0 : i32
      %dma_wait3A_90 = arith.constant 0 : i32
      %dma_wait3A_91 = tpu.memref_slice %arg3[%add3A_6, %dma_wait3A_89, %dma_wait3A_90] : memref<64x40x128xi32, #tpu.memory_space<hbm>> -> memref<1x40x128xi32, #tpu.memory_space<hbm>>
      %dma_wait3A_92 = tpu.memref_squeeze %dma_wait3A_91 : memref<1x40x128xi32, #tpu.memory_space<hbm>> -> memref<40x128xi32, #tpu.memory_space<hbm>>
      tpu.wait_dma2 semaphore(%run_scoped3A : memref<!tpu.dma_semaphore, #tpu.memory_space<semaphore_mem>>) src(%dma_wait3A_92 : memref<40x128xi32, #tpu.memory_space<hbm>>) dst(%arg7 : memref<40x128xi32, #tpu.memory_space<vmem>>)
      tpu.yield
    }) : () -> ()
    "tpu.region"() ({
      %run_scoped3A = tpu.sem_alloc : memref<!tpu.dma_semaphore, #tpu.memory_space<semaphore_mem>>
      %dma_start3A_77 = arith.constant 0 : i32
      %dma_start3A_78 = arith.constant 0 : i32
      %dma_start3A_79 = tpu.memref_slice %arg4[%add3A_6, %dma_start3A_77, %dma_start3A_78] : memref<64x40x128xi32, #tpu.memory_space<hbm>> -> memref<1x40x128xi32, #tpu.memory_space<hbm>>
      %dma_start3A_80 = tpu.memref_squeeze %dma_start3A_79 : memref<1x40x128xi32, #tpu.memory_space<hbm>> -> memref<40x128xi32, #tpu.memory_space<hbm>>
      %dma_start3A_81 = arith.constant 0 : i32
      %dma_start3A_82 = arith.constant 0 : i32
      %dma_start3A_83 = tpu.memref_slice %arg4[%add3A_6, %dma_start3A_81, %dma_start3A_82] : memref<64x40x128xi32, #tpu.memory_space<hbm>> -> memref<1x40x128xi32, #tpu.memory_space<hbm>>
      %dma_start3A_84 = tpu.memref_squeeze %dma_start3A_83 : memref<1x40x128xi32, #tpu.memory_space<hbm>> -> memref<40x128xi32, #tpu.memory_space<hbm>>
      tpu.enqueue_dma source(%dma_start3A_84 : memref<40x128xi32, #tpu.memory_space<hbm>>) target(%arg8 : memref<40x128xi32, #tpu.memory_space<vmem>>) target_semaphore(%run_scoped3A : memref<!tpu.dma_semaphore, #tpu.memory_space<semaphore_mem>>)
      %dma_wait3A_85 = arith.constant 0 : i32
      %dma_wait3A_86 = arith.constant 0 : i32
      %dma_wait3A_87 = tpu.memref_slice %arg4[%add3A_6, %dma_wait3A_85, %dma_wait3A_86] : memref<64x40x128xi32, #tpu.memory_space<hbm>> -> memref<1x40x128xi32, #tpu.memory_space<hbm>>
      %dma_wait3A_88 = tpu.memref_squeeze %dma_wait3A_87 : memref<1x40x128xi32, #tpu.memory_space<hbm>> -> memref<40x128xi32, #tpu.memory_space<hbm>>
      %dma_wait3A_89 = arith.constant 0 : i32
      %dma_wait3A_90 = arith.constant 0 : i32
      %dma_wait3A_91 = tpu.memref_slice %arg4[%add3A_6, %dma_wait3A_89, %dma_wait3A_90] : memref<64x40x128xi32, #tpu.memory_space<hbm>> -> memref<1x40x128xi32, #tpu.memory_space<hbm>>
      %dma_wait3A_92 = tpu.memref_squeeze %dma_wait3A_91 : memref<1x40x128xi32, #tpu.memory_space<hbm>> -> memref<40x128xi32, #tpu.memory_space<hbm>>
      tpu.wait_dma2 semaphore(%run_scoped3A : memref<!tpu.dma_semaphore, #tpu.memory_space<semaphore_mem>>) src(%dma_wait3A_92 : memref<40x128xi32, #tpu.memory_space<hbm>>) dst(%arg8 : memref<40x128xi32, #tpu.memory_space<vmem>>)
      tpu.yield
    }) : () -> ()
    %dma_start3A = arith.constant 0 : i32
    %dma_start3A_7 = arith.constant 0 : i32
    %dma_start3A_8 = tpu.memref_slice %arg7[%dma_start3A, %dma_start3A_7] : memref<40x128xi32, #tpu.memory_space<vmem>> -> memref<1x128xi32, #tpu.memory_space<vmem>>
    %dma_start3A_9 = tpu.memref_squeeze %dma_start3A_8 : memref<1x128xi32, #tpu.memory_space<vmem>> -> memref<128xi32, #tpu.memory_space<vmem>>
    %dma_start3A_10 = arith.constant 0 : i32
    %dma_start3A_11 = arith.constant 0 : i32
    %dma_start3A_12 = tpu.memref_slice %arg2[%dma_start3A_10, %dma_start3A_11] : memref<10000x128xf32, #tpu.memory_space<hbm>> -> memref<10000x128xf32, #tpu.memory_space<hbm>>
    tpu.enqueue_indirect_dma source(%dma_start3A_12 : memref<10000x128xf32, #tpu.memory_space<hbm>>) target(%arg9 : memref<128x128xf32, #tpu.memory_space<vmem>>) offsets(%dma_start3A_9 : memref<128xi32, #tpu.memory_space<vmem>>) semaphore(%arg12 : memref<!tpu.dma_semaphore, #tpu.memory_space<semaphore_mem>>)
    %dma_start3A_13 = arith.constant 1 : i32
    %dma_start3A_14 = arith.constant 0 : i32
    %dma_start3A_15 = tpu.memref_slice %arg7[%dma_start3A_13, %dma_start3A_14] : memref<40x128xi32, #tpu.memory_space<vmem>> -> memref<1x128xi32, #tpu.memory_space<vmem>>
    %dma_start3A_16 = tpu.memref_squeeze %dma_start3A_15 : memref<1x128xi32, #tpu.memory_space<vmem>> -> memref<128xi32, #tpu.memory_space<vmem>>
    %dma_start3A_17 = arith.constant 0 : i32
    %dma_start3A_18 = arith.constant 0 : i32
    %dma_start3A_19 = tpu.memref_slice %arg2[%dma_start3A_17, %dma_start3A_18] : memref<10000x128xf32, #tpu.memory_space<hbm>> -> memref<10000x128xf32, #tpu.memory_space<hbm>>
    tpu.enqueue_indirect_dma source(%dma_start3A_19 : memref<10000x128xf32, #tpu.memory_space<hbm>>) target(%arg10 : memref<128x128xf32, #tpu.memory_space<vmem>>) offsets(%dma_start3A_16 : memref<128xi32, #tpu.memory_space<vmem>>) semaphore(%arg13 : memref<!tpu.dma_semaphore, #tpu.memory_space<semaphore_mem>>)
    %scan3A = arith.constant 0 : i32
    %scan3A_20 = arith.constant 0 : i32
    %scan3A_21 = arith.constant 20 : i32
    %scan3A_22 = arith.addi %scan3A_20, %scan3A_21 : i32
    %scan3A_23 = arith.constant 1 : i32
    scf.for %scan3A_77 = %scan3A_20 to %scan3A_22 step %scan3A_23  : i32 {
      %mul3A_78 = arith.constant 2 : i32
      %mul3A_79 = arith.muli %mul3A_78, %scan3A_77 : i32
      %add3A_80 = arith.constant 0 : i32
      %add3A_81 = arith.addi %mul3A_79, %add3A_80 : i32
      %dma_wait3A_82 = arith.constant 0 : i32
      %dma_wait3A_83 = tpu.memref_slice %arg7[%add3A_81, %dma_wait3A_82] : memref<40x128xi32, #tpu.memory_space<vmem>> -> memref<1x128xi32, #tpu.memory_space<vmem>>
      %dma_wait3A_84 = tpu.memref_squeeze %dma_wait3A_83 : memref<1x128xi32, #tpu.memory_space<vmem>> -> memref<128xi32, #tpu.memory_space<vmem>>
      %dma_wait3A_85 = arith.constant 0 : i32
      %dma_wait3A_86 = arith.constant 0 : i32
      %dma_wait3A_87 = tpu.memref_slice %arg2[%dma_wait3A_85, %dma_wait3A_86] : memref<10000x128xf32, #tpu.memory_space<hbm>> -> memref<10000x128xf32, #tpu.memory_space<hbm>>
      tpu.wait_indirect_dma semaphore(%arg12 : memref<!tpu.dma_semaphore, #tpu.memory_space<semaphore_mem>>) src(%dma_wait3A_87 : memref<10000x128xf32, #tpu.memory_space<hbm>>) dst(%arg9 : memref<128x128xf32, #tpu.memory_space<vmem>>)
      "tpu.region"() ({
        %run_scoped3A = tpu.sem_alloc : memref<!tpu.dma_semaphore, #tpu.memory_space<semaphore_mem>>
        %dma_start3A_117 = arith.constant 0 : i32
        %dma_start3A_118 = tpu.memref_slice %arg8[%add3A_81, %dma_start3A_117] : memref<40x128xi32, #tpu.memory_space<vmem>> -> memref<1x128xi32, #tpu.memory_space<vmem>>
        %dma_start3A_119 = tpu.memref_squeeze %dma_start3A_118 : memref<1x128xi32, #tpu.memory_space<vmem>> -> memref<128xi32, #tpu.memory_space<vmem>>
        %dma_start3A_120 = arith.constant 0 : i32
        %dma_start3A_121 = arith.constant 0 : i32
        %dma_start3A_122 = tpu.memref_slice %arg11[%dma_start3A_120, %dma_start3A_121] : memref<10112x128xf32, #tpu.memory_space<vmem_shared>> -> memref<10112x128xf32, #tpu.memory_space<vmem_shared>>
        tpu.enqueue_indirect_dma source(%arg9 : memref<128x128xf32, #tpu.memory_space<vmem>>) target(%dma_start3A_122 : memref<10112x128xf32, #tpu.memory_space<vmem_shared>>) offsets(%dma_start3A_119 : memref<128xi32, #tpu.memory_space<vmem>>) semaphore(%run_scoped3A : memref<!tpu.dma_semaphore, #tpu.memory_space<semaphore_mem>>) {add = true}
        %dma_wait3A_123 = arith.constant 0 : i32
        %dma_wait3A_124 = tpu.memref_slice %arg8[%add3A_81, %dma_wait3A_123] : memref<40x128xi32, #tpu.memory_space<vmem>> -> memref<1x128xi32, #tpu.memory_space<vmem>>
        %dma_wait3A_125 = tpu.memref_squeeze %dma_wait3A_124 : memref<1x128xi32, #tpu.memory_space<vmem>> -> memref<128xi32, #tpu.memory_space<vmem>>
        %dma_wait3A_126 = arith.constant 0 : i32
        %dma_wait3A_127 = arith.constant 0 : i32
        %dma_wait3A_128 = tpu.memref_slice %arg11[%dma_wait3A_126, %dma_wait3A_127] : memref<10112x128xf32, #tpu.memory_space<vmem_shared>> -> memref<10112x128xf32, #tpu.memory_space<vmem_shared>>
        tpu.wait_indirect_dma semaphore(%run_scoped3A : memref<!tpu.dma_semaphore, #tpu.memory_space<semaphore_mem>>) src(%arg9 : memref<128x128xf32, #tpu.memory_space<vmem>>) dst(%dma_wait3A_128 : memref<10112x128xf32, #tpu.memory_space<vmem_shared>>)
        tpu.yield
      }) : () -> ()
      %add3A_88 = arith.constant 2 : i32
      %add3A_89 = arith.addi %add3A_81, %add3A_88 : i32
      %min3A = arith.constant 38 : i32
      %min3A_90 = arith.minsi %add3A_89, %min3A : i32
      %dma_start3A_91 = arith.constant 0 : i32
      %dma_start3A_92 = tpu.memref_slice %arg7[%min3A_90, %dma_start3A_91] : memref<40x128xi32, #tpu.memory_space<vmem>> -> memref<1x128xi32, #tpu.memory_space<vmem>>
      %dma_start3A_93 = tpu.memref_squeeze %dma_start3A_92 : memref<1x128xi32, #tpu.memory_space<vmem>> -> memref<128xi32, #tpu.memory_space<vmem>>
      %dma_start3A_94 = arith.constant 0 : i32
      %dma_start3A_95 = arith.constant 0 : i32
      %dma_start3A_96 = tpu.memref_slice %arg2[%dma_start3A_94, %dma_start3A_95] : memref<10000x128xf32, #tpu.memory_space<hbm>> -> memref<10000x128xf32, #tpu.memory_space<hbm>>
      tpu.enqueue_indirect_dma source(%dma_start3A_96 : memref<10000x128xf32, #tpu.memory_space<hbm>>) target(%arg9 : memref<128x128xf32, #tpu.memory_space<vmem>>) offsets(%dma_start3A_93 : memref<128xi32, #tpu.memory_space<vmem>>) semaphore(%arg12 : memref<!tpu.dma_semaphore, #tpu.memory_space<semaphore_mem>>)
      %mul3A_97 = arith.constant 2 : i32
      %mul3A_98 = arith.muli %mul3A_97, %scan3A_77 : i32
      %add3A_99 = arith.constant 1 : i32
      %add3A_100 = arith.addi %mul3A_98, %add3A_99 : i32
      %dma_wait3A_101 = arith.constant 0 : i32
      %dma_wait3A_102 = tpu.memref_slice %arg7[%add3A_100, %dma_wait3A_101] : memref<40x128xi32, #tpu.memory_space<vmem>> -> memref<1x128xi32, #tpu.memory_space<vmem>>
      %dma_wait3A_103 = tpu.memref_squeeze %dma_wait3A_102 : memref<1x128xi32, #tpu.memory_space<vmem>> -> memref<128xi32, #tpu.memory_space<vmem>>
      %dma_wait3A_104 = arith.constant 0 : i32
      %dma_wait3A_105 = arith.constant 0 : i32
      %dma_wait3A_106 = tpu.memref_slice %arg2[%dma_wait3A_104, %dma_wait3A_105] : memref<10000x128xf32, #tpu.memory_space<hbm>> -> memref<10000x128xf32, #tpu.memory_space<hbm>>
      tpu.wait_indirect_dma semaphore(%arg13 : memref<!tpu.dma_semaphore, #tpu.memory_space<semaphore_mem>>) src(%dma_wait3A_106 : memref<10000x128xf32, #tpu.memory_space<hbm>>) dst(%arg10 : memref<128x128xf32, #tpu.memory_space<vmem>>)
      "tpu.region"() ({
        %run_scoped3A = tpu.sem_alloc : memref<!tpu.dma_semaphore, #tpu.memory_space<semaphore_mem>>
        %dma_start3A_117 = arith.constant 0 : i32
        %dma_start3A_118 = tpu.memref_slice %arg8[%add3A_100, %dma_start3A_117] : memref<40x128xi32, #tpu.memory_space<vmem>> -> memref<1x128xi32, #tpu.memory_space<vmem>>
        %dma_start3A_119 = tpu.memref_squeeze %dma_start3A_118 : memref<1x128xi32, #tpu.memory_space<vmem>> -> memref<128xi32, #tpu.memory_space<vmem>>
        %dma_start3A_120 = arith.constant 0 : i32
        %dma_start3A_121 = arith.constant 0 : i32
        %dma_start3A_122 = tpu.memref_slice %arg11[%dma_start3A_120, %dma_start3A_121] : memref<10112x128xf32, #tpu.memory_space<vmem_shared>> -> memref<10112x128xf32, #tpu.memory_space<vmem_shared>>
        tpu.enqueue_indirect_dma source(%arg10 : memref<128x128xf32, #tpu.memory_space<vmem>>) target(%dma_start3A_122 : memref<10112x128xf32, #tpu.memory_space<vmem_shared>>) offsets(%dma_start3A_119 : memref<128xi32, #tpu.memory_space<vmem>>) semaphore(%run_scoped3A : memref<!tpu.dma_semaphore, #tpu.memory_space<semaphore_mem>>) {add = true}
        %dma_wait3A_123 = arith.constant 0 : i32
        %dma_wait3A_124 = tpu.memref_slice %arg8[%add3A_100, %dma_wait3A_123] : memref<40x128xi32, #tpu.memory_space<vmem>> -> memref<1x128xi32, #tpu.memory_space<vmem>>
        %dma_wait3A_125 = tpu.memref_squeeze %dma_wait3A_124 : memref<1x128xi32, #tpu.memory_space<vmem>> -> memref<128xi32, #tpu.memory_space<vmem>>
        %dma_wait3A_126 = arith.constant 0 : i32
        %dma_wait3A_127 = arith.constant 0 : i32
        %dma_wait3A_128 = tpu.memref_slice %arg11[%dma_wait3A_126, %dma_wait3A_127] : memref<10112x128xf32, #tpu.memory_space<vmem_shared>> -> memref<10112x128xf32, #tpu.memory_space<vmem_shared>>
        tpu.wait_indirect_dma semaphore(%run_scoped3A : memref<!tpu.dma_semaphore, #tpu.memory_space<semaphore_mem>>) src(%arg10 : memref<128x128xf32, #tpu.memory_space<vmem>>) dst(%dma_wait3A_128 : memref<10112x128xf32, #tpu.memory_space<vmem_shared>>)
        tpu.yield
      }) : () -> ()
      %add3A_107 = arith.constant 2 : i32
      %add3A_108 = arith.addi %add3A_100, %add3A_107 : i32
      %min3A_109 = arith.constant 39 : i32
      %min3A_110 = arith.minsi %add3A_108, %min3A_109 : i32
      %dma_start3A_111 = arith.constant 0 : i32
      %dma_start3A_112 = tpu.memref_slice %arg7[%min3A_110, %dma_start3A_111] : memref<40x128xi32, #tpu.memory_space<vmem>> -> memref<1x128xi32, #tpu.memory_space<vmem>>
      %dma_start3A_113 = tpu.memref_squeeze %dma_start3A_112 : memref<1x128xi32, #tpu.memory_space<vmem>> -> memref<128xi32, #tpu.memory_space<vmem>>
      %dma_start3A_114 = arith.constant 0 : i32
      %dma_start3A_115 = arith.constant 0 : i32
      %dma_start3A_116 = tpu.memref_slice %arg2[%dma_start3A_114, %dma_start3A_115] : memref<10000x128xf32, #tpu.memory_space<hbm>> -> memref<10000x128xf32, #tpu.memory_space<hbm>>
      tpu.enqueue_indirect_dma source(%dma_start3A_116 : memref<10000x128xf32, #tpu.memory_space<hbm>>) target(%arg10 : memref<128x128xf32, #tpu.memory_space<vmem>>) offsets(%dma_start3A_113 : memref<128xi32, #tpu.memory_space<vmem>>) semaphore(%arg13 : memref<!tpu.dma_semaphore, #tpu.memory_space<semaphore_mem>>)
    }
    %scan3A_24 = arith.constant 20 : i32
    %dma_wait3A = arith.constant 38 : i32
    %dma_wait3A_25 = arith.constant 0 : i32
    %dma_wait3A_26 = tpu.memref_slice %arg7[%dma_wait3A, %dma_wait3A_25] : memref<40x128xi32, #tpu.memory_space<vmem>> -> memref<1x128xi32, #tpu.memory_space<vmem>>
    %dma_wait3A_27 = tpu.memref_squeeze %dma_wait3A_26 : memref<1x128xi32, #tpu.memory_space<vmem>> -> memref<128xi32, #tpu.memory_space<vmem>>
    %dma_wait3A_28 = arith.constant 0 : i32
    %dma_wait3A_29 = arith.constant 0 : i32
    %dma_wait3A_30 = tpu.memref_slice %arg2[%dma_wait3A_28, %dma_wait3A_29] : memref<10000x128xf32, #tpu.memory_space<hbm>> -> memref<10000x128xf32, #tpu.memory_space<hbm>>
    tpu.wait_indirect_dma semaphore(%arg12 : memref<!tpu.dma_semaphore, #tpu.memory_space<semaphore_mem>>) src(%dma_wait3A_30 : memref<10000x128xf32, #tpu.memory_space<hbm>>) dst(%arg9 : memref<128x128xf32, #tpu.memory_space<vmem>>)
    %dma_wait3A_31 = arith.constant 39 : i32
    %dma_wait3A_32 = arith.constant 0 : i32
    %dma_wait3A_33 = tpu.memref_slice %arg7[%dma_wait3A_31, %dma_wait3A_32] : memref<40x128xi32, #tpu.memory_space<vmem>> -> memref<1x128xi32, #tpu.memory_space<vmem>>
    %dma_wait3A_34 = tpu.memref_squeeze %dma_wait3A_33 : memref<1x128xi32, #tpu.memory_space<vmem>> -> memref<128xi32, #tpu.memory_space<vmem>>
    %dma_wait3A_35 = arith.constant 0 : i32
    %dma_wait3A_36 = arith.constant 0 : i32
    %dma_wait3A_37 = tpu.memref_slice %arg2[%dma_wait3A_35, %dma_wait3A_36] : memref<10000x128xf32, #tpu.memory_space<hbm>> -> memref<10000x128xf32, #tpu.memory_space<hbm>>
    tpu.wait_indirect_dma semaphore(%arg13 : memref<!tpu.dma_semaphore, #tpu.memory_space<semaphore_mem>>) src(%dma_wait3A_37 : memref<10000x128xf32, #tpu.memory_space<hbm>>) dst(%arg10 : memref<128x128xf32, #tpu.memory_space<vmem>>)
    %mul3A_38 = arith.constant 2 : i32
    %mul3A_39 = arith.muli %add3A, %mul3A_38 : i32
    %add3A_40 = arith.constant 1 : i32
    %add3A_41 = arith.addi %mul3A_39, %add3A_40 : i32
    "tpu.region"() ({
      %run_scoped3A = tpu.sem_alloc : memref<!tpu.dma_semaphore, #tpu.memory_space<semaphore_mem>>
      %dma_start3A_77 = arith.constant 0 : i32
      %dma_start3A_78 = arith.constant 0 : i32
      %dma_start3A_79 = tpu.memref_slice %arg3[%add3A_41, %dma_start3A_77, %dma_start3A_78] : memref<64x40x128xi32, #tpu.memory_space<hbm>> -> memref<1x40x128xi32, #tpu.memory_space<hbm>>
      %dma_start3A_80 = tpu.memref_squeeze %dma_start3A_79 : memref<1x40x128xi32, #tpu.memory_space<hbm>> -> memref<40x128xi32, #tpu.memory_space<hbm>>
      %dma_start3A_81 = arith.constant 0 : i32
      %dma_start3A_82 = arith.constant 0 : i32
      %dma_start3A_83 = tpu.memref_slice %arg3[%add3A_41, %dma_start3A_81, %dma_start3A_82] : memref<64x40x128xi32, #tpu.memory_space<hbm>> -> memref<1x40x128xi32, #tpu.memory_space<hbm>>
      %dma_start3A_84 = tpu.memref_squeeze %dma_start3A_83 : memref<1x40x128xi32, #tpu.memory_space<hbm>> -> memref<40x128xi32, #tpu.memory_space<hbm>>
      tpu.enqueue_dma source(%dma_start3A_84 : memref<40x128xi32, #tpu.memory_space<hbm>>) target(%arg7 : memref<40x128xi32, #tpu.memory_space<vmem>>) target_semaphore(%run_scoped3A : memref<!tpu.dma_semaphore, #tpu.memory_space<semaphore_mem>>)
      %dma_wait3A_85 = arith.constant 0 : i32
      %dma_wait3A_86 = arith.constant 0 : i32
      %dma_wait3A_87 = tpu.memref_slice %arg3[%add3A_41, %dma_wait3A_85, %dma_wait3A_86] : memref<64x40x128xi32, #tpu.memory_space<hbm>> -> memref<1x40x128xi32, #tpu.memory_space<hbm>>
      %dma_wait3A_88 = tpu.memref_squeeze %dma_wait3A_87 : memref<1x40x128xi32, #tpu.memory_space<hbm>> -> memref<40x128xi32, #tpu.memory_space<hbm>>
      %dma_wait3A_89 = arith.constant 0 : i32
      %dma_wait3A_90 = arith.constant 0 : i32
      %dma_wait3A_91 = tpu.memref_slice %arg3[%add3A_41, %dma_wait3A_89, %dma_wait3A_90] : memref<64x40x128xi32, #tpu.memory_space<hbm>> -> memref<1x40x128xi32, #tpu.memory_space<hbm>>
      %dma_wait3A_92 = tpu.memref_squeeze %dma_wait3A_91 : memref<1x40x128xi32, #tpu.memory_space<hbm>> -> memref<40x128xi32, #tpu.memory_space<hbm>>
      tpu.wait_dma2 semaphore(%run_scoped3A : memref<!tpu.dma_semaphore, #tpu.memory_space<semaphore_mem>>) src(%dma_wait3A_92 : memref<40x128xi32, #tpu.memory_space<hbm>>) dst(%arg7 : memref<40x128xi32, #tpu.memory_space<vmem>>)
      tpu.yield
    }) : () -> ()
    "tpu.region"() ({
      %run_scoped3A = tpu.sem_alloc : memref<!tpu.dma_semaphore, #tpu.memory_space<semaphore_mem>>
      %dma_start3A_77 = arith.constant 0 : i32
      %dma_start3A_78 = arith.constant 0 : i32
      %dma_start3A_79 = tpu.memref_slice %arg4[%add3A_41, %dma_start3A_77, %dma_start3A_78] : memref<64x40x128xi32, #tpu.memory_space<hbm>> -> memref<1x40x128xi32, #tpu.memory_space<hbm>>
      %dma_start3A_80 = tpu.memref_squeeze %dma_start3A_79 : memref<1x40x128xi32, #tpu.memory_space<hbm>> -> memref<40x128xi32, #tpu.memory_space<hbm>>
      %dma_start3A_81 = arith.constant 0 : i32
      %dma_start3A_82 = arith.constant 0 : i32
      %dma_start3A_83 = tpu.memref_slice %arg4[%add3A_41, %dma_start3A_81, %dma_start3A_82] : memref<64x40x128xi32, #tpu.memory_space<hbm>> -> memref<1x40x128xi32, #tpu.memory_space<hbm>>
      %dma_start3A_84 = tpu.memref_squeeze %dma_start3A_83 : memref<1x40x128xi32, #tpu.memory_space<hbm>> -> memref<40x128xi32, #tpu.memory_space<hbm>>
      tpu.enqueue_dma source(%dma_start3A_84 : memref<40x128xi32, #tpu.memory_space<hbm>>) target(%arg8 : memref<40x128xi32, #tpu.memory_space<vmem>>) target_semaphore(%run_scoped3A : memref<!tpu.dma_semaphore, #tpu.memory_space<semaphore_mem>>)
      %dma_wait3A_85 = arith.constant 0 : i32
      %dma_wait3A_86 = arith.constant 0 : i32
      %dma_wait3A_87 = tpu.memref_slice %arg4[%add3A_41, %dma_wait3A_85, %dma_wait3A_86] : memref<64x40x128xi32, #tpu.memory_space<hbm>> -> memref<1x40x128xi32, #tpu.memory_space<hbm>>
      %dma_wait3A_88 = tpu.memref_squeeze %dma_wait3A_87 : memref<1x40x128xi32, #tpu.memory_space<hbm>> -> memref<40x128xi32, #tpu.memory_space<hbm>>
      %dma_wait3A_89 = arith.constant 0 : i32
      %dma_wait3A_90 = arith.constant 0 : i32
      %dma_wait3A_91 = tpu.memref_slice %arg4[%add3A_41, %dma_wait3A_89, %dma_wait3A_90] : memref<64x40x128xi32, #tpu.memory_space<hbm>> -> memref<1x40x128xi32, #tpu.memory_space<hbm>>
      %dma_wait3A_92 = tpu.memref_squeeze %dma_wait3A_91 : memref<1x40x128xi32, #tpu.memory_space<hbm>> -> memref<40x128xi32, #tpu.memory_space<hbm>>
      tpu.wait_dma2 semaphore(%run_scoped3A : memref<!tpu.dma_semaphore, #tpu.memory_space<semaphore_mem>>) src(%dma_wait3A_92 : memref<40x128xi32, #tpu.memory_space<hbm>>) dst(%arg8 : memref<40x128xi32, #tpu.memory_space<vmem>>)
      tpu.yield
    }) : () -> ()
    %dma_start3A_42 = arith.constant 0 : i32
    %dma_start3A_43 = arith.constant 0 : i32
    %dma_start3A_44 = tpu.memref_slice %arg7[%dma_start3A_42, %dma_start3A_43] : memref<40x128xi32, #tpu.memory_space<vmem>> -> memref<1x128xi32, #tpu.memory_space<vmem>>
    %dma_start3A_45 = tpu.memref_squeeze %dma_start3A_44 : memref<1x128xi32, #tpu.memory_space<vmem>> -> memref<128xi32, #tpu.memory_space<vmem>>
    %dma_start3A_46 = arith.constant 0 : i32
    %dma_start3A_47 = arith.constant 0 : i32
    %dma_start3A_48 = tpu.memref_slice %arg2[%dma_start3A_46, %dma_start3A_47] : memref<10000x128xf32, #tpu.memory_space<hbm>> -> memref<10000x128xf32, #tpu.memory_space<hbm>>
    tpu.enqueue_indirect_dma source(%dma_start3A_48 : memref<10000x128xf32, #tpu.memory_space<hbm>>) target(%arg9 : memref<128x128xf32, #tpu.memory_space<vmem>>) offsets(%dma_start3A_45 : memref<128xi32, #tpu.memory_space<vmem>>) semaphore(%arg12 : memref<!tpu.dma_semaphore, #tpu.memory_space<semaphore_mem>>)
    %dma_start3A_49 = arith.constant 1 : i32
    %dma_start3A_50 = arith.constant 0 : i32
    %dma_start3A_51 = tpu.memref_slice %arg7[%dma_start3A_49, %dma_start3A_50] : memref<40x128xi32, #tpu.memory_space<vmem>> -> memref<1x128xi32, #tpu.memory_space<vmem>>
    %dma_start3A_52 = tpu.memref_squeeze %dma_start3A_51 : memref<1x128xi32, #tpu.memory_space<vmem>> -> memref<128xi32, #tpu.memory_space<vmem>>
    %dma_start3A_53 = arith.constant 0 : i32
    %dma_start3A_54 = arith.constant 0 : i32
    %dma_start3A_55 = tpu.memref_slice %arg2[%dma_start3A_53, %dma_start3A_54] : memref<10000x128xf32, #tpu.memory_space<hbm>> -> memref<10000x128xf32, #tpu.memory_space<hbm>>
    tpu.enqueue_indirect_dma source(%dma_start3A_55 : memref<10000x128xf32, #tpu.memory_space<hbm>>) target(%arg10 : memref<128x128xf32, #tpu.memory_space<vmem>>) offsets(%dma_start3A_52 : memref<128xi32, #tpu.memory_space<vmem>>) semaphore(%arg13 : memref<!tpu.dma_semaphore, #tpu.memory_space<semaphore_mem>>)
    %scan3A_56 = arith.constant 0 : i32
    %scan3A_57 = arith.constant 0 : i32
    %scan3A_58 = arith.constant 20 : i32
    %scan3A_59 = arith.addi %scan3A_57, %scan3A_58 : i32
    %scan3A_60 = arith.constant 1 : i32
    scf.for %scan3A_77 = %scan3A_57 to %scan3A_59 step %scan3A_60  : i32 {
      %mul3A_78 = arith.constant 2 : i32
      %mul3A_79 = arith.muli %mul3A_78, %scan3A_77 : i32
      %add3A_80 = arith.constant 0 : i32
      %add3A_81 = arith.addi %mul3A_79, %add3A_80 : i32
      %dma_wait3A_82 = arith.constant 0 : i32
      %dma_wait3A_83 = tpu.memref_slice %arg7[%add3A_81, %dma_wait3A_82] : memref<40x128xi32, #tpu.memory_space<vmem>> -> memref<1x128xi32, #tpu.memory_space<vmem>>
      %dma_wait3A_84 = tpu.memref_squeeze %dma_wait3A_83 : memref<1x128xi32, #tpu.memory_space<vmem>> -> memref<128xi32, #tpu.memory_space<vmem>>
      %dma_wait3A_85 = arith.constant 0 : i32
      %dma_wait3A_86 = arith.constant 0 : i32
      %dma_wait3A_87 = tpu.memref_slice %arg2[%dma_wait3A_85, %dma_wait3A_86] : memref<10000x128xf32, #tpu.memory_space<hbm>> -> memref<10000x128xf32, #tpu.memory_space<hbm>>
      tpu.wait_indirect_dma semaphore(%arg12 : memref<!tpu.dma_semaphore, #tpu.memory_space<semaphore_mem>>) src(%dma_wait3A_87 : memref<10000x128xf32, #tpu.memory_space<hbm>>) dst(%arg9 : memref<128x128xf32, #tpu.memory_space<vmem>>)
      "tpu.region"() ({
        %run_scoped3A = tpu.sem_alloc : memref<!tpu.dma_semaphore, #tpu.memory_space<semaphore_mem>>
        %dma_start3A_117 = arith.constant 0 : i32
        %dma_start3A_118 = tpu.memref_slice %arg8[%add3A_81, %dma_start3A_117] : memref<40x128xi32, #tpu.memory_space<vmem>> -> memref<1x128xi32, #tpu.memory_space<vmem>>
        %dma_start3A_119 = tpu.memref_squeeze %dma_start3A_118 : memref<1x128xi32, #tpu.memory_space<vmem>> -> memref<128xi32, #tpu.memory_space<vmem>>
        %dma_start3A_120 = arith.constant 0 : i32
        %dma_start3A_121 = arith.constant 0 : i32
        %dma_start3A_122 = tpu.memref_slice %arg11[%dma_start3A_120, %dma_start3A_121] : memref<10112x128xf32, #tpu.memory_space<vmem_shared>> -> memref<10112x128xf32, #tpu.memory_space<vmem_shared>>
        tpu.enqueue_indirect_dma source(%arg9 : memref<128x128xf32, #tpu.memory_space<vmem>>) target(%dma_start3A_122 : memref<10112x128xf32, #tpu.memory_space<vmem_shared>>) offsets(%dma_start3A_119 : memref<128xi32, #tpu.memory_space<vmem>>) semaphore(%run_scoped3A : memref<!tpu.dma_semaphore, #tpu.memory_space<semaphore_mem>>) {add = true}
        %dma_wait3A_123 = arith.constant 0 : i32
        %dma_wait3A_124 = tpu.memref_slice %arg8[%add3A_81, %dma_wait3A_123] : memref<40x128xi32, #tpu.memory_space<vmem>> -> memref<1x128xi32, #tpu.memory_space<vmem>>
        %dma_wait3A_125 = tpu.memref_squeeze %dma_wait3A_124 : memref<1x128xi32, #tpu.memory_space<vmem>> -> memref<128xi32, #tpu.memory_space<vmem>>
        %dma_wait3A_126 = arith.constant 0 : i32
        %dma_wait3A_127 = arith.constant 0 : i32
        %dma_wait3A_128 = tpu.memref_slice %arg11[%dma_wait3A_126, %dma_wait3A_127] : memref<10112x128xf32, #tpu.memory_space<vmem_shared>> -> memref<10112x128xf32, #tpu.memory_space<vmem_shared>>
        tpu.wait_indirect_dma semaphore(%run_scoped3A : memref<!tpu.dma_semaphore, #tpu.memory_space<semaphore_mem>>) src(%arg9 : memref<128x128xf32, #tpu.memory_space<vmem>>) dst(%dma_wait3A_128 : memref<10112x128xf32, #tpu.memory_space<vmem_shared>>)
        tpu.yield
      }) : () -> ()
      %add3A_88 = arith.constant 2 : i32
      %add3A_89 = arith.addi %add3A_81, %add3A_88 : i32
      %min3A = arith.constant 38 : i32
      %min3A_90 = arith.minsi %add3A_89, %min3A : i32
      %dma_start3A_91 = arith.constant 0 : i32
      %dma_start3A_92 = tpu.memref_slice %arg7[%min3A_90, %dma_start3A_91] : memref<40x128xi32, #tpu.memory_space<vmem>> -> memref<1x128xi32, #tpu.memory_space<vmem>>
      %dma_start3A_93 = tpu.memref_squeeze %dma_start3A_92 : memref<1x128xi32, #tpu.memory_space<vmem>> -> memref<128xi32, #tpu.memory_space<vmem>>
      %dma_start3A_94 = arith.constant 0 : i32
      %dma_start3A_95 = arith.constant 0 : i32
      %dma_start3A_96 = tpu.memref_slice %arg2[%dma_start3A_94, %dma_start3A_95] : memref<10000x128xf32, #tpu.memory_space<hbm>> -> memref<10000x128xf32, #tpu.memory_space<hbm>>
      tpu.enqueue_indirect_dma source(%dma_start3A_96 : memref<10000x128xf32, #tpu.memory_space<hbm>>) target(%arg9 : memref<128x128xf32, #tpu.memory_space<vmem>>) offsets(%dma_start3A_93 : memref<128xi32, #tpu.memory_space<vmem>>) semaphore(%arg12 : memref<!tpu.dma_semaphore, #tpu.memory_space<semaphore_mem>>)
      %mul3A_97 = arith.constant 2 : i32
      %mul3A_98 = arith.muli %mul3A_97, %scan3A_77 : i32
      %add3A_99 = arith.constant 1 : i32
      %add3A_100 = arith.addi %mul3A_98, %add3A_99 : i32
      %dma_wait3A_101 = arith.constant 0 : i32
      %dma_wait3A_102 = tpu.memref_slice %arg7[%add3A_100, %dma_wait3A_101] : memref<40x128xi32, #tpu.memory_space<vmem>> -> memref<1x128xi32, #tpu.memory_space<vmem>>
      %dma_wait3A_103 = tpu.memref_squeeze %dma_wait3A_102 : memref<1x128xi32, #tpu.memory_space<vmem>> -> memref<128xi32, #tpu.memory_space<vmem>>
      %dma_wait3A_104 = arith.constant 0 : i32
      %dma_wait3A_105 = arith.constant 0 : i32
      %dma_wait3A_106 = tpu.memref_slice %arg2[%dma_wait3A_104, %dma_wait3A_105] : memref<10000x128xf32, #tpu.memory_space<hbm>> -> memref<10000x128xf32, #tpu.memory_space<hbm>>
      tpu.wait_indirect_dma semaphore(%arg13 : memref<!tpu.dma_semaphore, #tpu.memory_space<semaphore_mem>>) src(%dma_wait3A_106 : memref<10000x128xf32, #tpu.memory_space<hbm>>) dst(%arg10 : memref<128x128xf32, #tpu.memory_space<vmem>>)
      "tpu.region"() ({
        %run_scoped3A = tpu.sem_alloc : memref<!tpu.dma_semaphore, #tpu.memory_space<semaphore_mem>>
        %dma_start3A_117 = arith.constant 0 : i32
        %dma_start3A_118 = tpu.memref_slice %arg8[%add3A_100, %dma_start3A_117] : memref<40x128xi32, #tpu.memory_space<vmem>> -> memref<1x128xi32, #tpu.memory_space<vmem>>
        %dma_start3A_119 = tpu.memref_squeeze %dma_start3A_118 : memref<1x128xi32, #tpu.memory_space<vmem>> -> memref<128xi32, #tpu.memory_space<vmem>>
        %dma_start3A_120 = arith.constant 0 : i32
        %dma_start3A_121 = arith.constant 0 : i32
        %dma_start3A_122 = tpu.memref_slice %arg11[%dma_start3A_120, %dma_start3A_121] : memref<10112x128xf32, #tpu.memory_space<vmem_shared>> -> memref<10112x128xf32, #tpu.memory_space<vmem_shared>>
        tpu.enqueue_indirect_dma source(%arg10 : memref<128x128xf32, #tpu.memory_space<vmem>>) target(%dma_start3A_122 : memref<10112x128xf32, #tpu.memory_space<vmem_shared>>) offsets(%dma_start3A_119 : memref<128xi32, #tpu.memory_space<vmem>>) semaphore(%run_scoped3A : memref<!tpu.dma_semaphore, #tpu.memory_space<semaphore_mem>>) {add = true}
        %dma_wait3A_123 = arith.constant 0 : i32
        %dma_wait3A_124 = tpu.memref_slice %arg8[%add3A_100, %dma_wait3A_123] : memref<40x128xi32, #tpu.memory_space<vmem>> -> memref<1x128xi32, #tpu.memory_space<vmem>>
        %dma_wait3A_125 = tpu.memref_squeeze %dma_wait3A_124 : memref<1x128xi32, #tpu.memory_space<vmem>> -> memref<128xi32, #tpu.memory_space<vmem>>
        %dma_wait3A_126 = arith.constant 0 : i32
        %dma_wait3A_127 = arith.constant 0 : i32
        %dma_wait3A_128 = tpu.memref_slice %arg11[%dma_wait3A_126, %dma_wait3A_127] : memref<10112x128xf32, #tpu.memory_space<vmem_shared>> -> memref<10112x128xf32, #tpu.memory_space<vmem_shared>>
        tpu.wait_indirect_dma semaphore(%run_scoped3A : memref<!tpu.dma_semaphore, #tpu.memory_space<semaphore_mem>>) src(%arg10 : memref<128x128xf32, #tpu.memory_space<vmem>>) dst(%dma_wait3A_128 : memref<10112x128xf32, #tpu.memory_space<vmem_shared>>)
        tpu.yield
      }) : () -> ()
      %add3A_107 = arith.constant 2 : i32
      %add3A_108 = arith.addi %add3A_100, %add3A_107 : i32
      %min3A_109 = arith.constant 39 : i32
      %min3A_110 = arith.minsi %add3A_108, %min3A_109 : i32
      %dma_start3A_111 = arith.constant 0 : i32
      %dma_start3A_112 = tpu.memref_slice %arg7[%min3A_110, %dma_start3A_111] : memref<40x128xi32, #tpu.memory_space<vmem>> -> memref<1x128xi32, #tpu.memory_space<vmem>>
      %dma_start3A_113 = tpu.memref_squeeze %dma_start3A_112 : memref<1x128xi32, #tpu.memory_space<vmem>> -> memref<128xi32, #tpu.memory_space<vmem>>
      %dma_start3A_114 = arith.constant 0 : i32
      %dma_start3A_115 = arith.constant 0 : i32
      %dma_start3A_116 = tpu.memref_slice %arg2[%dma_start3A_114, %dma_start3A_115] : memref<10000x128xf32, #tpu.memory_space<hbm>> -> memref<10000x128xf32, #tpu.memory_space<hbm>>
      tpu.enqueue_indirect_dma source(%dma_start3A_116 : memref<10000x128xf32, #tpu.memory_space<hbm>>) target(%arg10 : memref<128x128xf32, #tpu.memory_space<vmem>>) offsets(%dma_start3A_113 : memref<128xi32, #tpu.memory_space<vmem>>) semaphore(%arg13 : memref<!tpu.dma_semaphore, #tpu.memory_space<semaphore_mem>>)
    }
    %scan3A_61 = arith.constant 20 : i32
    %dma_wait3A_62 = arith.constant 38 : i32
    %dma_wait3A_63 = arith.constant 0 : i32
    %dma_wait3A_64 = tpu.memref_slice %arg7[%dma_wait3A_62, %dma_wait3A_63] : memref<40x128xi32, #tpu.memory_space<vmem>> -> memref<1x128xi32, #tpu.memory_space<vmem>>
    %dma_wait3A_65 = tpu.memref_squeeze %dma_wait3A_64 : memref<1x128xi32, #tpu.memory_space<vmem>> -> memref<128xi32, #tpu.memory_space<vmem>>
    %dma_wait3A_66 = arith.constant 0 : i32
    %dma_wait3A_67 = arith.constant 0 : i32
    %dma_wait3A_68 = tpu.memref_slice %arg2[%dma_wait3A_66, %dma_wait3A_67] : memref<10000x128xf32, #tpu.memory_space<hbm>> -> memref<10000x128xf32, #tpu.memory_space<hbm>>
    tpu.wait_indirect_dma semaphore(%arg12 : memref<!tpu.dma_semaphore, #tpu.memory_space<semaphore_mem>>) src(%dma_wait3A_68 : memref<10000x128xf32, #tpu.memory_space<hbm>>) dst(%arg9 : memref<128x128xf32, #tpu.memory_space<vmem>>)
    %dma_wait3A_69 = arith.constant 39 : i32
    %dma_wait3A_70 = arith.constant 0 : i32
    %dma_wait3A_71 = tpu.memref_slice %arg7[%dma_wait3A_69, %dma_wait3A_70] : memref<40x128xi32, #tpu.memory_space<vmem>> -> memref<1x128xi32, #tpu.memory_space<vmem>>
    %dma_wait3A_72 = tpu.memref_squeeze %dma_wait3A_71 : memref<1x128xi32, #tpu.memory_space<vmem>> -> memref<128xi32, #tpu.memory_space<vmem>>
    %dma_wait3A_73 = arith.constant 0 : i32
    %dma_wait3A_74 = arith.constant 0 : i32
    %dma_wait3A_75 = tpu.memref_slice %arg2[%dma_wait3A_73, %dma_wait3A_74] : memref<10000x128xf32, #tpu.memory_space<hbm>> -> memref<10000x128xf32, #tpu.memory_space<hbm>>
    tpu.wait_indirect_dma semaphore(%arg13 : memref<!tpu.dma_semaphore, #tpu.memory_space<semaphore_mem>>) src(%dma_wait3A_75 : memref<10000x128xf32, #tpu.memory_space<hbm>>) dst(%arg10 : memref<128x128xf32, #tpu.memory_space<vmem>>)
    %barrier3A_76 = arith.constant 0 : index
    tpu.barrier barrier_id(%barrier3A_76)
    "tpu.region"() ({
      %run_scoped3A = tpu.sem_alloc : memref<!tpu.dma_semaphore, #tpu.memory_space<semaphore_mem>>
      %dma_start3A_77 = arith.constant 0 : i32
      %dma_start3A_78 = tpu.memref_slice %arg6[%arg0, %mul3A_2, %dma_start3A_77] : memref<2x10112x128xf32, #tpu.memory_space<hbm>> -> memref<1x632x128xf32, #tpu.memory_space<hbm>>
      %dma_start3A_79 = tpu.memref_squeeze %dma_start3A_78 : memref<1x632x128xf32, #tpu.memory_space<hbm>> -> memref<632x128xf32, #tpu.memory_space<hbm>>
      %dma_start3A_80 = arith.constant 0 : i32
      %dma_start3A_81 = tpu.memref_slice %arg11[%mul3A_2, %dma_start3A_80] : memref<10112x128xf32, #tpu.memory_space<vmem_shared>> -> memref<632x128xf32, #tpu.memory_space<vmem_shared>>
      tpu.enqueue_dma source(%dma_start3A_81 : memref<632x128xf32, #tpu.memory_space<vmem_shared>>) target(%dma_start3A_79 : memref<632x128xf32, #tpu.memory_space<hbm>>) target_semaphore(%run_scoped3A : memref<!tpu.dma_semaphore, #tpu.memory_space<semaphore_mem>>)
      %dma_wait3A_82 = arith.constant 0 : i32
      %dma_wait3A_83 = tpu.memref_slice %arg6[%arg0, %mul3A_2, %dma_wait3A_82] : memref<2x10112x128xf32, #tpu.memory_space<hbm>> -> memref<1x632x128xf32, #tpu.memory_space<hbm>>
      %dma_wait3A_84 = tpu.memref_squeeze %dma_wait3A_83 : memref<1x632x128xf32, #tpu.memory_space<hbm>> -> memref<632x128xf32, #tpu.memory_space<hbm>>
      %dma_wait3A_85 = arith.constant 0 : i32
      %dma_wait3A_86 = tpu.memref_slice %arg11[%mul3A_2, %dma_wait3A_85] : memref<10112x128xf32, #tpu.memory_space<vmem_shared>> -> memref<632x128xf32, #tpu.memory_space<vmem_shared>>
      tpu.wait_dma2 semaphore(%run_scoped3A : memref<!tpu.dma_semaphore, #tpu.memory_space<semaphore_mem>>) src(%dma_wait3A_86 : memref<632x128xf32, #tpu.memory_space<vmem_shared>>) dst(%dma_wait3A_84 : memref<632x128xf32, #tpu.memory_space<hbm>>)
      tpu.yield
    }) : () -> ()
    return
  }
}

#map = affine_map<(d0, d1) -> (0, 0)>
#map1 = affine_map<(d0, d1) -> (0, 0, 0)>
module attributes {stable_mosaic.version = 14 : i64} {
  func.func @sc_gcn_agg(%arg0: i32, %arg1: i32, %arg2: memref<10000x128xf32, #tpu.memory_space<hbm>>, %arg3: memref<64x40x128xi32, #tpu.memory_space<hbm>>, %arg4: memref<64x40x128xi32, #tpu.memory_space<hbm>>, %arg5: memref<10112x128xf32, #tpu.memory_space<hbm>>, %arg6: memref<2x10112x128xf32, #tpu.memory_space<hbm>>, %arg7: memref<40x128xi32, #tpu.memory_space<vmem>>, %arg8: memref<40x128xi32, #tpu.memory_space<vmem>>, %arg9: memref<128x128xf32, #tpu.memory_space<vmem>>, %arg10: memref<128x128xf32, #tpu.memory_space<vmem>>, %arg11: memref<10112x128xf32, #tpu.memory_space<vmem_shared>>, %arg12: memref<!tpu.dma_semaphore, #tpu.memory_space<semaphore_mem>>, %arg13: memref<!tpu.dma_semaphore, #tpu.memory_space<semaphore_mem>>) attributes {dimension_semantics = [#tpu.dimension_semantics<core_parallel>, #tpu.dimension_semantics<subcore_parallel>], iteration_bounds = array<i64: 2, 16>, scalar_prefetch = 0 : i64, scratch_operands = 7 : i64, tpu.core_type = #tpu.core_type<sc_vector_subcore>, window_params = [{transform_indices = #map}, {transform_indices = #map1}, {transform_indices = #map1}, {transform_indices = #map}, {transform_indices = #map1}]} {
    %mul3A = arith.constant 16 : i32
    %mul3A_0 = arith.muli %arg0, %mul3A : i32
    %add3A = arith.addi %mul3A_0, %arg1 : i32
    %mul3A_1 = arith.constant 632 : i32
    %mul3A_2 = arith.muli %arg1, %mul3A_1 : i32
    "tpu.region"() ({
      %run_scoped3A = tpu.sem_alloc : memref<!tpu.dma_semaphore, #tpu.memory_space<semaphore_mem>>
      %dma_start3A_77 = arith.constant 0 : i32
      %dma_start3A_78 = tpu.memref_slice %arg11[%mul3A_2, %dma_start3A_77] : memref<10112x128xf32, #tpu.memory_space<vmem_shared>> -> memref<632x128xf32, #tpu.memory_space<vmem_shared>>
      %dma_start3A_79 = arith.constant 0 : i32
      %dma_start3A_80 = tpu.memref_slice %arg5[%mul3A_2, %dma_start3A_79] : memref<10112x128xf32, #tpu.memory_space<hbm>> -> memref<632x128xf32, #tpu.memory_space<hbm>>
      tpu.enqueue_dma source(%dma_start3A_80 : memref<632x128xf32, #tpu.memory_space<hbm>>) target(%dma_start3A_78 : memref<632x128xf32, #tpu.memory_space<vmem_shared>>) target_semaphore(%run_scoped3A : memref<!tpu.dma_semaphore, #tpu.memory_space<semaphore_mem>>)
      %dma_wait3A_81 = arith.constant 0 : i32
      %dma_wait3A_82 = tpu.memref_slice %arg11[%mul3A_2, %dma_wait3A_81] : memref<10112x128xf32, #tpu.memory_space<vmem_shared>> -> memref<632x128xf32, #tpu.memory_space<vmem_shared>>
      %dma_wait3A_83 = arith.constant 0 : i32
      %dma_wait3A_84 = tpu.memref_slice %arg5[%mul3A_2, %dma_wait3A_83] : memref<10112x128xf32, #tpu.memory_space<hbm>> -> memref<632x128xf32, #tpu.memory_space<hbm>>
      tpu.wait_dma2 semaphore(%run_scoped3A : memref<!tpu.dma_semaphore, #tpu.memory_space<semaphore_mem>>) src(%dma_wait3A_84 : memref<632x128xf32, #tpu.memory_space<hbm>>) dst(%dma_wait3A_82 : memref<632x128xf32, #tpu.memory_space<vmem_shared>>)
      tpu.yield
    }) : () -> ()
    %barrier3A = arith.constant 0 : index
    tpu.barrier barrier_id(%barrier3A)
    %mul3A_3 = arith.constant 2 : i32
    %mul3A_4 = arith.muli %add3A, %mul3A_3 : i32
    %add3A_5 = arith.constant 0 : i32
    %add3A_6 = arith.addi %mul3A_4, %add3A_5 : i32
    "tpu.region"() ({
      %run_scoped3A = tpu.sem_alloc : memref<!tpu.dma_semaphore, #tpu.memory_space<semaphore_mem>>
      %dma_start3A_77 = arith.constant 0 : i32
      %dma_start3A_78 = arith.constant 0 : i32
      %dma_start3A_79 = tpu.memref_slice %arg3[%add3A_6, %dma_start3A_77, %dma_start3A_78] : memref<64x40x128xi32, #tpu.memory_space<hbm>> -> memref<1x40x128xi32, #tpu.memory_space<hbm>>
      %dma_start3A_80 = tpu.memref_squeeze %dma_start3A_79 : memref<1x40x128xi32, #tpu.memory_space<hbm>> -> memref<40x128xi32, #tpu.memory_space<hbm>>
      %dma_start3A_81 = arith.constant 0 : i32
      %dma_start3A_82 = arith.constant 0 : i32
      %dma_start3A_83 = tpu.memref_slice %arg3[%add3A_6, %dma_start3A_81, %dma_start3A_82] : memref<64x40x128xi32, #tpu.memory_space<hbm>> -> memref<1x40x128xi32, #tpu.memory_space<hbm>>
      %dma_start3A_84 = tpu.memref_squeeze %dma_start3A_83 : memref<1x40x128xi32, #tpu.memory_space<hbm>> -> memref<40x128xi32, #tpu.memory_space<hbm>>
      tpu.enqueue_dma source(%dma_start3A_84 : memref<40x128xi32, #tpu.memory_space<hbm>>) target(%arg7 : memref<40x128xi32, #tpu.memory_space<vmem>>) target_semaphore(%run_scoped3A : memref<!tpu.dma_semaphore, #tpu.memory_space<semaphore_mem>>)
      %dma_wait3A_85 = arith.constant 0 : i32
      %dma_wait3A_86 = arith.constant 0 : i32
      %dma_wait3A_87 = tpu.memref_slice %arg3[%add3A_6, %dma_wait3A_85, %dma_wait3A_86] : memref<64x40x128xi32, #tpu.memory_space<hbm>> -> memref<1x40x128xi32, #tpu.memory_space<hbm>>
      %dma_wait3A_88 = tpu.memref_squeeze %dma_wait3A_87 : memref<1x40x128xi32, #tpu.memory_space<hbm>> -> memref<40x128xi32, #tpu.memory_space<hbm>>
      %dma_wait3A_89 = arith.constant 0 : i32
      %dma_wait3A_90 = arith.constant 0 : i32
      %dma_wait3A_91 = tpu.memref_slice %arg3[%add3A_6, %dma_wait3A_89, %dma_wait3A_90] : memref<64x40x128xi32, #tpu.memory_space<hbm>> -> memref<1x40x128xi32, #tpu.memory_space<hbm>>
      %dma_wait3A_92 = tpu.memref_squeeze %dma_wait3A_91 : memref<1x40x128xi32, #tpu.memory_space<hbm>> -> memref<40x128xi32, #tpu.memory_space<hbm>>
      tpu.wait_dma2 semaphore(%run_scoped3A : memref<!tpu.dma_semaphore, #tpu.memory_space<semaphore_mem>>) src(%dma_wait3A_92 : memref<40x128xi32, #tpu.memory_space<hbm>>) dst(%arg7 : memref<40x128xi32, #tpu.memory_space<vmem>>)
      tpu.yield
    }) : () -> ()
    "tpu.region"() ({
      %run_scoped3A = tpu.sem_alloc : memref<!tpu.dma_semaphore, #tpu.memory_space<semaphore_mem>>
      %dma_start3A_77 = arith.constant 0 : i32
      %dma_start3A_78 = arith.constant 0 : i32
      %dma_start3A_79 = tpu.memref_slice %arg4[%add3A_6, %dma_start3A_77, %dma_start3A_78] : memref<64x40x128xi32, #tpu.memory_space<hbm>> -> memref<1x40x128xi32, #tpu.memory_space<hbm>>
      %dma_start3A_80 = tpu.memref_squeeze %dma_start3A_79 : memref<1x40x128xi32, #tpu.memory_space<hbm>> -> memref<40x128xi32, #tpu.memory_space<hbm>>
      %dma_start3A_81 = arith.constant 0 : i32
      %dma_start3A_82 = arith.constant 0 : i32
      %dma_start3A_83 = tpu.memref_slice %arg4[%add3A_6, %dma_start3A_81, %dma_start3A_82] : memref<64x40x128xi32, #tpu.memory_space<hbm>> -> memref<1x40x128xi32, #tpu.memory_space<hbm>>
      %dma_start3A_84 = tpu.memref_squeeze %dma_start3A_83 : memref<1x40x128xi32, #tpu.memory_space<hbm>> -> memref<40x128xi32, #tpu.memory_space<hbm>>
      tpu.enqueue_dma source(%dma_start3A_84 : memref<40x128xi32, #tpu.memory_space<hbm>>) target(%arg8 : memref<40x128xi32, #tpu.memory_space<vmem>>) target_semaphore(%run_scoped3A : memref<!tpu.dma_semaphore, #tpu.memory_space<semaphore_mem>>)
      %dma_wait3A_85 = arith.constant 0 : i32
      %dma_wait3A_86 = arith.constant 0 : i32
      %dma_wait3A_87 = tpu.memref_slice %arg4[%add3A_6, %dma_wait3A_85, %dma_wait3A_86] : memref<64x40x128xi32, #tpu.memory_space<hbm>> -> memref<1x40x128xi32, #tpu.memory_space<hbm>>
      %dma_wait3A_88 = tpu.memref_squeeze %dma_wait3A_87 : memref<1x40x128xi32, #tpu.memory_space<hbm>> -> memref<40x128xi32, #tpu.memory_space<hbm>>
      %dma_wait3A_89 = arith.constant 0 : i32
      %dma_wait3A_90 = arith.constant 0 : i32
      %dma_wait3A_91 = tpu.memref_slice %arg4[%add3A_6, %dma_wait3A_89, %dma_wait3A_90] : memref<64x40x128xi32, #tpu.memory_space<hbm>> -> memref<1x40x128xi32, #tpu.memory_space<hbm>>
      %dma_wait3A_92 = tpu.memref_squeeze %dma_wait3A_91 : memref<1x40x128xi32, #tpu.memory_space<hbm>> -> memref<40x128xi32, #tpu.memory_space<hbm>>
      tpu.wait_dma2 semaphore(%run_scoped3A : memref<!tpu.dma_semaphore, #tpu.memory_space<semaphore_mem>>) src(%dma_wait3A_92 : memref<40x128xi32, #tpu.memory_space<hbm>>) dst(%arg8 : memref<40x128xi32, #tpu.memory_space<vmem>>)
      tpu.yield
    }) : () -> ()
    %dma_start3A = arith.constant 0 : i32
    %dma_start3A_7 = arith.constant 0 : i32
    %dma_start3A_8 = tpu.memref_slice %arg7[%dma_start3A, %dma_start3A_7] : memref<40x128xi32, #tpu.memory_space<vmem>> -> memref<1x128xi32, #tpu.memory_space<vmem>>
    %dma_start3A_9 = tpu.memref_squeeze %dma_start3A_8 : memref<1x128xi32, #tpu.memory_space<vmem>> -> memref<128xi32, #tpu.memory_space<vmem>>
    %dma_start3A_10 = arith.constant 0 : i32
    %dma_start3A_11 = arith.constant 0 : i32
    %dma_start3A_12 = tpu.memref_slice %arg2[%dma_start3A_10, %dma_start3A_11] : memref<10000x128xf32, #tpu.memory_space<hbm>> -> memref<10000x128xf32, #tpu.memory_space<hbm>>
    tpu.enqueue_indirect_dma source(%dma_start3A_12 : memref<10000x128xf32, #tpu.memory_space<hbm>>) target(%arg9 : memref<128x128xf32, #tpu.memory_space<vmem>>) offsets(%dma_start3A_9 : memref<128xi32, #tpu.memory_space<vmem>>) semaphore(%arg12 : memref<!tpu.dma_semaphore, #tpu.memory_space<semaphore_mem>>)
    %dma_start3A_13 = arith.constant 1 : i32
    %dma_start3A_14 = arith.constant 0 : i32
    %dma_start3A_15 = tpu.memref_slice %arg7[%dma_start3A_13, %dma_start3A_14] : memref<40x128xi32, #tpu.memory_space<vmem>> -> memref<1x128xi32, #tpu.memory_space<vmem>>
    %dma_start3A_16 = tpu.memref_squeeze %dma_start3A_15 : memref<1x128xi32, #tpu.memory_space<vmem>> -> memref<128xi32, #tpu.memory_space<vmem>>
    %dma_start3A_17 = arith.constant 0 : i32
    %dma_start3A_18 = arith.constant 0 : i32
    %dma_start3A_19 = tpu.memref_slice %arg2[%dma_start3A_17, %dma_start3A_18] : memref<10000x128xf32, #tpu.memory_space<hbm>> -> memref<10000x128xf32, #tpu.memory_space<hbm>>
    tpu.enqueue_indirect_dma source(%dma_start3A_19 : memref<10000x128xf32, #tpu.memory_space<hbm>>) target(%arg10 : memref<128x128xf32, #tpu.memory_space<vmem>>) offsets(%dma_start3A_16 : memref<128xi32, #tpu.memory_space<vmem>>) semaphore(%arg13 : memref<!tpu.dma_semaphore, #tpu.memory_space<semaphore_mem>>)
    %scan3A = arith.constant 0 : i32
    %scan3A_20 = arith.constant 0 : i32
    %scan3A_21 = arith.constant 20 : i32
    %scan3A_22 = arith.addi %scan3A_20, %scan3A_21 : i32
    %scan3A_23 = arith.constant 1 : i32
    scf.for %scan3A_77 = %scan3A_20 to %scan3A_22 step %scan3A_23  : i32 {
      %mul3A_78 = arith.constant 2 : i32
      %mul3A_79 = arith.muli %mul3A_78, %scan3A_77 : i32
      %add3A_80 = arith.constant 0 : i32
      %add3A_81 = arith.addi %mul3A_79, %add3A_80 : i32
      %dma_wait3A_82 = arith.constant 0 : i32
      %dma_wait3A_83 = tpu.memref_slice %arg7[%add3A_81, %dma_wait3A_82] : memref<40x128xi32, #tpu.memory_space<vmem>> -> memref<1x128xi32, #tpu.memory_space<vmem>>
      %dma_wait3A_84 = tpu.memref_squeeze %dma_wait3A_83 : memref<1x128xi32, #tpu.memory_space<vmem>> -> memref<128xi32, #tpu.memory_space<vmem>>
      %dma_wait3A_85 = arith.constant 0 : i32
      %dma_wait3A_86 = arith.constant 0 : i32
      %dma_wait3A_87 = tpu.memref_slice %arg2[%dma_wait3A_85, %dma_wait3A_86] : memref<10000x128xf32, #tpu.memory_space<hbm>> -> memref<10000x128xf32, #tpu.memory_space<hbm>>
      tpu.wait_indirect_dma semaphore(%arg12 : memref<!tpu.dma_semaphore, #tpu.memory_space<semaphore_mem>>) src(%dma_wait3A_87 : memref<10000x128xf32, #tpu.memory_space<hbm>>) dst(%arg9 : memref<128x128xf32, #tpu.memory_space<vmem>>)
      "tpu.region"() ({
        %run_scoped3A = tpu.sem_alloc : memref<!tpu.dma_semaphore, #tpu.memory_space<semaphore_mem>>
        %dma_start3A_117 = arith.constant 0 : i32
        %dma_start3A_118 = tpu.memref_slice %arg8[%add3A_81, %dma_start3A_117] : memref<40x128xi32, #tpu.memory_space<vmem>> -> memref<1x128xi32, #tpu.memory_space<vmem>>
        %dma_start3A_119 = tpu.memref_squeeze %dma_start3A_118 : memref<1x128xi32, #tpu.memory_space<vmem>> -> memref<128xi32, #tpu.memory_space<vmem>>
        %dma_start3A_120 = arith.constant 0 : i32
        %dma_start3A_121 = arith.constant 0 : i32
        %dma_start3A_122 = tpu.memref_slice %arg11[%dma_start3A_120, %dma_start3A_121] : memref<10112x128xf32, #tpu.memory_space<vmem_shared>> -> memref<10112x128xf32, #tpu.memory_space<vmem_shared>>
        tpu.enqueue_indirect_dma source(%arg9 : memref<128x128xf32, #tpu.memory_space<vmem>>) target(%dma_start3A_122 : memref<10112x128xf32, #tpu.memory_space<vmem_shared>>) offsets(%dma_start3A_119 : memref<128xi32, #tpu.memory_space<vmem>>) semaphore(%run_scoped3A : memref<!tpu.dma_semaphore, #tpu.memory_space<semaphore_mem>>) {add = true}
        %dma_wait3A_123 = arith.constant 0 : i32
        %dma_wait3A_124 = tpu.memref_slice %arg8[%add3A_81, %dma_wait3A_123] : memref<40x128xi32, #tpu.memory_space<vmem>> -> memref<1x128xi32, #tpu.memory_space<vmem>>
        %dma_wait3A_125 = tpu.memref_squeeze %dma_wait3A_124 : memref<1x128xi32, #tpu.memory_space<vmem>> -> memref<128xi32, #tpu.memory_space<vmem>>
        %dma_wait3A_126 = arith.constant 0 : i32
        %dma_wait3A_127 = arith.constant 0 : i32
        %dma_wait3A_128 = tpu.memref_slice %arg11[%dma_wait3A_126, %dma_wait3A_127] : memref<10112x128xf32, #tpu.memory_space<vmem_shared>> -> memref<10112x128xf32, #tpu.memory_space<vmem_shared>>
        tpu.wait_indirect_dma semaphore(%run_scoped3A : memref<!tpu.dma_semaphore, #tpu.memory_space<semaphore_mem>>) src(%arg9 : memref<128x128xf32, #tpu.memory_space<vmem>>) dst(%dma_wait3A_128 : memref<10112x128xf32, #tpu.memory_space<vmem_shared>>)
        tpu.yield
      }) : () -> ()
      %add3A_88 = arith.constant 2 : i32
      %add3A_89 = arith.addi %add3A_81, %add3A_88 : i32
      %min3A = arith.constant 38 : i32
      %min3A_90 = arith.minsi %add3A_89, %min3A : i32
      %dma_start3A_91 = arith.constant 0 : i32
      %dma_start3A_92 = tpu.memref_slice %arg7[%min3A_90, %dma_start3A_91] : memref<40x128xi32, #tpu.memory_space<vmem>> -> memref<1x128xi32, #tpu.memory_space<vmem>>
      %dma_start3A_93 = tpu.memref_squeeze %dma_start3A_92 : memref<1x128xi32, #tpu.memory_space<vmem>> -> memref<128xi32, #tpu.memory_space<vmem>>
      %dma_start3A_94 = arith.constant 0 : i32
      %dma_start3A_95 = arith.constant 0 : i32
      %dma_start3A_96 = tpu.memref_slice %arg2[%dma_start3A_94, %dma_start3A_95] : memref<10000x128xf32, #tpu.memory_space<hbm>> -> memref<10000x128xf32, #tpu.memory_space<hbm>>
      tpu.enqueue_indirect_dma source(%dma_start3A_96 : memref<10000x128xf32, #tpu.memory_space<hbm>>) target(%arg9 : memref<128x128xf32, #tpu.memory_space<vmem>>) offsets(%dma_start3A_93 : memref<128xi32, #tpu.memory_space<vmem>>) semaphore(%arg12 : memref<!tpu.dma_semaphore, #tpu.memory_space<semaphore_mem>>)
      %mul3A_97 = arith.constant 2 : i32
      %mul3A_98 = arith.muli %mul3A_97, %scan3A_77 : i32
      %add3A_99 = arith.constant 1 : i32
      %add3A_100 = arith.addi %mul3A_98, %add3A_99 : i32
      %dma_wait3A_101 = arith.constant 0 : i32
      %dma_wait3A_102 = tpu.memref_slice %arg7[%add3A_100, %dma_wait3A_101] : memref<40x128xi32, #tpu.memory_space<vmem>> -> memref<1x128xi32, #tpu.memory_space<vmem>>
      %dma_wait3A_103 = tpu.memref_squeeze %dma_wait3A_102 : memref<1x128xi32, #tpu.memory_space<vmem>> -> memref<128xi32, #tpu.memory_space<vmem>>
      %dma_wait3A_104 = arith.constant 0 : i32
      %dma_wait3A_105 = arith.constant 0 : i32
      %dma_wait3A_106 = tpu.memref_slice %arg2[%dma_wait3A_104, %dma_wait3A_105] : memref<10000x128xf32, #tpu.memory_space<hbm>> -> memref<10000x128xf32, #tpu.memory_space<hbm>>
      tpu.wait_indirect_dma semaphore(%arg13 : memref<!tpu.dma_semaphore, #tpu.memory_space<semaphore_mem>>) src(%dma_wait3A_106 : memref<10000x128xf32, #tpu.memory_space<hbm>>) dst(%arg10 : memref<128x128xf32, #tpu.memory_space<vmem>>)
      "tpu.region"() ({
        %run_scoped3A = tpu.sem_alloc : memref<!tpu.dma_semaphore, #tpu.memory_space<semaphore_mem>>
        %dma_start3A_117 = arith.constant 0 : i32
        %dma_start3A_118 = tpu.memref_slice %arg8[%add3A_100, %dma_start3A_117] : memref<40x128xi32, #tpu.memory_space<vmem>> -> memref<1x128xi32, #tpu.memory_space<vmem>>
        %dma_start3A_119 = tpu.memref_squeeze %dma_start3A_118 : memref<1x128xi32, #tpu.memory_space<vmem>> -> memref<128xi32, #tpu.memory_space<vmem>>
        %dma_start3A_120 = arith.constant 0 : i32
        %dma_start3A_121 = arith.constant 0 : i32
        %dma_start3A_122 = tpu.memref_slice %arg11[%dma_start3A_120, %dma_start3A_121] : memref<10112x128xf32, #tpu.memory_space<vmem_shared>> -> memref<10112x128xf32, #tpu.memory_space<vmem_shared>>
        tpu.enqueue_indirect_dma source(%arg10 : memref<128x128xf32, #tpu.memory_space<vmem>>) target(%dma_start3A_122 : memref<10112x128xf32, #tpu.memory_space<vmem_shared>>) offsets(%dma_start3A_119 : memref<128xi32, #tpu.memory_space<vmem>>) semaphore(%run_scoped3A : memref<!tpu.dma_semaphore, #tpu.memory_space<semaphore_mem>>) {add = true}
        %dma_wait3A_123 = arith.constant 0 : i32
        %dma_wait3A_124 = tpu.memref_slice %arg8[%add3A_100, %dma_wait3A_123] : memref<40x128xi32, #tpu.memory_space<vmem>> -> memref<1x128xi32, #tpu.memory_space<vmem>>
        %dma_wait3A_125 = tpu.memref_squeeze %dma_wait3A_124 : memref<1x128xi32, #tpu.memory_space<vmem>> -> memref<128xi32, #tpu.memory_space<vmem>>
        %dma_wait3A_126 = arith.constant 0 : i32
        %dma_wait3A_127 = arith.constant 0 : i32
        %dma_wait3A_128 = tpu.memref_slice %arg11[%dma_wait3A_126, %dma_wait3A_127] : memref<10112x128xf32, #tpu.memory_space<vmem_shared>> -> memref<10112x128xf32, #tpu.memory_space<vmem_shared>>
        tpu.wait_indirect_dma semaphore(%run_scoped3A : memref<!tpu.dma_semaphore, #tpu.memory_space<semaphore_mem>>) src(%arg10 : memref<128x128xf32, #tpu.memory_space<vmem>>) dst(%dma_wait3A_128 : memref<10112x128xf32, #tpu.memory_space<vmem_shared>>)
        tpu.yield
      }) : () -> ()
      %add3A_107 = arith.constant 2 : i32
      %add3A_108 = arith.addi %add3A_100, %add3A_107 : i32
      %min3A_109 = arith.constant 39 : i32
      %min3A_110 = arith.minsi %add3A_108, %min3A_109 : i32
      %dma_start3A_111 = arith.constant 0 : i32
      %dma_start3A_112 = tpu.memref_slice %arg7[%min3A_110, %dma_start3A_111] : memref<40x128xi32, #tpu.memory_space<vmem>> -> memref<1x128xi32, #tpu.memory_space<vmem>>
      %dma_start3A_113 = tpu.memref_squeeze %dma_start3A_112 : memref<1x128xi32, #tpu.memory_space<vmem>> -> memref<128xi32, #tpu.memory_space<vmem>>
      %dma_start3A_114 = arith.constant 0 : i32
      %dma_start3A_115 = arith.constant 0 : i32
      %dma_start3A_116 = tpu.memref_slice %arg2[%dma_start3A_114, %dma_start3A_115] : memref<10000x128xf32, #tpu.memory_space<hbm>> -> memref<10000x128xf32, #tpu.memory_space<hbm>>
      tpu.enqueue_indirect_dma source(%dma_start3A_116 : memref<10000x128xf32, #tpu.memory_space<hbm>>) target(%arg10 : memref<128x128xf32, #tpu.memory_space<vmem>>) offsets(%dma_start3A_113 : memref<128xi32, #tpu.memory_space<vmem>>) semaphore(%arg13 : memref<!tpu.dma_semaphore, #tpu.memory_space<semaphore_mem>>)
    }
    %scan3A_24 = arith.constant 20 : i32
    %dma_wait3A = arith.constant 38 : i32
    %dma_wait3A_25 = arith.constant 0 : i32
    %dma_wait3A_26 = tpu.memref_slice %arg7[%dma_wait3A, %dma_wait3A_25] : memref<40x128xi32, #tpu.memory_space<vmem>> -> memref<1x128xi32, #tpu.memory_space<vmem>>
    %dma_wait3A_27 = tpu.memref_squeeze %dma_wait3A_26 : memref<1x128xi32, #tpu.memory_space<vmem>> -> memref<128xi32, #tpu.memory_space<vmem>>
    %dma_wait3A_28 = arith.constant 0 : i32
    %dma_wait3A_29 = arith.constant 0 : i32
    %dma_wait3A_30 = tpu.memref_slice %arg2[%dma_wait3A_28, %dma_wait3A_29] : memref<10000x128xf32, #tpu.memory_space<hbm>> -> memref<10000x128xf32, #tpu.memory_space<hbm>>
    tpu.wait_indirect_dma semaphore(%arg12 : memref<!tpu.dma_semaphore, #tpu.memory_space<semaphore_mem>>) src(%dma_wait3A_30 : memref<10000x128xf32, #tpu.memory_space<hbm>>) dst(%arg9 : memref<128x128xf32, #tpu.memory_space<vmem>>)
    %dma_wait3A_31 = arith.constant 39 : i32
    %dma_wait3A_32 = arith.constant 0 : i32
    %dma_wait3A_33 = tpu.memref_slice %arg7[%dma_wait3A_31, %dma_wait3A_32] : memref<40x128xi32, #tpu.memory_space<vmem>> -> memref<1x128xi32, #tpu.memory_space<vmem>>
    %dma_wait3A_34 = tpu.memref_squeeze %dma_wait3A_33 : memref<1x128xi32, #tpu.memory_space<vmem>> -> memref<128xi32, #tpu.memory_space<vmem>>
    %dma_wait3A_35 = arith.constant 0 : i32
    %dma_wait3A_36 = arith.constant 0 : i32
    %dma_wait3A_37 = tpu.memref_slice %arg2[%dma_wait3A_35, %dma_wait3A_36] : memref<10000x128xf32, #tpu.memory_space<hbm>> -> memref<10000x128xf32, #tpu.memory_space<hbm>>
    tpu.wait_indirect_dma semaphore(%arg13 : memref<!tpu.dma_semaphore, #tpu.memory_space<semaphore_mem>>) src(%dma_wait3A_37 : memref<10000x128xf32, #tpu.memory_space<hbm>>) dst(%arg10 : memref<128x128xf32, #tpu.memory_space<vmem>>)
    %mul3A_38 = arith.constant 2 : i32
    %mul3A_39 = arith.muli %add3A, %mul3A_38 : i32
    %add3A_40 = arith.constant 1 : i32
    %add3A_41 = arith.addi %mul3A_39, %add3A_40 : i32
    "tpu.region"() ({
      %run_scoped3A = tpu.sem_alloc : memref<!tpu.dma_semaphore, #tpu.memory_space<semaphore_mem>>
      %dma_start3A_77 = arith.constant 0 : i32
      %dma_start3A_78 = arith.constant 0 : i32
      %dma_start3A_79 = tpu.memref_slice %arg3[%add3A_41, %dma_start3A_77, %dma_start3A_78] : memref<64x40x128xi32, #tpu.memory_space<hbm>> -> memref<1x40x128xi32, #tpu.memory_space<hbm>>
      %dma_start3A_80 = tpu.memref_squeeze %dma_start3A_79 : memref<1x40x128xi32, #tpu.memory_space<hbm>> -> memref<40x128xi32, #tpu.memory_space<hbm>>
      %dma_start3A_81 = arith.constant 0 : i32
      %dma_start3A_82 = arith.constant 0 : i32
      %dma_start3A_83 = tpu.memref_slice %arg3[%add3A_41, %dma_start3A_81, %dma_start3A_82] : memref<64x40x128xi32, #tpu.memory_space<hbm>> -> memref<1x40x128xi32, #tpu.memory_space<hbm>>
      %dma_start3A_84 = tpu.memref_squeeze %dma_start3A_83 : memref<1x40x128xi32, #tpu.memory_space<hbm>> -> memref<40x128xi32, #tpu.memory_space<hbm>>
      tpu.enqueue_dma source(%dma_start3A_84 : memref<40x128xi32, #tpu.memory_space<hbm>>) target(%arg7 : memref<40x128xi32, #tpu.memory_space<vmem>>) target_semaphore(%run_scoped3A : memref<!tpu.dma_semaphore, #tpu.memory_space<semaphore_mem>>)
      %dma_wait3A_85 = arith.constant 0 : i32
      %dma_wait3A_86 = arith.constant 0 : i32
      %dma_wait3A_87 = tpu.memref_slice %arg3[%add3A_41, %dma_wait3A_85, %dma_wait3A_86] : memref<64x40x128xi32, #tpu.memory_space<hbm>> -> memref<1x40x128xi32, #tpu.memory_space<hbm>>
      %dma_wait3A_88 = tpu.memref_squeeze %dma_wait3A_87 : memref<1x40x128xi32, #tpu.memory_space<hbm>> -> memref<40x128xi32, #tpu.memory_space<hbm>>
      %dma_wait3A_89 = arith.constant 0 : i32
      %dma_wait3A_90 = arith.constant 0 : i32
      %dma_wait3A_91 = tpu.memref_slice %arg3[%add3A_41, %dma_wait3A_89, %dma_wait3A_90] : memref<64x40x128xi32, #tpu.memory_space<hbm>> -> memref<1x40x128xi32, #tpu.memory_space<hbm>>
      %dma_wait3A_92 = tpu.memref_squeeze %dma_wait3A_91 : memref<1x40x128xi32, #tpu.memory_space<hbm>> -> memref<40x128xi32, #tpu.memory_space<hbm>>
      tpu.wait_dma2 semaphore(%run_scoped3A : memref<!tpu.dma_semaphore, #tpu.memory_space<semaphore_mem>>) src(%dma_wait3A_92 : memref<40x128xi32, #tpu.memory_space<hbm>>) dst(%arg7 : memref<40x128xi32, #tpu.memory_space<vmem>>)
      tpu.yield
    }) : () -> ()
    "tpu.region"() ({
      %run_scoped3A = tpu.sem_alloc : memref<!tpu.dma_semaphore, #tpu.memory_space<semaphore_mem>>
      %dma_start3A_77 = arith.constant 0 : i32
      %dma_start3A_78 = arith.constant 0 : i32
      %dma_start3A_79 = tpu.memref_slice %arg4[%add3A_41, %dma_start3A_77, %dma_start3A_78] : memref<64x40x128xi32, #tpu.memory_space<hbm>> -> memref<1x40x128xi32, #tpu.memory_space<hbm>>
      %dma_start3A_80 = tpu.memref_squeeze %dma_start3A_79 : memref<1x40x128xi32, #tpu.memory_space<hbm>> -> memref<40x128xi32, #tpu.memory_space<hbm>>
      %dma_start3A_81 = arith.constant 0 : i32
      %dma_start3A_82 = arith.constant 0 : i32
      %dma_start3A_83 = tpu.memref_slice %arg4[%add3A_41, %dma_start3A_81, %dma_start3A_82] : memref<64x40x128xi32, #tpu.memory_space<hbm>> -> memref<1x40x128xi32, #tpu.memory_space<hbm>>
      %dma_start3A_84 = tpu.memref_squeeze %dma_start3A_83 : memref<1x40x128xi32, #tpu.memory_space<hbm>> -> memref<40x128xi32, #tpu.memory_space<hbm>>
      tpu.enqueue_dma source(%dma_start3A_84 : memref<40x128xi32, #tpu.memory_space<hbm>>) target(%arg8 : memref<40x128xi32, #tpu.memory_space<vmem>>) target_semaphore(%run_scoped3A : memref<!tpu.dma_semaphore, #tpu.memory_space<semaphore_mem>>)
      %dma_wait3A_85 = arith.constant 0 : i32
      %dma_wait3A_86 = arith.constant 0 : i32
      %dma_wait3A_87 = tpu.memref_slice %arg4[%add3A_41, %dma_wait3A_85, %dma_wait3A_86] : memref<64x40x128xi32, #tpu.memory_space<hbm>> -> memref<1x40x128xi32, #tpu.memory_space<hbm>>
      %dma_wait3A_88 = tpu.memref_squeeze %dma_wait3A_87 : memref<1x40x128xi32, #tpu.memory_space<hbm>> -> memref<40x128xi32, #tpu.memory_space<hbm>>
      %dma_wait3A_89 = arith.constant 0 : i32
      %dma_wait3A_90 = arith.constant 0 : i32
      %dma_wait3A_91 = tpu.memref_slice %arg4[%add3A_41, %dma_wait3A_89, %dma_wait3A_90] : memref<64x40x128xi32, #tpu.memory_space<hbm>> -> memref<1x40x128xi32, #tpu.memory_space<hbm>>
      %dma_wait3A_92 = tpu.memref_squeeze %dma_wait3A_91 : memref<1x40x128xi32, #tpu.memory_space<hbm>> -> memref<40x128xi32, #tpu.memory_space<hbm>>
      tpu.wait_dma2 semaphore(%run_scoped3A : memref<!tpu.dma_semaphore, #tpu.memory_space<semaphore_mem>>) src(%dma_wait3A_92 : memref<40x128xi32, #tpu.memory_space<hbm>>) dst(%arg8 : memref<40x128xi32, #tpu.memory_space<vmem>>)
      tpu.yield
    }) : () -> ()
    %dma_start3A_42 = arith.constant 0 : i32
    %dma_start3A_43 = arith.constant 0 : i32
    %dma_start3A_44 = tpu.memref_slice %arg7[%dma_start3A_42, %dma_start3A_43] : memref<40x128xi32, #tpu.memory_space<vmem>> -> memref<1x128xi32, #tpu.memory_space<vmem>>
    %dma_start3A_45 = tpu.memref_squeeze %dma_start3A_44 : memref<1x128xi32, #tpu.memory_space<vmem>> -> memref<128xi32, #tpu.memory_space<vmem>>
    %dma_start3A_46 = arith.constant 0 : i32
    %dma_start3A_47 = arith.constant 0 : i32
    %dma_start3A_48 = tpu.memref_slice %arg2[%dma_start3A_46, %dma_start3A_47] : memref<10000x128xf32, #tpu.memory_space<hbm>> -> memref<10000x128xf32, #tpu.memory_space<hbm>>
    tpu.enqueue_indirect_dma source(%dma_start3A_48 : memref<10000x128xf32, #tpu.memory_space<hbm>>) target(%arg9 : memref<128x128xf32, #tpu.memory_space<vmem>>) offsets(%dma_start3A_45 : memref<128xi32, #tpu.memory_space<vmem>>) semaphore(%arg12 : memref<!tpu.dma_semaphore, #tpu.memory_space<semaphore_mem>>)
    %dma_start3A_49 = arith.constant 1 : i32
    %dma_start3A_50 = arith.constant 0 : i32
    %dma_start3A_51 = tpu.memref_slice %arg7[%dma_start3A_49, %dma_start3A_50] : memref<40x128xi32, #tpu.memory_space<vmem>> -> memref<1x128xi32, #tpu.memory_space<vmem>>
    %dma_start3A_52 = tpu.memref_squeeze %dma_start3A_51 : memref<1x128xi32, #tpu.memory_space<vmem>> -> memref<128xi32, #tpu.memory_space<vmem>>
    %dma_start3A_53 = arith.constant 0 : i32
    %dma_start3A_54 = arith.constant 0 : i32
    %dma_start3A_55 = tpu.memref_slice %arg2[%dma_start3A_53, %dma_start3A_54] : memref<10000x128xf32, #tpu.memory_space<hbm>> -> memref<10000x128xf32, #tpu.memory_space<hbm>>
    tpu.enqueue_indirect_dma source(%dma_start3A_55 : memref<10000x128xf32, #tpu.memory_space<hbm>>) target(%arg10 : memref<128x128xf32, #tpu.memory_space<vmem>>) offsets(%dma_start3A_52 : memref<128xi32, #tpu.memory_space<vmem>>) semaphore(%arg13 : memref<!tpu.dma_semaphore, #tpu.memory_space<semaphore_mem>>)
    %scan3A_56 = arith.constant 0 : i32
    %scan3A_57 = arith.constant 0 : i32
    %scan3A_58 = arith.constant 20 : i32
    %scan3A_59 = arith.addi %scan3A_57, %scan3A_58 : i32
    %scan3A_60 = arith.constant 1 : i32
    scf.for %scan3A_77 = %scan3A_57 to %scan3A_59 step %scan3A_60  : i32 {
      %mul3A_78 = arith.constant 2 : i32
      %mul3A_79 = arith.muli %mul3A_78, %scan3A_77 : i32
      %add3A_80 = arith.constant 0 : i32
      %add3A_81 = arith.addi %mul3A_79, %add3A_80 : i32
      %dma_wait3A_82 = arith.constant 0 : i32
      %dma_wait3A_83 = tpu.memref_slice %arg7[%add3A_81, %dma_wait3A_82] : memref<40x128xi32, #tpu.memory_space<vmem>> -> memref<1x128xi32, #tpu.memory_space<vmem>>
      %dma_wait3A_84 = tpu.memref_squeeze %dma_wait3A_83 : memref<1x128xi32, #tpu.memory_space<vmem>> -> memref<128xi32, #tpu.memory_space<vmem>>
      %dma_wait3A_85 = arith.constant 0 : i32
      %dma_wait3A_86 = arith.constant 0 : i32
      %dma_wait3A_87 = tpu.memref_slice %arg2[%dma_wait3A_85, %dma_wait3A_86] : memref<10000x128xf32, #tpu.memory_space<hbm>> -> memref<10000x128xf32, #tpu.memory_space<hbm>>
      tpu.wait_indirect_dma semaphore(%arg12 : memref<!tpu.dma_semaphore, #tpu.memory_space<semaphore_mem>>) src(%dma_wait3A_87 : memref<10000x128xf32, #tpu.memory_space<hbm>>) dst(%arg9 : memref<128x128xf32, #tpu.memory_space<vmem>>)
      "tpu.region"() ({
        %run_scoped3A = tpu.sem_alloc : memref<!tpu.dma_semaphore, #tpu.memory_space<semaphore_mem>>
        %dma_start3A_117 = arith.constant 0 : i32
        %dma_start3A_118 = tpu.memref_slice %arg8[%add3A_81, %dma_start3A_117] : memref<40x128xi32, #tpu.memory_space<vmem>> -> memref<1x128xi32, #tpu.memory_space<vmem>>
        %dma_start3A_119 = tpu.memref_squeeze %dma_start3A_118 : memref<1x128xi32, #tpu.memory_space<vmem>> -> memref<128xi32, #tpu.memory_space<vmem>>
        %dma_start3A_120 = arith.constant 0 : i32
        %dma_start3A_121 = arith.constant 0 : i32
        %dma_start3A_122 = tpu.memref_slice %arg11[%dma_start3A_120, %dma_start3A_121] : memref<10112x128xf32, #tpu.memory_space<vmem_shared>> -> memref<10112x128xf32, #tpu.memory_space<vmem_shared>>
        tpu.enqueue_indirect_dma source(%arg9 : memref<128x128xf32, #tpu.memory_space<vmem>>) target(%dma_start3A_122 : memref<10112x128xf32, #tpu.memory_space<vmem_shared>>) offsets(%dma_start3A_119 : memref<128xi32, #tpu.memory_space<vmem>>) semaphore(%run_scoped3A : memref<!tpu.dma_semaphore, #tpu.memory_space<semaphore_mem>>) {add = true}
        %dma_wait3A_123 = arith.constant 0 : i32
        %dma_wait3A_124 = tpu.memref_slice %arg8[%add3A_81, %dma_wait3A_123] : memref<40x128xi32, #tpu.memory_space<vmem>> -> memref<1x128xi32, #tpu.memory_space<vmem>>
        %dma_wait3A_125 = tpu.memref_squeeze %dma_wait3A_124 : memref<1x128xi32, #tpu.memory_space<vmem>> -> memref<128xi32, #tpu.memory_space<vmem>>
        %dma_wait3A_126 = arith.constant 0 : i32
        %dma_wait3A_127 = arith.constant 0 : i32
        %dma_wait3A_128 = tpu.memref_slice %arg11[%dma_wait3A_126, %dma_wait3A_127] : memref<10112x128xf32, #tpu.memory_space<vmem_shared>> -> memref<10112x128xf32, #tpu.memory_space<vmem_shared>>
        tpu.wait_indirect_dma semaphore(%run_scoped3A : memref<!tpu.dma_semaphore, #tpu.memory_space<semaphore_mem>>) src(%arg9 : memref<128x128xf32, #tpu.memory_space<vmem>>) dst(%dma_wait3A_128 : memref<10112x128xf32, #tpu.memory_space<vmem_shared>>)
        tpu.yield
      }) : () -> ()
      %add3A_88 = arith.constant 2 : i32
      %add3A_89 = arith.addi %add3A_81, %add3A_88 : i32
      %min3A = arith.constant 38 : i32
      %min3A_90 = arith.minsi %add3A_89, %min3A : i32
      %dma_start3A_91 = arith.constant 0 : i32
      %dma_start3A_92 = tpu.memref_slice %arg7[%min3A_90, %dma_start3A_91] : memref<40x128xi32, #tpu.memory_space<vmem>> -> memref<1x128xi32, #tpu.memory_space<vmem>>
      %dma_start3A_93 = tpu.memref_squeeze %dma_start3A_92 : memref<1x128xi32, #tpu.memory_space<vmem>> -> memref<128xi32, #tpu.memory_space<vmem>>
      %dma_start3A_94 = arith.constant 0 : i32
      %dma_start3A_95 = arith.constant 0 : i32
      %dma_start3A_96 = tpu.memref_slice %arg2[%dma_start3A_94, %dma_start3A_95] : memref<10000x128xf32, #tpu.memory_space<hbm>> -> memref<10000x128xf32, #tpu.memory_space<hbm>>
      tpu.enqueue_indirect_dma source(%dma_start3A_96 : memref<10000x128xf32, #tpu.memory_space<hbm>>) target(%arg9 : memref<128x128xf32, #tpu.memory_space<vmem>>) offsets(%dma_start3A_93 : memref<128xi32, #tpu.memory_space<vmem>>) semaphore(%arg12 : memref<!tpu.dma_semaphore, #tpu.memory_space<semaphore_mem>>)
      %mul3A_97 = arith.constant 2 : i32
      %mul3A_98 = arith.muli %mul3A_97, %scan3A_77 : i32
      %add3A_99 = arith.constant 1 : i32
      %add3A_100 = arith.addi %mul3A_98, %add3A_99 : i32
      %dma_wait3A_101 = arith.constant 0 : i32
      %dma_wait3A_102 = tpu.memref_slice %arg7[%add3A_100, %dma_wait3A_101] : memref<40x128xi32, #tpu.memory_space<vmem>> -> memref<1x128xi32, #tpu.memory_space<vmem>>
      %dma_wait3A_103 = tpu.memref_squeeze %dma_wait3A_102 : memref<1x128xi32, #tpu.memory_space<vmem>> -> memref<128xi32, #tpu.memory_space<vmem>>
      %dma_wait3A_104 = arith.constant 0 : i32
      %dma_wait3A_105 = arith.constant 0 : i32
      %dma_wait3A_106 = tpu.memref_slice %arg2[%dma_wait3A_104, %dma_wait3A_105] : memref<10000x128xf32, #tpu.memory_space<hbm>> -> memref<10000x128xf32, #tpu.memory_space<hbm>>
      tpu.wait_indirect_dma semaphore(%arg13 : memref<!tpu.dma_semaphore, #tpu.memory_space<semaphore_mem>>) src(%dma_wait3A_106 : memref<10000x128xf32, #tpu.memory_space<hbm>>) dst(%arg10 : memref<128x128xf32, #tpu.memory_space<vmem>>)
      "tpu.region"() ({
        %run_scoped3A = tpu.sem_alloc : memref<!tpu.dma_semaphore, #tpu.memory_space<semaphore_mem>>
        %dma_start3A_117 = arith.constant 0 : i32
        %dma_start3A_118 = tpu.memref_slice %arg8[%add3A_100, %dma_start3A_117] : memref<40x128xi32, #tpu.memory_space<vmem>> -> memref<1x128xi32, #tpu.memory_space<vmem>>
        %dma_start3A_119 = tpu.memref_squeeze %dma_start3A_118 : memref<1x128xi32, #tpu.memory_space<vmem>> -> memref<128xi32, #tpu.memory_space<vmem>>
        %dma_start3A_120 = arith.constant 0 : i32
        %dma_start3A_121 = arith.constant 0 : i32
        %dma_start3A_122 = tpu.memref_slice %arg11[%dma_start3A_120, %dma_start3A_121] : memref<10112x128xf32, #tpu.memory_space<vmem_shared>> -> memref<10112x128xf32, #tpu.memory_space<vmem_shared>>
        tpu.enqueue_indirect_dma source(%arg10 : memref<128x128xf32, #tpu.memory_space<vmem>>) target(%dma_start3A_122 : memref<10112x128xf32, #tpu.memory_space<vmem_shared>>) offsets(%dma_start3A_119 : memref<128xi32, #tpu.memory_space<vmem>>) semaphore(%run_scoped3A : memref<!tpu.dma_semaphore, #tpu.memory_space<semaphore_mem>>) {add = true}
        %dma_wait3A_123 = arith.constant 0 : i32
        %dma_wait3A_124 = tpu.memref_slice %arg8[%add3A_100, %dma_wait3A_123] : memref<40x128xi32, #tpu.memory_space<vmem>> -> memref<1x128xi32, #tpu.memory_space<vmem>>
        %dma_wait3A_125 = tpu.memref_squeeze %dma_wait3A_124 : memref<1x128xi32, #tpu.memory_space<vmem>> -> memref<128xi32, #tpu.memory_space<vmem>>
        %dma_wait3A_126 = arith.constant 0 : i32
        %dma_wait3A_127 = arith.constant 0 : i32
        %dma_wait3A_128 = tpu.memref_slice %arg11[%dma_wait3A_126, %dma_wait3A_127] : memref<10112x128xf32, #tpu.memory_space<vmem_shared>> -> memref<10112x128xf32, #tpu.memory_space<vmem_shared>>
        tpu.wait_indirect_dma semaphore(%run_scoped3A : memref<!tpu.dma_semaphore, #tpu.memory_space<semaphore_mem>>) src(%arg10 : memref<128x128xf32, #tpu.memory_space<vmem>>) dst(%dma_wait3A_128 : memref<10112x128xf32, #tpu.memory_space<vmem_shared>>)
        tpu.yield
      }) : () -> ()
      %add3A_107 = arith.constant 2 : i32
      %add3A_108 = arith.addi %add3A_100, %add3A_107 : i32
      %min3A_109 = arith.constant 39 : i32
      %min3A_110 = arith.minsi %add3A_108, %min3A_109 : i32
      %dma_start3A_111 = arith.constant 0 : i32
      %dma_start3A_112 = tpu.memref_slice %arg7[%min3A_110, %dma_start3A_111] : memref<40x128xi32, #tpu.memory_space<vmem>> -> memref<1x128xi32, #tpu.memory_space<vmem>>
      %dma_start3A_113 = tpu.memref_squeeze %dma_start3A_112 : memref<1x128xi32, #tpu.memory_space<vmem>> -> memref<128xi32, #tpu.memory_space<vmem>>
      %dma_start3A_114 = arith.constant 0 : i32
      %dma_start3A_115 = arith.constant 0 : i32
      %dma_start3A_116 = tpu.memref_slice %arg2[%dma_start3A_114, %dma_start3A_115] : memref<10000x128xf32, #tpu.memory_space<hbm>> -> memref<10000x128xf32, #tpu.memory_space<hbm>>
      tpu.enqueue_indirect_dma source(%dma_start3A_116 : memref<10000x128xf32, #tpu.memory_space<hbm>>) target(%arg10 : memref<128x128xf32, #tpu.memory_space<vmem>>) offsets(%dma_start3A_113 : memref<128xi32, #tpu.memory_space<vmem>>) semaphore(%arg13 : memref<!tpu.dma_semaphore, #tpu.memory_space<semaphore_mem>>)
    }
    %scan3A_61 = arith.constant 20 : i32
    %dma_wait3A_62 = arith.constant 38 : i32
    %dma_wait3A_63 = arith.constant 0 : i32
    %dma_wait3A_64 = tpu.memref_slice %arg7[%dma_wait3A_62, %dma_wait3A_63] : memref<40x128xi32, #tpu.memory_space<vmem>> -> memref<1x128xi32, #tpu.memory_space<vmem>>
    %dma_wait3A_65 = tpu.memref_squeeze %dma_wait3A_64 : memref<1x128xi32, #tpu.memory_space<vmem>> -> memref<128xi32, #tpu.memory_space<vmem>>
    %dma_wait3A_66 = arith.constant 0 : i32
    %dma_wait3A_67 = arith.constant 0 : i32
    %dma_wait3A_68 = tpu.memref_slice %arg2[%dma_wait3A_66, %dma_wait3A_67] : memref<10000x128xf32, #tpu.memory_space<hbm>> -> memref<10000x128xf32, #tpu.memory_space<hbm>>
    tpu.wait_indirect_dma semaphore(%arg12 : memref<!tpu.dma_semaphore, #tpu.memory_space<semaphore_mem>>) src(%dma_wait3A_68 : memref<10000x128xf32, #tpu.memory_space<hbm>>) dst(%arg9 : memref<128x128xf32, #tpu.memory_space<vmem>>)
    %dma_wait3A_69 = arith.constant 39 : i32
    %dma_wait3A_70 = arith.constant 0 : i32
    %dma_wait3A_71 = tpu.memref_slice %arg7[%dma_wait3A_69, %dma_wait3A_70] : memref<40x128xi32, #tpu.memory_space<vmem>> -> memref<1x128xi32, #tpu.memory_space<vmem>>
    %dma_wait3A_72 = tpu.memref_squeeze %dma_wait3A_71 : memref<1x128xi32, #tpu.memory_space<vmem>> -> memref<128xi32, #tpu.memory_space<vmem>>
    %dma_wait3A_73 = arith.constant 0 : i32
    %dma_wait3A_74 = arith.constant 0 : i32
    %dma_wait3A_75 = tpu.memref_slice %arg2[%dma_wait3A_73, %dma_wait3A_74] : memref<10000x128xf32, #tpu.memory_space<hbm>> -> memref<10000x128xf32, #tpu.memory_space<hbm>>
    tpu.wait_indirect_dma semaphore(%arg13 : memref<!tpu.dma_semaphore, #tpu.memory_space<semaphore_mem>>) src(%dma_wait3A_75 : memref<10000x128xf32, #tpu.memory_space<hbm>>) dst(%arg10 : memref<128x128xf32, #tpu.memory_space<vmem>>)
    %barrier3A_76 = arith.constant 0 : index
    tpu.barrier barrier_id(%barrier3A_76)
    "tpu.region"() ({
      %run_scoped3A = tpu.sem_alloc : memref<!tpu.dma_semaphore, #tpu.memory_space<semaphore_mem>>
      %dma_start3A_77 = arith.constant 0 : i32
      %dma_start3A_78 = tpu.memref_slice %arg6[%arg0, %mul3A_2, %dma_start3A_77] : memref<2x10112x128xf32, #tpu.memory_space<hbm>> -> memref<1x632x128xf32, #tpu.memory_space<hbm>>
      %dma_start3A_79 = tpu.memref_squeeze %dma_start3A_78 : memref<1x632x128xf32, #tpu.memory_space<hbm>> -> memref<632x128xf32, #tpu.memory_space<hbm>>
      %dma_start3A_80 = arith.constant 0 : i32
      %dma_start3A_81 = tpu.memref_slice %arg11[%mul3A_2, %dma_start3A_80] : memref<10112x128xf32, #tpu.memory_space<vmem_shared>> -> memref<632x128xf32, #tpu.memory_space<vmem_shared>>
      tpu.enqueue_dma source(%dma_start3A_81 : memref<632x128xf32, #tpu.memory_space<vmem_shared>>) target(%dma_start3A_79 : memref<632x128xf32, #tpu.memory_space<hbm>>) target_semaphore(%run_scoped3A : memref<!tpu.dma_semaphore, #tpu.memory_space<semaphore_mem>>)
      %dma_wait3A_82 = arith.constant 0 : i32
      %dma_wait3A_83 = tpu.memref_slice %arg6[%arg0, %mul3A_2, %dma_wait3A_82] : memref<2x10112x128xf32, #tpu.memory_space<hbm>> -> memref<1x632x128xf32, #tpu.memory_space<hbm>>
      %dma_wait3A_84 = tpu.memref_squeeze %dma_wait3A_83 : memref<1x632x128xf32, #tpu.memory_space<hbm>> -> memref<632x128xf32, #tpu.memory_space<hbm>>
      %dma_wait3A_85 = arith.constant 0 : i32
      %dma_wait3A_86 = tpu.memref_slice %arg11[%mul3A_2, %dma_wait3A_85] : memref<10112x128xf32, #tpu.memory_space<vmem_shared>> -> memref<632x128xf32, #tpu.memory_space<vmem_shared>>
      tpu.wait_dma2 semaphore(%run_scoped3A : memref<!tpu.dma_semaphore, #tpu.memory_space<semaphore_mem>>) src(%dma_wait3A_86 : memref<632x128xf32, #tpu.memory_space<vmem_shared>>) dst(%dma_wait3A_84 : memref<632x128xf32, #tpu.memory_space<hbm>>)
      tpu.yield
    }) : () -> ()
    return
  }
}

module attributes {stable_mosaic.version = 14 : i64} {
  func.func @_mm_body(%arg0: i32, %arg1: memref<1000x128xf32, #tpu.memory_space<vmem>>, %arg2: memref<128x128xf32, #tpu.memory_space<vmem>>, %arg3: memref<1000x128xf32, #tpu.memory_space<vmem>>) attributes {dimension_semantics = [#tpu.dimension_semantics<arbitrary>], iteration_bounds = array<i64: 10>, scalar_prefetch = 0 : i64, scratch_operands = 0 : i64, tpu.core_type = #tpu.core_type<tc>, window_params = [{transform_indices = @transform_0, window_bounds = array<i64: 1000, 128>}, {pipeline_mode = #tpu.pipeline_mode<synchronous>, transform_indices = @transform_1, window_bounds = array<i64: 128, 128>}, {transform_indices = @transform_2, window_bounds = array<i64: 1000, 128>}]} {
    %get3A = arith.constant 0 : index
    %get3A_0 = arith.constant 0 : index
    %get3A_1 = vector.load %arg1[%get3A, %get3A_0] : memref<1000x128xf32, #tpu.memory_space<vmem>>, vector<1000x128xf32>
    %get3A_2 = arith.constant 0 : index
    %get3A_3 = arith.constant 0 : index
    %get3A_4 = vector.load %arg2[%get3A_2, %get3A_3] : memref<128x128xf32, #tpu.memory_space<vmem>>, vector<128x128xf32>
    %dot_general3A = arith.constant dense<0.000000e+00> : vector<1000x128xf32>
    %dot_general3A_5 = tpu.matmul %get3A_1, %get3A_4, %dot_general3A {dimension_numbers = #tpu.dot_dimension_numbers<[1], [0], [0], [1], [0, 0, 1, 1], [], []>, transpose_lhs_hint = false} : vector<1000x128xf32>, vector<128x128xf32>, vector<1000x128xf32> -> vector<1000x128xf32>
    %swap3A = arith.constant 0 : index
    %swap3A_6 = arith.constant 0 : index
    %swap3A_7 = vector.load %arg3[%swap3A, %swap3A_6] : memref<1000x128xf32, #tpu.memory_space<vmem>>, vector<1000x128xf32>
    tpu.vector_store %arg3[%swap3A, %swap3A_6], %dot_general3A_5 {strides = array<i32>} : memref<1000x128xf32, #tpu.memory_space<vmem>>, vector<1000x128xf32>,
    return
  }
  func.func @transform_0(%arg0: i32) -> (i32, i32) {
    %c0_i32 = arith.constant 0 : i32
    %c0_i32_0 = arith.constant 0 : i32
    return %arg0, %c0_i32 : i32, i32
  }
  func.func @transform_1(%arg0: i32) -> (i32, i32) {
    %c0_i32 = arith.constant 0 : i32
    %c0_i32_0 = arith.constant 0 : i32
    %c0_i32_1 = arith.constant 0 : i32
    return %c0_i32, %c0_i32_0 : i32, i32
  }
  func.func @transform_2(%arg0: i32) -> (i32, i32) {
    %c0_i32 = arith.constant 0 : i32
    %c0_i32_0 = arith.constant 0 : i32
    return %arg0, %c0_i32 : i32, i32
  }
}

module attributes {stable_mosaic.version = 14 : i64} {
  func.func @_stage_body(%arg0: i32, %arg1: memref<1000x128xf32, #tpu.memory_space<vmem>>, %arg2: memref<1000x128xf32, #tpu.memory_space<vmem>>, %arg3: memref<1000x128xf32, #tpu.memory_space<vmem>>, %arg4: memref<1000x128xf32, #tpu.memory_space<vmem>>, %arg5: memref<16x128xf32, #tpu.memory_space<vmem>>, %arg6: memref<1x128xf32, #tpu.memory_space<vmem>>, %arg7: memref<128x128xf32, #tpu.memory_space<vmem>>, %arg8: memref<1000x128xf32, #tpu.memory_space<vmem>>, %arg9: memref<1000x128xf32, #tpu.memory_space<vmem>>) attributes {dimension_semantics = [#tpu.dimension_semantics<arbitrary>], iteration_bounds = array<i64: 10>, scalar_prefetch = 0 : i64, scratch_operands = 0 : i64, tpu.core_type = #tpu.core_type<tc>, window_params = [{transform_indices = @transform_0, window_bounds = array<i64: 1000, 128>}, {transform_indices = @transform_1, window_bounds = array<i64: 1000, 128>}, {transform_indices = @transform_2, window_bounds = array<i64: 1000, 128>}, {transform_indices = @transform_3, window_bounds = array<i64: 1000, 128>}, {pipeline_mode = #tpu.pipeline_mode<synchronous>, transform_indices = @transform_4, window_bounds = array<i64: 16, 128>}, {pipeline_mode = #tpu.pipeline_mode<synchronous>, transform_indices = @transform_5, window_bounds = array<i64: 1, 128>}, {pipeline_mode = #tpu.pipeline_mode<synchronous>, transform_indices = @transform_6, window_bounds = array<i64: 128, 128>}, {transform_indices = @transform_7, window_bounds = array<i64: 1000, 128>}, {transform_indices = @transform_8, window_bounds = array<i64: 1000, 128>}]} {
    %get3A = arith.constant 0 : index
    %get3A_0 = arith.constant 0 : index
    %get3A_1 = vector.load %arg1[%get3A, %get3A_0] : memref<1000x128xf32, #tpu.memory_space<vmem>>, vector<1000x128xf32>
    %get3A_2 = arith.constant 0 : index
    %get3A_3 = arith.constant 0 : index
    %get3A_4 = vector.load %arg2[%get3A_2, %get3A_3] : memref<1000x128xf32, #tpu.memory_space<vmem>>, vector<1000x128xf32>
    %get3A_5 = arith.constant 0 : index
    %get3A_6 = arith.constant 0 : index
    %get3A_7 = vector.load %arg3[%get3A_5, %get3A_6] : memref<1000x128xf32, #tpu.memory_space<vmem>>, vector<1000x128xf32>
    %get3A_8 = arith.constant 0 : index
    %get3A_9 = arith.constant 0 : index
    %get3A_10 = vector.load %arg4[%get3A_8, %get3A_9] : memref<1000x128xf32, #tpu.memory_space<vmem>>, vector<1000x128xf32>
    %get3A_11 = arith.constant 0 : index
    %get3A_12 = arith.constant 0 : index
    %get3A_13 = vector.load %arg5[%get3A_11, %get3A_12] : memref<16x128xf32, #tpu.memory_space<vmem>>, vector<16x128xf32>
    %get3A_14 = arith.constant 0 : index
    %get3A_15 = arith.constant 0 : index
    %get3A_16 = vector.load %arg6[%get3A_14, %get3A_15] : memref<1x128xf32, #tpu.memory_space<vmem>>, vector<1x128xf32>
    %get3A_17 = arith.constant 0 : index
    %get3A_18 = arith.constant 0 : index
    %get3A_19 = vector.load %arg7[%get3A_17, %get3A_18] : memref<128x128xf32, #tpu.memory_space<vmem>>, vector<128x128xf32>
    %add3A = arith.addf %get3A_1, %get3A_4 : vector<1000x128xf32>
    %add3A_20 = arith.addf %get3A_7, %get3A_10 : vector<1000x128xf32>
    %slice3A = vector.extract_strided_slice %add3A_20 {offsets = [0, 0], sizes = [1000, 16], strides = [1, 1]} : vector<1000x128xf32> to vector<1000x16xf32>
    %slice3A_21 = vector.extract_strided_slice %add3A_20 {offsets = [0, 16], sizes = [1000, 1], strides = [1, 1]} : vector<1000x128xf32> to vector<1000x1xf32>
    %max3A = arith.constant 1.000000e+00 : f32
    %max3A_22 = vector.broadcast %max3A : f32 to vector<1000x1xf32>
    %max3A_23 = arith.maximumf %slice3A_21, %max3A_22 : vector<1000x1xf32>
    %div3A = arith.constant 1.000000e+00 : f32
    %div3A_24 = vector.broadcast %div3A : f32 to vector<1000x1xf32>
    %div3A_25 = arith.divf %div3A_24, %max3A_23 : vector<1000x1xf32>
    %dot_general3A = arith.constant dense<0.000000e+00> : vector<1000x128xf32>
    %dot_general3A_26 = tpu.matmul %slice3A, %get3A_13, %dot_general3A {dimension_numbers = #tpu.dot_dimension_numbers<[1], [0], [0], [1], [0, 0, 1, 1], [], []>, transpose_lhs_hint = false} : vector<1000x16xf32>, vector<16x128xf32>, vector<1000x128xf32> -> vector<1000x128xf32>
    %add3A_27 = arith.addf %add3A, %dot_general3A_26 : vector<1000x128xf32>
    %mul3A = vector.broadcast %slice3A_21 : vector<1000x1xf32> to vector<1000x128xf32>
    %mul3A_28 = vector.broadcast %get3A_16 : vector<1x128xf32> to vector<1000x128xf32>
    %mul3A_29 = arith.mulf %mul3A, %mul3A_28 : vector<1000x128xf32>
    %add3A_30 = arith.addf %add3A_27, %mul3A_29 : vector<1000x128xf32>
    %mul3A_31 = vector.broadcast %div3A_25 : vector<1000x1xf32> to vector<1000x128xf32>
    %mul3A_32 = arith.mulf %add3A_30, %mul3A_31 : vector<1000x128xf32>
    %swap3A = arith.constant 0 : index
    %swap3A_33 = arith.constant 0 : index
    %swap3A_34 = vector.load %arg8[%swap3A, %swap3A_33] : memref<1000x128xf32, #tpu.memory_space<vmem>>, vector<1000x128xf32>
    tpu.vector_store %arg8[%swap3A, %swap3A_33], %mul3A_32 {strides = array<i32>} : memref<1000x128xf32, #tpu.memory_space<vmem>>, vector<1000x128xf32>,
    %dot_general3A_35 = arith.constant dense<0.000000e+00> : vector<1000x128xf32>
    %dot_general3A_36 = tpu.matmul %mul3A_32, %get3A_19, %dot_general3A_35 {dimension_numbers = #tpu.dot_dimension_numbers<[1], [0], [0], [1], [0, 0, 1, 1], [], []>, transpose_lhs_hint = false} : vector<1000x128xf32>, vector<128x128xf32>, vector<1000x128xf32> -> vector<1000x128xf32>
    %swap3A_37 = arith.constant 0 : index
    %swap3A_38 = arith.constant 0 : index
    %swap3A_39 = vector.load %arg9[%swap3A_37, %swap3A_38] : memref<1000x128xf32, #tpu.memory_space<vmem>>, vector<1000x128xf32>
    tpu.vector_store %arg9[%swap3A_37, %swap3A_38], %dot_general3A_36 {strides = array<i32>} : memref<1000x128xf32, #tpu.memory_space<vmem>>, vector<1000x128xf32>,
    return
  }
  func.func @transform_0(%arg0: i32) -> (i32, i32) {
    %c0_i32 = arith.constant 0 : i32
    %c0_i32_0 = arith.constant 0 : i32
    return %arg0, %c0_i32 : i32, i32
  }
  func.func @transform_1(%arg0: i32) -> (i32, i32) {
    %c0_i32 = arith.constant 0 : i32
    %c0_i32_0 = arith.constant 0 : i32
    return %arg0, %c0_i32 : i32, i32
  }
  func.func @transform_2(%arg0: i32) -> (i32, i32) {
    %c0_i32 = arith.constant 0 : i32
    %c0_i32_0 = arith.constant 0 : i32
    return %arg0, %c0_i32 : i32, i32
  }
  func.func @transform_3(%arg0: i32) -> (i32, i32) {
    %c0_i32 = arith.constant 0 : i32
    %c0_i32_0 = arith.constant 0 : i32
    return %arg0, %c0_i32 : i32, i32
  }
  func.func @transform_4(%arg0: i32) -> (i32, i32) {
    %c0_i32 = arith.constant 0 : i32
    %c0_i32_0 = arith.constant 0 : i32
    %c0_i32_1 = arith.constant 0 : i32
    return %c0_i32, %c0_i32_0 : i32, i32
  }
  func.func @transform_5(%arg0: i32) -> (i32, i32) {
    %c0_i32 = arith.constant 0 : i32
    %c0_i32_0 = arith.constant 0 : i32
    %c0_i32_1 = arith.constant 0 : i32
    return %c0_i32, %c0_i32_0 : i32, i32
  }
  func.func @transform_6(%arg0: i32) -> (i32, i32) {
    %c0_i32 = arith.constant 0 : i32
    %c0_i32_0 = arith.constant 0 : i32
    %c0_i32_1 = arith.constant 0 : i32
    return %c0_i32, %c0_i32_0 : i32, i32
  }
  func.func @transform_7(%arg0: i32) -> (i32, i32) {
    %c0_i32 = arith.constant 0 : i32
    %c0_i32_0 = arith.constant 0 : i32
    return %arg0, %c0_i32 : i32, i32
  }
  func.func @transform_8(%arg0: i32) -> (i32, i32) {
    %c0_i32 = arith.constant 0 : i32
    %c0_i32_0 = arith.constant 0 : i32
    return %arg0, %c0_i32 : i32, i32
  }
}

module attributes {stable_mosaic.version = 14 : i64} {
  func.func @_stage_body(%arg0: i32, %arg1: memref<1000x128xf32, #tpu.memory_space<vmem>>, %arg2: memref<1000x128xf32, #tpu.memory_space<vmem>>, %arg3: memref<1000x128xf32, #tpu.memory_space<vmem>>, %arg4: memref<1000x128xf32, #tpu.memory_space<vmem>>, %arg5: memref<1000x128xf32, #tpu.memory_space<vmem>>, %arg6: memref<16x128xf32, #tpu.memory_space<vmem>>, %arg7: memref<1x128xf32, #tpu.memory_space<vmem>>, %arg8: memref<128x128xf32, #tpu.memory_space<vmem>>, %arg9: memref<1000x128xf32, #tpu.memory_space<vmem>>, %arg10: memref<1000x128xf32, #tpu.memory_space<vmem>>) attributes {dimension_semantics = [#tpu.dimension_semantics<arbitrary>], iteration_bounds = array<i64: 10>, scalar_prefetch = 0 : i64, scratch_operands = 0 : i64, tpu.core_type = #tpu.core_type<tc>, window_params = [{transform_indices = @transform_0, window_bounds = array<i64: 1000, 128>}, {transform_indices = @transform_1, window_bounds = array<i64: 1000, 128>}, {transform_indices = @transform_2, window_bounds = array<i64: 1000, 128>}, {transform_indices = @transform_3, window_bounds = array<i64: 1000, 128>}, {transform_indices = @transform_4, window_bounds = array<i64: 1000, 128>}, {pipeline_mode = #tpu.pipeline_mode<synchronous>, transform_indices = @transform_5, window_bounds = array<i64: 16, 128>}, {pipeline_mode = #tpu.pipeline_mode<synchronous>, transform_indices = @transform_6, window_bounds = array<i64: 1, 128>}, {pipeline_mode = #tpu.pipeline_mode<synchronous>, transform_indices = @transform_7, window_bounds = array<i64: 128, 128>}, {transform_indices = @transform_8, window_bounds = array<i64: 1000, 128>}, {transform_indices = @transform_9, window_bounds = array<i64: 1000, 128>}]} {
    %get3A = arith.constant 0 : index
    %get3A_0 = arith.constant 0 : index
    %get3A_1 = vector.load %arg1[%get3A, %get3A_0] : memref<1000x128xf32, #tpu.memory_space<vmem>>, vector<1000x128xf32>
    %get3A_2 = arith.constant 0 : index
    %get3A_3 = arith.constant 0 : index
    %get3A_4 = vector.load %arg2[%get3A_2, %get3A_3] : memref<1000x128xf32, #tpu.memory_space<vmem>>, vector<1000x128xf32>
    %get3A_5 = arith.constant 0 : index
    %get3A_6 = arith.constant 0 : index
    %get3A_7 = vector.load %arg3[%get3A_5, %get3A_6] : memref<1000x128xf32, #tpu.memory_space<vmem>>, vector<1000x128xf32>
    %get3A_8 = arith.constant 0 : index
    %get3A_9 = arith.constant 0 : index
    %get3A_10 = vector.load %arg4[%get3A_8, %get3A_9] : memref<1000x128xf32, #tpu.memory_space<vmem>>, vector<1000x128xf32>
    %get3A_11 = arith.constant 0 : index
    %get3A_12 = arith.constant 0 : index
    %get3A_13 = vector.load %arg5[%get3A_11, %get3A_12] : memref<1000x128xf32, #tpu.memory_space<vmem>>, vector<1000x128xf32>
    %get3A_14 = arith.constant 0 : index
    %get3A_15 = arith.constant 0 : index
    %get3A_16 = vector.load %arg6[%get3A_14, %get3A_15] : memref<16x128xf32, #tpu.memory_space<vmem>>, vector<16x128xf32>
    %get3A_17 = arith.constant 0 : index
    %get3A_18 = arith.constant 0 : index
    %get3A_19 = vector.load %arg7[%get3A_17, %get3A_18] : memref<1x128xf32, #tpu.memory_space<vmem>>, vector<1x128xf32>
    %get3A_20 = arith.constant 0 : index
    %get3A_21 = arith.constant 0 : index
    %get3A_22 = vector.load %arg8[%get3A_20, %get3A_21] : memref<128x128xf32, #tpu.memory_space<vmem>>, vector<128x128xf32>
    %add3A = arith.addf %get3A_1, %get3A_4 : vector<1000x128xf32>
    %add3A_23 = arith.addf %get3A_7, %get3A_10 : vector<1000x128xf32>
    %slice3A = vector.extract_strided_slice %add3A_23 {offsets = [0, 0], sizes = [1000, 16], strides = [1, 1]} : vector<1000x128xf32> to vector<1000x16xf32>
    %slice3A_24 = vector.extract_strided_slice %add3A_23 {offsets = [0, 16], sizes = [1000, 1], strides = [1, 1]} : vector<1000x128xf32> to vector<1000x1xf32>
    %max3A = arith.constant 1.000000e+00 : f32
    %max3A_25 = vector.broadcast %max3A : f32 to vector<1000x1xf32>
    %max3A_26 = arith.maximumf %slice3A_24, %max3A_25 : vector<1000x1xf32>
    %div3A = arith.constant 1.000000e+00 : f32
    %div3A_27 = vector.broadcast %div3A : f32 to vector<1000x1xf32>
    %div3A_28 = arith.divf %div3A_27, %max3A_26 : vector<1000x1xf32>
    %dot_general3A = arith.constant dense<0.000000e+00> : vector<1000x128xf32>
    %dot_general3A_29 = tpu.matmul %slice3A, %get3A_16, %dot_general3A {dimension_numbers = #tpu.dot_dimension_numbers<[1], [0], [0], [1], [0, 0, 1, 1], [], []>, transpose_lhs_hint = false} : vector<1000x16xf32>, vector<16x128xf32>, vector<1000x128xf32> -> vector<1000x128xf32>
    %add3A_30 = arith.addf %add3A, %dot_general3A_29 : vector<1000x128xf32>
    %mul3A = vector.broadcast %slice3A_24 : vector<1000x1xf32> to vector<1000x128xf32>
    %mul3A_31 = vector.broadcast %get3A_19 : vector<1x128xf32> to vector<1000x128xf32>
    %mul3A_32 = arith.mulf %mul3A, %mul3A_31 : vector<1000x128xf32>
    %add3A_33 = arith.addf %add3A_30, %mul3A_32 : vector<1000x128xf32>
    %mul3A_34 = vector.broadcast %div3A_28 : vector<1000x1xf32> to vector<1000x128xf32>
    %mul3A_35 = arith.mulf %add3A_33, %mul3A_34 : vector<1000x128xf32>
    %max3A_36 = arith.constant 0.000000e+00 : f32
    %max3A_37 = vector.broadcast %max3A_36 : f32 to vector<1000x128xf32>
    %max3A_38 = arith.maximumf %mul3A_35, %max3A_37 : vector<1000x128xf32>
    %add3A_39 = arith.addf %get3A_13, %max3A_38 : vector<1000x128xf32>
    %swap3A = arith.constant 0 : index
    %swap3A_40 = arith.constant 0 : index
    %swap3A_41 = vector.load %arg9[%swap3A, %swap3A_40] : memref<1000x128xf32, #tpu.memory_space<vmem>>, vector<1000x128xf32>
    tpu.vector_store %arg9[%swap3A, %swap3A_40], %add3A_39 {strides = array<i32>} : memref<1000x128xf32, #tpu.memory_space<vmem>>, vector<1000x128xf32>,
    %dot_general3A_42 = arith.constant dense<0.000000e+00> : vector<1000x128xf32>
    %dot_general3A_43 = tpu.matmul %add3A_39, %get3A_22, %dot_general3A_42 {dimension_numbers = #tpu.dot_dimension_numbers<[1], [0], [0], [1], [0, 0, 1, 1], [], []>, transpose_lhs_hint = false} : vector<1000x128xf32>, vector<128x128xf32>, vector<1000x128xf32> -> vector<1000x128xf32>
    %swap3A_44 = arith.constant 0 : index
    %swap3A_45 = arith.constant 0 : index
    %swap3A_46 = vector.load %arg10[%swap3A_44, %swap3A_45] : memref<1000x128xf32, #tpu.memory_space<vmem>>, vector<1000x128xf32>
    tpu.vector_store %arg10[%swap3A_44, %swap3A_45], %dot_general3A_43 {strides = array<i32>} : memref<1000x128xf32, #tpu.memory_space<vmem>>, vector<1000x128xf32>,
    return
  }
  func.func @transform_0(%arg0: i32) -> (i32, i32) {
    %c0_i32 = arith.constant 0 : i32
    %c0_i32_0 = arith.constant 0 : i32
    return %arg0, %c0_i32 : i32, i32
  }
  func.func @transform_1(%arg0: i32) -> (i32, i32) {
    %c0_i32 = arith.constant 0 : i32
    %c0_i32_0 = arith.constant 0 : i32
    return %arg0, %c0_i32 : i32, i32
  }
  func.func @transform_2(%arg0: i32) -> (i32, i32) {
    %c0_i32 = arith.constant 0 : i32
    %c0_i32_0 = arith.constant 0 : i32
    return %arg0, %c0_i32 : i32, i32
  }
  func.func @transform_3(%arg0: i32) -> (i32, i32) {
    %c0_i32 = arith.constant 0 : i32
    %c0_i32_0 = arith.constant 0 : i32
    return %arg0, %c0_i32 : i32, i32
  }
  func.func @transform_4(%arg0: i32) -> (i32, i32) {
    %c0_i32 = arith.constant 0 : i32
    %c0_i32_0 = arith.constant 0 : i32
    return %arg0, %c0_i32 : i32, i32
  }
  func.func @transform_5(%arg0: i32) -> (i32, i32) {
    %c0_i32 = arith.constant 0 : i32
    %c0_i32_0 = arith.constant 0 : i32
    %c0_i32_1 = arith.constant 0 : i32
    return %c0_i32, %c0_i32_0 : i32, i32
  }
  func.func @transform_6(%arg0: i32) -> (i32, i32) {
    %c0_i32 = arith.constant 0 : i32
    %c0_i32_0 = arith.constant 0 : i32
    %c0_i32_1 = arith.constant 0 : i32
    return %c0_i32, %c0_i32_0 : i32, i32
  }
  func.func @transform_7(%arg0: i32) -> (i32, i32) {
    %c0_i32 = arith.constant 0 : i32
    %c0_i32_0 = arith.constant 0 : i32
    %c0_i32_1 = arith.constant 0 : i32
    return %c0_i32, %c0_i32_0 : i32, i32
  }
  func.func @transform_8(%arg0: i32) -> (i32, i32) {
    %c0_i32 = arith.constant 0 : i32
    %c0_i32_0 = arith.constant 0 : i32
    return %arg0, %c0_i32 : i32, i32
  }
  func.func @transform_9(%arg0: i32) -> (i32, i32) {
    %c0_i32 = arith.constant 0 : i32
    %c0_i32_0 = arith.constant 0 : i32
    return %arg0, %c0_i32 : i32, i32
  }
}

module attributes {stable_mosaic.version = 14 : i64} {
  func.func @_stage_body(%arg0: i32, %arg1: memref<1000x128xf32, #tpu.memory_space<vmem>>, %arg2: memref<1000x128xf32, #tpu.memory_space<vmem>>, %arg3: memref<1000x128xf32, #tpu.memory_space<vmem>>, %arg4: memref<1000x128xf32, #tpu.memory_space<vmem>>, %arg5: memref<1000x128xf32, #tpu.memory_space<vmem>>, %arg6: memref<16x128xf32, #tpu.memory_space<vmem>>, %arg7: memref<1x128xf32, #tpu.memory_space<vmem>>, %arg8: memref<1000x128xf32, #tpu.memory_space<vmem>>) attributes {dimension_semantics = [#tpu.dimension_semantics<arbitrary>], iteration_bounds = array<i64: 10>, scalar_prefetch = 0 : i64, scratch_operands = 0 : i64, tpu.core_type = #tpu.core_type<tc>, window_params = [{transform_indices = @transform_0, window_bounds = array<i64: 1000, 128>}, {transform_indices = @transform_1, window_bounds = array<i64: 1000, 128>}, {transform_indices = @transform_2, window_bounds = array<i64: 1000, 128>}, {transform_indices = @transform_3, window_bounds = array<i64: 1000, 128>}, {transform_indices = @transform_4, window_bounds = array<i64: 1000, 128>}, {pipeline_mode = #tpu.pipeline_mode<synchronous>, transform_indices = @transform_5, window_bounds = array<i64: 16, 128>}, {pipeline_mode = #tpu.pipeline_mode<synchronous>, transform_indices = @transform_6, window_bounds = array<i64: 1, 128>}, {transform_indices = @transform_7, window_bounds = array<i64: 1000, 128>}]} {
    %get3A = arith.constant 0 : index
    %get3A_0 = arith.constant 0 : index
    %get3A_1 = vector.load %arg1[%get3A, %get3A_0] : memref<1000x128xf32, #tpu.memory_space<vmem>>, vector<1000x128xf32>
    %get3A_2 = arith.constant 0 : index
    %get3A_3 = arith.constant 0 : index
    %get3A_4 = vector.load %arg2[%get3A_2, %get3A_3] : memref<1000x128xf32, #tpu.memory_space<vmem>>, vector<1000x128xf32>
    %get3A_5 = arith.constant 0 : index
    %get3A_6 = arith.constant 0 : index
    %get3A_7 = vector.load %arg3[%get3A_5, %get3A_6] : memref<1000x128xf32, #tpu.memory_space<vmem>>, vector<1000x128xf32>
    %get3A_8 = arith.constant 0 : index
    %get3A_9 = arith.constant 0 : index
    %get3A_10 = vector.load %arg4[%get3A_8, %get3A_9] : memref<1000x128xf32, #tpu.memory_space<vmem>>, vector<1000x128xf32>
    %get3A_11 = arith.constant 0 : index
    %get3A_12 = arith.constant 0 : index
    %get3A_13 = vector.load %arg5[%get3A_11, %get3A_12] : memref<1000x128xf32, #tpu.memory_space<vmem>>, vector<1000x128xf32>
    %get3A_14 = arith.constant 0 : index
    %get3A_15 = arith.constant 0 : index
    %get3A_16 = vector.load %arg6[%get3A_14, %get3A_15] : memref<16x128xf32, #tpu.memory_space<vmem>>, vector<16x128xf32>
    %get3A_17 = arith.constant 0 : index
    %get3A_18 = arith.constant 0 : index
    %get3A_19 = vector.load %arg7[%get3A_17, %get3A_18] : memref<1x128xf32, #tpu.memory_space<vmem>>, vector<1x128xf32>
    %add3A = arith.addf %get3A_1, %get3A_4 : vector<1000x128xf32>
    %add3A_20 = arith.addf %get3A_7, %get3A_10 : vector<1000x128xf32>
    %slice3A = vector.extract_strided_slice %add3A_20 {offsets = [0, 0], sizes = [1000, 16], strides = [1, 1]} : vector<1000x128xf32> to vector<1000x16xf32>
    %slice3A_21 = vector.extract_strided_slice %add3A_20 {offsets = [0, 16], sizes = [1000, 1], strides = [1, 1]} : vector<1000x128xf32> to vector<1000x1xf32>
    %max3A = arith.constant 1.000000e+00 : f32
    %max3A_22 = vector.broadcast %max3A : f32 to vector<1000x1xf32>
    %max3A_23 = arith.maximumf %slice3A_21, %max3A_22 : vector<1000x1xf32>
    %div3A = arith.constant 1.000000e+00 : f32
    %div3A_24 = vector.broadcast %div3A : f32 to vector<1000x1xf32>
    %div3A_25 = arith.divf %div3A_24, %max3A_23 : vector<1000x1xf32>
    %dot_general3A = arith.constant dense<0.000000e+00> : vector<1000x128xf32>
    %dot_general3A_26 = tpu.matmul %slice3A, %get3A_16, %dot_general3A {dimension_numbers = #tpu.dot_dimension_numbers<[1], [0], [0], [1], [0, 0, 1, 1], [], []>, transpose_lhs_hint = false} : vector<1000x16xf32>, vector<16x128xf32>, vector<1000x128xf32> -> vector<1000x128xf32>
    %add3A_27 = arith.addf %add3A, %dot_general3A_26 : vector<1000x128xf32>
    %mul3A = vector.broadcast %slice3A_21 : vector<1000x1xf32> to vector<1000x128xf32>
    %mul3A_28 = vector.broadcast %get3A_19 : vector<1x128xf32> to vector<1000x128xf32>
    %mul3A_29 = arith.mulf %mul3A, %mul3A_28 : vector<1000x128xf32>
    %add3A_30 = arith.addf %add3A_27, %mul3A_29 : vector<1000x128xf32>
    %mul3A_31 = vector.broadcast %div3A_25 : vector<1000x1xf32> to vector<1000x128xf32>
    %mul3A_32 = arith.mulf %add3A_30, %mul3A_31 : vector<1000x128xf32>
    %max3A_33 = arith.constant 0.000000e+00 : f32
    %max3A_34 = vector.broadcast %max3A_33 : f32 to vector<1000x128xf32>
    %max3A_35 = arith.maximumf %mul3A_32, %max3A_34 : vector<1000x128xf32>
    %add3A_36 = arith.addf %get3A_13, %max3A_35 : vector<1000x128xf32>
    %swap3A = arith.constant 0 : index
    %swap3A_37 = arith.constant 0 : index
    %swap3A_38 = vector.load %arg8[%swap3A, %swap3A_37] : memref<1000x128xf32, #tpu.memory_space<vmem>>, vector<1000x128xf32>
    tpu.vector_store %arg8[%swap3A, %swap3A_37], %add3A_36 {strides = array<i32>} : memref<1000x128xf32, #tpu.memory_space<vmem>>, vector<1000x128xf32>,
    return
  }
  func.func @transform_0(%arg0: i32) -> (i32, i32) {
    %c0_i32 = arith.constant 0 : i32
    %c0_i32_0 = arith.constant 0 : i32
    return %arg0, %c0_i32 : i32, i32
  }
  func.func @transform_1(%arg0: i32) -> (i32, i32) {
    %c0_i32 = arith.constant 0 : i32
    %c0_i32_0 = arith.constant 0 : i32
    return %arg0, %c0_i32 : i32, i32
  }
  func.func @transform_2(%arg0: i32) -> (i32, i32) {
    %c0_i32 = arith.constant 0 : i32
    %c0_i32_0 = arith.constant 0 : i32
    return %arg0, %c0_i32 : i32, i32
  }
  func.func @transform_3(%arg0: i32) -> (i32, i32) {
    %c0_i32 = arith.constant 0 : i32
    %c0_i32_0 = arith.constant 0 : i32
    return %arg0, %c0_i32 : i32, i32
  }
  func.func @transform_4(%arg0: i32) -> (i32, i32) {
    %c0_i32 = arith.constant 0 : i32
    %c0_i32_0 = arith.constant 0 : i32
    return %arg0, %c0_i32 : i32, i32
  }
  func.func @transform_5(%arg0: i32) -> (i32, i32) {
    %c0_i32 = arith.constant 0 : i32
    %c0_i32_0 = arith.constant 0 : i32
    %c0_i32_1 = arith.constant 0 : i32
    return %c0_i32, %c0_i32_0 : i32, i32
  }
  func.func @transform_6(%arg0: i32) -> (i32, i32) {
    %c0_i32 = arith.constant 0 : i32
    %c0_i32_0 = arith.constant 0 : i32
    %c0_i32_1 = arith.constant 0 : i32
    return %c0_i32, %c0_i32_0 : i32, i32
  }
  func.func @transform_7(%arg0: i32) -> (i32, i32) {
    %c0_i32 = arith.constant 0 : i32
    %c0_i32_0 = arith.constant 0 : i32
    return %arg0, %c0_i32 : i32, i32
  }
}

</mosaic_0001>

<sc_bundles>
// kernel: sc_gcn_agg.11.cloned.1.call-start
scs
__scs_entry_jumppad:
0x0: {  	(pc) =	sbr.rel $0x88, $3  }
0x1: {  	(tag) =	ssettag $0x0;
	lr =	simm.s32 $0x1  }
0x2: {  	[smem:$0x3F98] =	sst lr;
	_ =	strace $0xD0000000  }
0x3: {  	_ = 	snop  }
0x4: {  	_ = 	snop  }
0x5: {  	_ = 	snop  }
0x6: {  	_ = 	snop  }
0x7: {  	_ = 	snop  }
__scs_overlays_trampoline_lowered:
0x8: {  	[smem:$0x3FA7] =	sst s0  }
0x9: {  	[smem:$0x3FA8] =	sst s1  }
0xa: {  	[smem:$0x3FA9] =	sst s2  }
0xb: {  	[smem:$0x3FAA] =	sst s3  }
0xc: {  	[smem:$0x3FAB] =	sst s4  }
0xd: {  	[smem:$0x3FAC] =	sst s5  }
0xe: {  	[smem:$0x3FAD] =	sst s6  }
0xf: {  	[smem:$0x3FAE] =	sst s7  }
0x10: {  	[smem:$0x3FAF] =	sst s8  }
0x11: {  	[smem:$0x3FB0] =	sst s9;
	s0 =	simm.s32 @!p0 $0x0  }
0x12: {  	s1 =	sld [smem:$0x3F96];
	s0 =	simm.s32 @p0 $0x1  }
0x13: {  	[smem:$0x3FB1] =	sst s0;
	s0 =	simm.s32 @!p1 $0x0  }
0x14: {  	s2 =	sld [smem:$0x3F95];
	s0 =	simm.s32 @p1 $0x1  }
0x15: {  	[smem:$0x3FB2] =	sst s0;
	s0 =	simm.s32 @!p2 $0x0  }
0x16: {  	s3 =	sld [smem:$0x3FDB];
	s0 =	simm.s32 @p2 $0x1  }
0x17: {  	s4 =	simm.s32 $0x1BF5;
	[smem:$0x3FB4] =	sst s0  }
0x18: {  	s0 =	sld [smem:$0x3F97];
	_ =	swait.ge [sflag:s4], $0x0  }
0x19: {  	s7 =	sld [smem:$0x3F98]  }
0x1a: {  	s8 =	sadd.s32 $0xFFFFE003, lr  }
0x1b: {  	s9 =	sadd.s32 $0xFFFFFEF7, lr;
	s5 =	simm.s32 $0xFFFFFFFF;
	p2 =	slt.u32 s8, $0xFFFFF086  }
0x1c: {  	p1 =	slt.u32 s9, $0xF7A;
	s5 =	simm.s32 @!p2 $0x0  }
0x1d: {  	s5 =	simm.s32 @p1 $0x1;
	p0 =	seq.s32 s7, s2  }
0x1e: {  	s7 =	smul.u32 @!p0 $0xF7A, s2;
	p2 =	seq.s32 @!p0 s5, $0x0  }
0x1f: {  	s9 =	smul.u32 $0xF7A, s1;
	s8 =	simm.s32 @!p0 $0x1BF5;
	p2 =	por !p2, p0  }
0x20: {  	[sflag:s8] =	ssyncset.s32 @!p0 $0xFFFFF086;
	s6 =	sadd.s32 @!p0 s3, s7;
	s7 =	simm.s32 @!p0 $0x108  }
0x21: {  	s3 =	sadd.s32 s3, s9;
	s6 =	sadd.s32 @!p0 $0x88, s6;
	s7 =	simm.s32 @p2 $0x1082  }
0x22: {  	[simem:s7], [sflag:s8] =	dma.local @!p0 [hbm:s6], $0xF7A  }
0x23: {  	s9 =	sor.u32 $0xD0000000, s2;
	s6 =	simm.s32 $0x108;
	_ =	swait.ge @!p0 [sflag:s8], $0x0  }
0x24: {  	s3 =	sadd.s32 $0x88, s3;
	s6 =	simm.s32 @!p1 $0x1082;
	[sflag:s4] =	ssyncset.s32 $0xFFFFF086  }
0x25: {  	[simem:s6], [sflag:s4] =	dma.local [hbm:s3], $0xF7A  }
0x26: {  	[smem:$0x3F98] =	sst s1;
	(tag) =	ssettag s2;
	_ =	strace s9  }
0x27: {  	s1 =	sld [smem:$0x3FA8]  }
0x28: {  	s2 =	sld [smem:$0x3FA9]  }
0x29: {  	s4 =	sld [smem:$0x3FAB]  }
0x2a: {  	p0 =	seq.s32 s5, $0x0;
	s5 =	sld [smem:$0x3FAC]  }
0x2b: {  	s6 =	sld [smem:$0x3FAD]  }
0x2c: {  	s7 =	sld [smem:$0x3FAE]  }
0x2d: {  	s3 =	simm.s32 $0x108;
	s8 =	sld [smem:$0x3FAF]  }
0x2e: {  	s3 =	simm.s32 @!p0 $0x1082;
	s9 =	sld [smem:$0x3FB0]  }
0x2f: {  	lr =	sadd.s32 s0, s3;
	s0 =	sld [smem:$0x3FA7]  }
0x30: {  	s3 =	sld [smem:$0x3FAA]  }
0x31: {  	[smem:$0x3FB3] =	sst s10  }
0x32: {  	s10 =	sld [smem:$0x3FB1];
	_ =	sdelay $0x3  }
0x33: {  	p0 =	seq.s32 s10, $0x1;
	s10 =	sld [smem:$0x3FB3];
	_ =	sdelay $0x3  }
0x34: {  	[smem:$0x3FB3] =	sst s10  }
0x35: {  	s10 =	sld [smem:$0x3FB2];
	_ =	sdelay $0x3  }
0x36: {  	p1 =	seq.s32 s10, $0x1;
	s10 =	sld [smem:$0x3FB3];
	_ =	sdelay $0x3  }
0x37: {  	[smem:$0x3FB3] =	sst s10  }
0x38: {  	s10 =	sld [smem:$0x3FB4]  }
0x39: {  	_ = 	snop;
	(pc) =	sbr.ind lr, $3  }
0x3a: {  	_ = 	snop  }
0x3b: {  	_ = 	snop  }
0x3c: {  	p2 =	seq.s32 s10, $0x1;
	s10 =	sld [smem:$0x3FB3]  }
0x3d: {  	_ =	shalt  }
0x3e: {  	_ =	shalt  }
0x3f: {  	_ =	shalt  }
0x40: {  	_ =	shalt  }
0x41: {  	_ =	shalt  }
0x42: {  	_ =	shalt  }
0x43: {  	_ =	shalt  }
0x44: {  	_ =	shalt  }
0x45: {  	_ =	shalt  }
0x46: {  	_ =	shalt  }
0x47: {  	_ =	shalt  }
0x48: {  	_ =	shalt  }
0x49: {  	_ =	shalt  }
0x4a: {  	_ =	shalt  }
0x4b: {  	_ =	shalt  }
0x4c: {  	_ =	shalt  }
0x4d: {  	_ =	shalt  }
0x4e: {  	_ =	shalt  }
0x4f: {  	_ =	shalt  }
0x50: {  	_ =	shalt  }
0x51: {  	_ =	shalt  }
0x52: {  	_ =	shalt  }
0x53: {  	_ =	shalt  }
0x54: {  	_ =	shalt  }
0x55: {  	_ =	shalt  }
0x56: {  	_ =	shalt  }
0x57: {  	_ =	shalt  }
0x58: {  	_ =	shalt  }
0x59: {  	_ =	shalt  }
0x5a: {  	_ =	shalt  }
0x5b: {  	_ =	shalt  }
0x5c: {  	_ =	shalt  }
0x5d: {  	_ =	shalt  }
0x5e: {  	_ =	shalt  }
0x5f: {  	_ =	shalt  }
0x60: {  	_ =	shalt  }
0x61: {  	_ =	shalt  }
0x62: {  	_ =	shalt  }
0x63: {  	_ =	shalt  }
0x64: {  	_ =	shalt  }
0x65: {  	_ =	shalt  }
0x66: {  	_ =	shalt  }
0x67: {  	_ =	shalt  }
0x68: {  	_ =	shalt  }
0x69: {  	_ =	shalt  }
0x6a: {  	_ =	shalt  }
0x6b: {  	_ =	shalt  }
0x6c: {  	_ =	shalt  }
0x6d: {  	_ =	shalt  }
0x6e: {  	_ =	shalt  }
0x6f: {  	_ =	shalt  }
0x70: {  	_ =	shalt  }
0x71: {  	_ =	shalt  }
0x72: {  	_ =	shalt  }
0x73: {  	_ =	shalt  }
0x74: {  	_ =	shalt  }
0x75: {  	_ =	shalt  }
0x76: {  	_ =	shalt  }
0x77: {  	_ =	shalt  }
0x78: {  	_ =	shalt  }
0x79: {  	_ =	shalt  }
0x7a: {  	_ =	shalt  }
0x7b: {  	_ =	shalt  }
0x7c: {  	_ =	shalt  }
0x7d: {  	_ =	shalt  }
0x7e: {  	_ =	shalt  }
0x7f: {  	_ =	shalt  }
0x80: {  	_ =	shalt  }
0x81: {  	_ =	shalt  }
0x82: {  	_ =	shalt  }
0x83: {  	_ =	shalt  }
0x84: {  	_ =	shalt  }
0x85: {  	_ =	shalt  }
0x86: {  	_ =	shalt  }
0x87: {  	_ =	shalt  }
.Lfunc_end0:
.L_simem_size_0:
called_computation.3_lowered:
.L_overlay_start_0:
0x88: {  	s2 =	sld [smem:$0x3FD9]  }
0x89: {  	s3 =	sld [smem:$0x3FFE];
	_ =	sdelay $0x1  }
0x8a: {  	s1 =	srdreg.scid  }
0x8b: {  	s0 =	sand.u32 $0x1, s1  }
0x8c: {  	s16 =	sshll.u32 s0, $0xA;
	s2 =	sadd.s32 s3, s2  }
0x8d: {  	s2 =	sadd.s32 s2, s16  }
0x8e: {  	[smem:$0x3FBF] =	sst s2  }
0x8f: {  	_ = 	snop  }
0x90: {  	(tm) =	ssettm $0x1  }
0x91: {  	s17 =	sld [smem:$0x3FFB];
	_ =	sdelay $0x3  }
0x92: {  	_ =	strace s17  }
0x93: {  	s2 =	sld [smem:$0x3FFC];
	_ =	sdelay $0x3  }
0x94: {  	_ =	strace s2  }
0x95: {  	s2 =	sld [smem:$0x3FFD];
	_ =	sdelay $0x3  }
0x96: {  	_ =	strace s2  }
0x97: {  	_ =	strace $0x8FFFFFFF  }
0x98: {  	s18 =	sld [smem:$0x3FDB];
	_ =	sdelay $0x1  }
0x99: {  	s19 =	simm.s32 $_scs_section_size  }
0x9a: {  	s4 =	simm.s32 $_size__tile_overlayer_lowered;
	s5 =	simm.s32 $_tile_overlayer_lowered  }
0x9b: {  	s22 =	simm.s32 $0x1BFF;
	s21 =	sshll.u32 s5, $0x1;
	s2 =	sadd.s32 s19, s18  }
0x9c: {  	s6 =	simm.s32 $0x0;
	s20 =	sshll.u32 s4, $0x1;
	s4 =	sadd.s32 s21, s2  }
0x9d: {  	[timem:s6], [sflag:s22] =	dma.local [hbm:s4], s20  }
0x9e: {  	_ =	swait.ge [sflag:s22], s20  }
0x9f: {  	s3 =	ssub.s32 $0x0, s20;
	[sflag:s22] =	ssyncset.done $0x0  }
0xa0: {  	[sflag:s22] =	ssyncadd.s32 s3;
	_ =	sdelay $0x1  }
0xa1: {  	s23 =	simm.s32 $0x1B8B  }
0xa2: {  	_ =	swait.ge [sflag:s23], $0x1  }
0xa3: {  	[sflag:s23] =	ssyncset.done $0x0  }
0xa4: {  	s25 =	simm.s32 $0x1B8E;
	s24 =	sld [smem:$0x3FFE];
	[sflag:s23] =	ssyncadd.s32 $0xFFFFFFFF  }
0xa5: {  	s26 =	simm.s32 $execute0_lowered;
	[smem:$0x3FD2] =	sst s25  }
0xa6: {  	s4 =	sshll.u32 s26, $0x1;
	_ =	strace $0x8000004F;
	[dreg:$0x1] =	wrdreg $0xFFFFFFFF  }
0xa7: {  	s28 =	simm.s32 $_size_execute0_lowered;
	s2 =	sadd.s32 s2, s4;
	[dreg:$0x0] =	wrdreg $0x0  }
0xa8: {  	s4 =	sshll.u32 s28, $0x1;
	[dreg:$0x2] =	wrdreg s2  }
0xa9: {  	[dreg:$0x3] =	wrdreg s4  }
0xaa: {  	[dreg:$0x4] =	wrdreg $0xC0  }
0xab: {  	_ =	task [dreg:s6], $0x5FFFF  }
0xac: {  	[dreg:$0x1] =	wrdreg $0xFFFFFFFF  }
0xad: {  	[dreg:$0x0] =	wrdreg $0x60  }
0xae: {  	[dreg:$0x2] =	wrdreg s24  }
0xaf: {  	[dreg:$0x3] =	wrdreg $0xA8000  }
0xb0: {  	[dreg:$0x4] =	wrdreg $0x9  }
0xb1: {  	_ =	task.clear_ibuf [dreg:s6], $0x5FFFF;
	_ =	strace $0x9000004F  }
0xb2: {  	s29 =	simm.s32 $0x9;
	_ =	strace $0x80000051  }
0xb3: {  	_ =	swait.ge [sflag:s29], $0x1  }
0xb4: {  	[sflag:s29] =	ssyncadd.s32 $0xFFFFFFFF  }
0xb5: {  	_ =	strace $0x90000051  }
0xb6: {  	_ =	sfence  }
0xb7: {  	s30 =	sld [smem:$0x0];
	_ =	sdelay $0x2  }
0xb8: {  	s31 =	sshll.u32 s1, $0xD;
	s1 =	sshrl.u32 s1, $0x2  }
0xb9: {  	s3 =	sand.u32 $0x4000, s31;
	s1 =	sadd.s32 s1, s30  }
0xba: {  	s0 =	sor.u32 s3, s0;
	s1 =	sshll.u32 s1, $0x11  }
0xbb: {  	s0 =	sor.u32 s1, s0  }
0xbc: {  	s0 =	sadd.s32 $0x8F2B, s0  }
0xbd: {  	[sflag:s0] =	ssyncadd.remote.s32 $0x1  }
0xbe: {  	_ =	sfence.sel $0xFFFF  }
0xbf: {  	[dreg:$0x0] =	wrdreg $0xFFFFFFFF;
	(pc) =	sbr.abs _section_cstart, $3  }
0xc0: {  	[dreg:$0x1] =	wrdreg $0xFFFFFFFF  }
0xc1: {  	_ =	task.clear_ibuf [dreg:s6], $0x2FFFF;
	_ =	strace $0x9FFFFFFF  }
0xc2: {  	(tm) =	ssettm $0x7FFFFFFF  }
0xc3: {  	_ =	shalt  }
tec
execute0_lowered:
.L_overlay_start_1:
0x0: {  	(tag) =	ssettag $0x1  }
0x1: {  	s5 =	rddreg [dreg:$0x0]  }
0x2: {  	s2 =	rddreg [dreg:$0x1]  }
0x3: {  	s0 =	rddreg [dreg:$0x2];
	s3 =	simm.s32 $0x0;
	s1 =	stileid.u32  }
0x4: {  	s4 =	srdreg.scid;
	s17 =	simm.s32 $0x2800;
	s18 =	simm.s32 $0x6800  }
0x5: {  	s19 =	simm.s32 $0x1;
	s20 =	simm.s32 $0x2;
	s21 =	simm.s32 $0x0  }
0x6: {  	[smem:$0x7FF] =	sst s3;
	s6 =	smul.u32 $0x13C00, s1;
	s7 =	sand.u32 $0x1, s4  }
0x7: {  	s4 =	sadd.s32 $0x3F400, s5;
	s9 =	sadd.s32 $0x8E400, s5;
	s11 =	sadd.s32 $0xDC00, s5  }
0x8: {  	s25 =	smul.u32 $0x4F000, s1;
	s13 =	sshll.u32 s1, $0x1;
	s28 =	sshll.u32 s1, $0x6  }
0x9: {  	_ =	strace $0x80000050;
	s8 =	smul.u32 $0x13C000, s7;
	s12 =	sshll.u32 s7, $0x5  }
0xa: {  	s7 =	ssub.s32 $0x2, s7;
	s10 =	sshrl.u32 s6, $0x3;
	s12 =	sor.u32 s13, s12  }
0xb: {  	s26 =	sshrl.u32 s7, $0x1;
	s10 =	sadd.s32 s10, s5;
	s6 =	sadd.s32 s6, s8  }
0xc: {  	s8 =	sshrl.u32 s25, $0x2;
	s14 =	smul.u32 $0x1400, s12;
	s13 =	ssub.s32 s7, s26  }
0xd: {  	s29 =	smul.u32 $0x280, s12;
	s6 =	sshrl.u32 s6, $0x3;
	s16 =	sadd.s32 s8, s2  }
0xe: {  	s12 =	smax.u32 s13, $0x1;
	s15 =	sadd.s32 s6, s5;
	s30 =	sshrl.u32 s14, $0x3  }
0xf: {  	s5 =	sadd.s32 $0x17C00, s10;
	s6 =	sor.u32 $0x1C03, s28;
	s7 =	sadd.s32 s9, s29  }
0x10: {  	s8 =	sadd.s32 s11, s29;
	s13 =	sshrl.u32 s16, $0x3;
	s31 =	sadd.s32 $0x280, s30  }
0x11: {  	s14 =	simm.s32 $0x3;
	s16 =	simm.s32 $0x80;
	s9 =	sadd.s32 s9, s31  }
0x12: {  	s10 =	sadd.s32 s11, s31;
	s11 =	sadd.s32 $0x98400, s15;
	s15 =	simm.s32 $0x1400  }
.LBB2_1:
0x13: {  	[spmem:s13], [sflag:s6] =	dma.local [hbm:s5], $0x2780  }
0x14: {  	_ =	swait.ge [sflag:s14], $0x2780  }
0x15: {  	[sflag:s14] =	ssyncset.done $0x0  }
0x16: {  	[sflag:s14] =	ssyncadd.s32 $0xFFFFD880  }
0x17: {  	[bflag:$0x0] =	sbarrier.arrive $0xFFFF  }
0x18: {  	[tilespmem:s3], [sflag:$0x3] =	stream.linear.gather [hbm4b:s7+s3], $0x1400, $0x38;
	[tilespmem:$0x1E400] =	vst v63  }
0x19: {  	_ =	swait.ge [sflag:s14], $0x1400  }
0x1a: {  	[sflag:s14] =	ssyncset.done $0x0  }
0x1b: {  	[sflag:s14] =	ssyncadd.s32 $0xFFFFEC00  }
0x1c: {  	[tilespmem:s15], [sflag:$0x3] =	stream.linear.gather [hbm4b:s8+s3], $0x1400, $0x38;
	[tilespmem:$0x1E400] =	vst v63  }
0x1d: {  	_ =	swait.ge [sflag:s14], $0x1400  }
0x1e: {  	[sflag:s14] =	ssyncset.done $0x0  }
0x1f: {  	[sflag:s14] =	ssyncadd.s32 $0xFFFFEC00  }
0x20: {  	[tilespmem:s17], [sflag:$0x1] =	stream.indirect.gather [hbm4b:s4+s16], $0x80, s3, s16, $0xb8;
	[tilespmem:$0x1E400] =	vst v63  }
0x21: {  	_ = 	snop  }
0x22: {  	[tilespmem:s18], [sflag:$0x2] =	stream.indirect.gather [hbm4b:s4+s16], $0x80, s16, s16, $0xb8;
	[tilespmem:$0x1E400] =	vst v63  }
0x23: {  	_ =	swait.ge [sflag:s19], $0x4000  }
0x24: {  	[sflag:s19] =	ssyncset.done $0x0  }
0x25: {  	s22 =	simm.s32 $0x1400;
	[sflag:s19] =	ssyncadd.s32 $0xFFFFC000  }
0x26: {  	[spmem:s2] =	stream.indirect.scatter.add.f32 [tilespmem:s17], [sflag:$0x3], $0x80, s22, s16, $0xb8;
	[tilespmem:$0x1E400] =	vst v63  }
0x27: {  	s30 =	smin.u32 s3, $0x24;
	_ =	swait.ge [sflag:s14], $0x4000  }
0x28: {  	s23 =	sshll.u32 s30, $0x7;
	[sflag:s14] =	ssyncset.done $0x0  }
0x29: {  	s22 =	sadd.s32 $0x100, s23;
	[sflag:s14] =	ssyncadd.s32 $0xFFFFC000  }
0x2a: {  	[tilespmem:s17], [sflag:$0x1] =	stream.indirect.gather [hbm4b:s4+s16], $0x80, s22, s16, $0xb8;
	[tilespmem:$0x1E400] =	vst v63  }
0x2b: {  	_ =	swait.ge [sflag:s20], $0x4000  }
0x2c: {  	[sflag:s20] =	ssyncset.done $0x0  }
0x2d: {  	s31 =	simm.s32 $0x1480;
	[sflag:s20] =	ssyncadd.s32 $0xFFFFC000  }
0x2e: {  	[spmem:s2] =	stream.indirect.scatter.add.f32 [tilespmem:s18], [sflag:$0x3], $0x80, s31, s16, $0xb8;
	[tilespmem:$0x1E400] =	vst v63  }
0x2f: {  	_ =	swait.ge [sflag:s14], $0x4000  }
0x30: {  	s24 =	sadd.s32 $0x180, s23;
	[sflag:s14] =	ssyncset.done $0x0  }
0x31: {  	s23 =	simm.s32 $0x1580;
	s22 =	simm.s32 $0x2;
	[sflag:s14] =	ssyncadd.s32 $0xFFFFC000  }
.LBB2_2:
0x32: {  	[tilespmem:s18], [sflag:$0x2] =	stream.indirect.gather [hbm4b:s4+s16], $0x80, s24, s16, $0xb8;
	[tilespmem:$0x1E400] =	vst v63  }
0x33: {  	s24 =	smov.u32 s22  }
0x34: {  	p0 =	sne.s32 s22, $0x26;
	s22 =	sadd.s32 $0x2, s22;
	_ =	swait.ge [sflag:s19], $0x4000  }
0x35: {  	[sflag:s19] =	ssyncset.done $0x0  }
0x36: {  	s25 =	sadd.s32 $0xFFFFFF80, s23;
	[sflag:s19] =	ssyncadd.s32 $0xFFFFC000  }
0x37: {  	[spmem:s2] =	stream.indirect.scatter.add.f32 [tilespmem:s17], [sflag:$0x3], $0x80, s25, s16, $0xb8;
	[tilespmem:$0x1E400] =	vst v63  }
0x38: {  	s24 =	smin.u32 s24, $0x24;
	_ =	swait.ge [sflag:s14], $0x4000  }
0x39: {  	s24 =	sshll.u32 s24, $0x7;
	[sflag:s14] =	ssyncset.done $0x0  }
0x3a: {  	s25 =	sadd.s32 $0x100, s24;
	[sflag:s14] =	ssyncadd.s32 $0xFFFFC000  }
0x3b: {  	[tilespmem:s17], [sflag:$0x1] =	stream.indirect.gather [hbm4b:s4+s16], $0x80, s25, s16, $0xb8;
	[tilespmem:$0x1E400] =	vst v63  }
0x3c: {  	_ =	swait.ge [sflag:s20], $0x4000  }
0x3d: {  	[sflag:s20] =	ssyncset.done $0x0  }
.Ltmp0:
0x3e: {  	[sflag:s20] =	ssyncadd.s32 $0xFFFFC000;
	(pc) =	sbr.rel @p0 .LBB2_2-.Ltmp0, $4  }
0x3f: {  	[spmem:s2] =	stream.indirect.scatter.add.f32 [tilespmem:s18], [sflag:$0x3], $0x80, s23, s16, $0xb8;
	[tilespmem:$0x1E400] =	vst v63  }
0x40: {  	_ =	swait.ge [sflag:s14], $0x4000  }
0x41: {  	[sflag:s14] =	ssyncset.done $0x0  }
0x42: {  	s24 =	sadd.s32 $0x180, s24;
	s23 =	sadd.s32 $0x100, s23;
	[sflag:s14] =	ssyncadd.s32 $0xFFFFC000  }
0x43: {  	[tilespmem:s18], [sflag:$0x2] =	stream.indirect.gather [hbm4b:s4+s16], $0x80, s24, s16, $0xb8;
	[tilespmem:$0x1E400] =	vst v63  }
0x44: {  	_ =	swait.ge [sflag:s19], $0x4000  }
0x45: {  	[sflag:s19] =	ssyncset.done $0x0  }
0x46: {  	[sflag:s19] =	ssyncadd.s32 $0xFFFFC000  }
0x47: {  	_ =	swait.ge [sflag:s20], $0x4000  }
0x48: {  	[sflag:s20] =	ssyncset.done $0x0  }
0x49: {  	s22 =	simm.s32 $0x0;
	[sflag:s20] =	ssyncadd.s32 $0xFFFFC000  }
0x4a: {  	[tilespmem:s22], [sflag:$0x3] =	stream.linear.gather [hbm4b:s9+s22], $0x1400, $0x38;
	[tilespmem:$0x1E400] =	vst v63  }
0x4b: {  	_ =	swait.ge [sflag:s14], $0x1400  }
0x4c: {  	[sflag:s14] =	ssyncset.done $0x0  }
0x4d: {  	[sflag:s14] =	ssyncadd.s32 $0xFFFFEC00  }
0x4e: {  	[tilespmem:s15], [sflag:$0x3] =	stream.linear.gather [hbm4b:s10+s22], $0x1400, $0x38;
	[tilespmem:$0x1E400] =	vst v63  }
0x4f: {  	_ =	swait.ge [sflag:s14], $0x1400  }
0x50: {  	[sflag:s14] =	ssyncset.done $0x0  }
0x51: {  	[sflag:s14] =	ssyncadd.s32 $0xFFFFEC00  }
0x52: {  	[tilespmem:s17], [sflag:$0x1] =	stream.indirect.gather [hbm4b:s4+s16], $0x80, s22, s16, $0xb8;
	[tilespmem:$0x1E400] =	vst v63  }
0x53: {  	_ = 	snop  }
0x54: {  	[tilespmem:s18], [sflag:$0x2] =	stream.indirect.gather [hbm4b:s4+s16], $0x80, s16, s16, $0xb8;
	[tilespmem:$0x1E400] =	vst v63  }
0x55: {  	_ =	swait.ge [sflag:s19], $0x4000  }
0x56: {  	[sflag:s19] =	ssyncset.done $0x0  }
0x57: {  	s23 =	simm.s32 $0x1400;
	[sflag:s19] =	ssyncadd.s32 $0xFFFFC000  }
0x58: {  	[spmem:s2] =	stream.indirect.scatter.add.f32 [tilespmem:s17], [sflag:$0x3], $0x80, s23, s16, $0xb8;
	[tilespmem:$0x1E400] =	vst v63  }
0x59: {  	s22 =	smin.u32 s22, $0x24;
	_ =	swait.ge [sflag:s14], $0x4000  }
0x5a: {  	s30 =	sshll.u32 s22, $0x7;
	[sflag:s14] =	ssyncset.done $0x0  }
0x5b: {  	s22 =	sadd.s32 $0x100, s30;
	[sflag:s14] =	ssyncadd.s32 $0xFFFFC000  }
0x5c: {  	[tilespmem:s17], [sflag:$0x1] =	stream.indirect.gather [hbm4b:s4+s16], $0x80, s22, s16, $0xb8;
	[tilespmem:$0x1E400] =	vst v63  }
0x5d: {  	_ =	swait.ge [sflag:s20], $0x4000  }
0x5e: {  	[sflag:s20] =	ssyncset.done $0x0  }
0x5f: {  	s31 =	simm.s32 $0x1480;
	[sflag:s20] =	ssyncadd.s32 $0xFFFFC000  }
0x60: {  	[spmem:s2] =	stream.indirect.scatter.add.f32 [tilespmem:s18], [sflag:$0x3], $0x80, s31, s16, $0xb8;
	[tilespmem:$0x1E400] =	vst v63  }
0x61: {  	_ =	swait.ge [sflag:s14], $0x4000  }
0x62: {  	s24 =	sadd.s32 $0x180, s30;
	[sflag:s14] =	ssyncset.done $0x0  }
0x63: {  	s23 =	simm.s32 $0x1580;
	s22 =	simm.s32 $0x2;
	[sflag:s14] =	ssyncadd.s32 $0xFFFFC000  }
.LBB2_4:
0x64: {  	[tilespmem:s18], [sflag:$0x2] =	stream.indirect.gather [hbm4b:s4+s16], $0x80, s24, s16, $0xb8;
	[tilespmem:$0x1E400] =	vst v63  }
0x65: {  	s24 =	smov.u32 s22  }
0x66: {  	p0 =	sne.s32 s22, $0x26;
	s22 =	sadd.s32 $0x2, s22;
	_ =	swait.ge [sflag:s19], $0x4000  }
0x67: {  	[sflag:s19] =	ssyncset.done $0x0  }
0x68: {  	s25 =	sadd.s32 $0xFFFFFF80, s23;
	[sflag:s19] =	ssyncadd.s32 $0xFFFFC000  }
0x69: {  	[spmem:s2] =	stream.indirect.scatter.add.f32 [tilespmem:s17], [sflag:$0x3], $0x80, s25, s16, $0xb8;
	[tilespmem:$0x1E400] =	vst v63  }
0x6a: {  	s24 =	smin.u32 s24, $0x24;
	_ =	swait.ge [sflag:s14], $0x4000  }
0x6b: {  	s24 =	sshll.u32 s24, $0x7;
	[sflag:s14] =	ssyncset.done $0x0  }
0x6c: {  	s25 =	sadd.s32 $0x100, s24;
	[sflag:s14] =	ssyncadd.s32 $0xFFFFC000  }
0x6d: {  	[tilespmem:s17], [sflag:$0x1] =	stream.indirect.gather [hbm4b:s4+s16], $0x80, s25, s16, $0xb8;
	[tilespmem:$0x1E400] =	vst v63  }
0x6e: {  	_ =	swait.ge [sflag:s20], $0x4000  }
0x6f: {  	[sflag:s20] =	ssyncset.done $0x0  }
.Ltmp1:
0x70: {  	[sflag:s20] =	ssyncadd.s32 $0xFFFFC000;
	(pc) =	sbr.rel @p0 .LBB2_4-.Ltmp1, $4  }
0x71: {  	[spmem:s2] =	stream.indirect.scatter.add.f32 [tilespmem:s18], [sflag:$0x3], $0x80, s23, s16, $0xb8;
	[tilespmem:$0x1E400] =	vst v63  }
0x72: {  	_ =	swait.ge [sflag:s14], $0x4000  }
0x73: {  	[sflag:s14] =	ssyncset.done $0x0  }
0x74: {  	s24 =	sadd.s32 $0x180, s24;
	s23 =	sadd.s32 $0x100, s23;
	[sflag:s14] =	ssyncadd.s32 $0xFFFFC000  }
0x75: {  	[tilespmem:s18], [sflag:$0x2] =	stream.indirect.gather [hbm4b:s4+s16], $0x80, s24, s16, $0xb8;
	[tilespmem:$0x1E400] =	vst v63  }
0x76: {  	_ =	swait.ge [sflag:s19], $0x4000  }
0x77: {  	[sflag:s19] =	ssyncset.done $0x0  }
0x78: {  	[sflag:s19] =	ssyncadd.s32 $0xFFFFC000  }
0x79: {  	_ =	swait.ge [sflag:s20], $0x4000  }
0x7a: {  	s21 =	sadd.s32 $0x1, s21;
	[sflag:s20] =	ssyncset.done $0x0  }
0x7b: {  	p0 =	sne.s32 s21, s12;
	[sflag:s20] =	ssyncadd.s32 $0xFFFFC000  }
.Ltmp2:
0x7c: {  	[bflag:$0x0] =	sbarrier.arrive $0xFFFF;
	(pc) =	sbr.rel @p0 .LBB2_1-.Ltmp2, $4  }
0x7d: {  	[hbm:s11], [sflag:s6] =	dma.local [spmem:s13], $0x2780  }
0x7e: {  	_ =	swait.ge [sflag:s14], $0x2780  }
0x7f: {  	[sflag:s14] =	ssyncset.done $0x0  }
0x80: {  	[sflag:s14] =	ssyncadd.s32 $0xFFFFD880  }
0x81: {  	_ =	sfence.sel $0x180000  }
0x82: {  	[bflag:$0x0] =	sbarrier.arrive $0xFFFF  }
0x83: {  	p0 =	sne.s32 s1, $0x0;
	_ =	strace $0x90000050  }
0x84: {  	s0 =	sadd.s32 @!p0 $0x100000, s0;
	[bflag:$0x2] =	sbarrier.arrive $0xFFFF  }
0x85: {  	[sflag:s0] =	ssyncadd.tile.s32 @!p0 $0x1;
	_ =	shalt  }
.Lfunc_end2:
_tile_overlayer_lowered:
.L_overlay_start_2:
0x86: {  	(tag) =	ssettag $0x2  }
0x87: {  	s0 =	rddreg [dreg:$0x0];
	s2 =	stileid.u32  }
0x88: {  	s1 =	rddreg [dreg:$0x1];
	p0 =	sne.s32 s2, $0x0  }
0x89: {  	s3 =	rddreg [dreg:$0x2];
	[bflag:$0x3] =	sbarrier.arrive $0xFFFF;
	s2 =	simm.s32 @!p0 $0x1C03  }
0x8a: {  	[timem:s3], [sflag:s2] =	dma.local @!p0 [hbm:s0], s1  }
0x8b: {  	s0 =	simm.s32 @!p0 $0x3  }
0x8c: {  	_ =	swait.ge @!p0 [sflag:s0], s1  }
0x8d: {  	s1 =	ssub.s32 @!p0 $0x0, s1;
	[sflag:s0] =	ssyncset.done @!p0 $0x0  }
0x8e: {  	[sflag:s0] =	ssyncadd.s32 @!p0 s1  }
0x8f: {  	[bflag:$0x3] =	sbarrier.arrive $0xFFFF  }
0x90: {  	_ =	shalt  }

// kernel: sc_gcn_agg.5.cloned.1.call-start
scs
__scs_entry_jumppad:
0x0: {  	(pc) =	sbr.rel $0x88, $3  }
0x1: {  	(tag) =	ssettag $0x0;
	lr =	simm.s32 $0x1  }
0x2: {  	[smem:$0x3F98] =	sst lr;
	_ =	strace $0xD0000000  }
0x3: {  	_ = 	snop  }
0x4: {  	_ = 	snop  }
0x5: {  	_ = 	snop  }
0x6: {  	_ = 	snop  }
0x7: {  	_ = 	snop  }
__scs_overlays_trampoline_lowered:
0x8: {  	[smem:$0x3FA7] =	sst s0  }
0x9: {  	[smem:$0x3FA8] =	sst s1  }
0xa: {  	[smem:$0x3FA9] =	sst s2  }
0xb: {  	[smem:$0x3FAA] =	sst s3  }
0xc: {  	[smem:$0x3FAB] =	sst s4  }
0xd: {  	[smem:$0x3FAC] =	sst s5  }
0xe: {  	[smem:$0x3FAD] =	sst s6  }
0xf: {  	[smem:$0x3FAE] =	sst s7  }
0x10: {  	[smem:$0x3FAF] =	sst s8  }
0x11: {  	[smem:$0x3FB0] =	sst s9;
	s0 =	simm.s32 @!p0 $0x0  }
0x12: {  	s1 =	sld [smem:$0x3F96];
	s0 =	simm.s32 @p0 $0x1  }
0x13: {  	[smem:$0x3FB1] =	sst s0;
	s0 =	simm.s32 @!p1 $0x0  }
0x14: {  	s2 =	sld [smem:$0x3F95];
	s0 =	simm.s32 @p1 $0x1  }
0x15: {  	[smem:$0x3FB2] =	sst s0;
	s0 =	simm.s32 @!p2 $0x0  }
0x16: {  	s3 =	sld [smem:$0x3FDB];
	s0 =	simm.s32 @p2 $0x1  }
0x17: {  	s4 =	simm.s32 $0x1BF5;
	[smem:$0x3FB4] =	sst s0  }
0x18: {  	s0 =	sld [smem:$0x3F97];
	_ =	swait.ge [sflag:s4], $0x0  }
0x19: {  	s7 =	sld [smem:$0x3F98]  }
0x1a: {  	s8 =	sadd.s32 $0xFFFFE003, lr  }
0x1b: {  	s9 =	sadd.s32 $0xFFFFFEF7, lr;
	s5 =	simm.s32 $0xFFFFFFFF;
	p2 =	slt.u32 s8, $0xFFFFF086  }
0x1c: {  	p1 =	slt.u32 s9, $0xF7A;
	s5 =	simm.s32 @!p2 $0x0  }
0x1d: {  	s5 =	simm.s32 @p1 $0x1;
	p0 =	seq.s32 s7, s2  }
0x1e: {  	s7 =	smul.u32 @!p0 $0xF7A, s2;
	p2 =	seq.s32 @!p0 s5, $0x0  }
0x1f: {  	s9 =	smul.u32 $0xF7A, s1;
	s8 =	simm.s32 @!p0 $0x1BF5;
	p2 =	por !p2, p0  }
0x20: {  	[sflag:s8] =	ssyncset.s32 @!p0 $0xFFFFF086;
	s6 =	sadd.s32 @!p0 s3, s7;
	s7 =	simm.s32 @!p0 $0x108  }
0x21: {  	s3 =	sadd.s32 s3, s9;
	s6 =	sadd.s32 @!p0 $0x88, s6;
	s7 =	simm.s32 @p2 $0x1082  }
0x22: {  	[simem:s7], [sflag:s8] =	dma.local @!p0 [hbm:s6], $0xF7A  }
0x23: {  	s9 =	sor.u32 $0xD0000000, s2;
	s6 =	simm.s32 $0x108;
	_ =	swait.ge @!p0 [sflag:s8], $0x0  }
0x24: {  	s3 =	sadd.s32 $0x88, s3;
	s6 =	simm.s32 @!p1 $0x1082;
	[sflag:s4] =	ssyncset.s32 $0xFFFFF086  }
0x25: {  	[simem:s6], [sflag:s4] =	dma.local [hbm:s3], $0xF7A  }
0x26: {  	[smem:$0x3F98] =	sst s1;
	(tag) =	ssettag s2;
	_ =	strace s9  }
0x27: {  	s1 =	sld [smem:$0x3FA8]  }
0x28: {  	s2 =	sld [smem:$0x3FA9]  }
0x29: {  	s4 =	sld [smem:$0x3FAB]  }
0x2a: {  	p0 =	seq.s32 s5, $0x0;
	s5 =	sld [smem:$0x3FAC]  }
0x2b: {  	s6 =	sld [smem:$0x3FAD]  }
0x2c: {  	s7 =	sld [smem:$0x3FAE]  }
0x2d: {  	s3 =	simm.s32 $0x108;
	s8 =	sld [smem:$0x3FAF]  }
0x2e: {  	s3 =	simm.s32 @!p0 $0x1082;
	s9 =	sld [smem:$0x3FB0]  }
0x2f: {  	lr =	sadd.s32 s0, s3;
	s0 =	sld [smem:$0x3FA7]  }
0x30: {  	s3 =	sld [smem:$0x3FAA]  }
0x31: {  	[smem:$0x3FB3] =	sst s10  }
0x32: {  	s10 =	sld [smem:$0x3FB1];
	_ =	sdelay $0x3  }
0x33: {  	p0 =	seq.s32 s10, $0x1;
	s10 =	sld [smem:$0x3FB3];
	_ =	sdelay $0x3  }
0x34: {  	[smem:$0x3FB3] =	sst s10  }
0x35: {  	s10 =	sld [smem:$0x3FB2];
	_ =	sdelay $0x3  }
0x36: {  	p1 =	seq.s32 s10, $0x1;
	s10 =	sld [smem:$0x3FB3];
	_ =	sdelay $0x3  }
0x37: {  	[smem:$0x3FB3] =	sst s10  }
0x38: {  	s10 =	sld [smem:$0x3FB4]  }
0x39: {  	_ = 	snop;
	(pc) =	sbr.ind lr, $3  }
0x3a: {  	_ = 	snop  }
0x3b: {  	_ = 	snop  }
0x3c: {  	p2 =	seq.s32 s10, $0x1;
	s10 =	sld [smem:$0x3FB3]  }
0x3d: {  	_ =	shalt  }
0x3e: {  	_ =	shalt  }
0x3f: {  	_ =	shalt  }
0x40: {  	_ =	shalt  }
0x41: {  	_ =	shalt  }
0x42: {  	_ =	shalt  }
0x43: {  	_ =	shalt  }
0x44: {  	_ =	shalt  }
0x45: {  	_ =	shalt  }
0x46: {  	_ =	shalt  }
0x47: {  	_ =	shalt  }
0x48: {  	_ =	shalt  }
0x49: {  	_ =	shalt  }
0x4a: {  	_ =	shalt  }
0x4b: {  	_ =	shalt  }
0x4c: {  	_ =	shalt  }
0x4d: {  	_ =	shalt  }
0x4e: {  	_ =	shalt  }
0x4f: {  	_ =	shalt  }
0x50: {  	_ =	shalt  }
0x51: {  	_ =	shalt  }
0x52: {  	_ =	shalt  }
0x53: {  	_ =	shalt  }
0x54: {  	_ =	shalt  }
0x55: {  	_ =	shalt  }
0x56: {  	_ =	shalt  }
0x57: {  	_ =	shalt  }
0x58: {  	_ =	shalt  }
0x59: {  	_ =	shalt  }
0x5a: {  	_ =	shalt  }
0x5b: {  	_ =	shalt  }
0x5c: {  	_ =	shalt  }
0x5d: {  	_ =	shalt  }
0x5e: {  	_ =	shalt  }
0x5f: {  	_ =	shalt  }
0x60: {  	_ =	shalt  }
0x61: {  	_ =	shalt  }
0x62: {  	_ =	shalt  }
0x63: {  	_ =	shalt  }
0x64: {  	_ =	shalt  }
0x65: {  	_ =	shalt  }
0x66: {  	_ =	shalt  }
0x67: {  	_ =	shalt  }
0x68: {  	_ =	shalt  }
0x69: {  	_ =	shalt  }
0x6a: {  	_ =	shalt  }
0x6b: {  	_ =	shalt  }
0x6c: {  	_ =	shalt  }
0x6d: {  	_ =	shalt  }
0x6e: {  	_ =	shalt  }
0x6f: {  	_ =	shalt  }
0x70: {  	_ =	shalt  }
0x71: {  	_ =	shalt  }
0x72: {  	_ =	shalt  }
0x73: {  	_ =	shalt  }
0x74: {  	_ =	shalt  }
0x75: {  	_ =	shalt  }
0x76: {  	_ =	shalt  }
0x77: {  	_ =	shalt  }
0x78: {  	_ =	shalt  }
0x79: {  	_ =	shalt  }
0x7a: {  	_ =	shalt  }
0x7b: {  	_ =	shalt  }
0x7c: {  	_ =	shalt  }
0x7d: {  	_ =	shalt  }
0x7e: {  	_ =	shalt  }
0x7f: {  	_ =	shalt  }
0x80: {  	_ =	shalt  }
0x81: {  	_ =	shalt  }
0x82: {  	_ =	shalt  }
0x83: {  	_ =	shalt  }
0x84: {  	_ =	shalt  }
0x85: {  	_ =	shalt  }
0x86: {  	_ =	shalt  }
0x87: {  	_ =	shalt  }
.Lfunc_end0:
.L_simem_size_0:
called_computation.1_lowered:
.L_overlay_start_0:
0x88: {  	s2 =	sld [smem:$0x3FD9]  }
0x89: {  	s3 =	sld [smem:$0x3FFE];
	_ =	sdelay $0x1  }
0x8a: {  	s1 =	srdreg.scid  }
0x8b: {  	s0 =	sand.u32 $0x1, s1  }
0x8c: {  	s17 =	sshll.u32 s0, $0xA;
	s2 =	sadd.s32 s3, s2  }
0x8d: {  	s2 =	sadd.s32 s2, s17  }
0x8e: {  	[smem:$0x3FBF] =	sst s2  }
0x8f: {  	_ = 	snop  }
0x90: {  	s18 =	sld [smem:$0x3FD0];
	(tm) =	ssettm $0x1  }
0x91: {  	s19 =	sld [smem:$0x3FFB];
	_ =	sdelay $0x3  }
0x92: {  	_ =	strace s19  }
0x93: {  	s2 =	sld [smem:$0x3FFC];
	_ =	sdelay $0x3  }
0x94: {  	_ =	strace s2  }
0x95: {  	s2 =	sld [smem:$0x3FFD];
	_ =	sdelay $0x3  }
0x96: {  	_ =	strace s2  }
0x97: {  	_ =	strace $0x8FFFFFFF  }
0x98: {  	s20 =	sld [smem:$0x3FDB];
	_ =	sdelay $0x1  }
0x99: {  	s4 =	simm.s32 $_scs_section_size  }
0x9a: {  	s5 =	simm.s32 $_size__tile_overlayer_lowered;
	s6 =	simm.s32 $_tile_overlayer_lowered  }
0x9b: {  	s7 =	simm.s32 $0x1BFF;
	s21 =	sshll.u32 s6, $0x1;
	s4 =	sadd.s32 s4, s20  }
0x9c: {  	s22 =	simm.s32 $0x0;
	s5 =	sshll.u32 s5, $0x1;
	s6 =	sadd.s32 s21, s4  }
0x9d: {  	[timem:s22], [sflag:s7] =	dma.local [hbm:s6], s5  }
0x9e: {  	_ =	swait.ge [sflag:s7], s5  }
0x9f: {  	s5 =	ssub.s32 $0x0, s5;
	[sflag:s7] =	ssyncset.done $0x0  }
0xa0: {  	[sflag:s7] =	ssyncadd.s32 s5;
	_ =	sdelay $0x1  }
0xa1: {  	s23 =	simm.s32 $0x1B8B  }
0xa2: {  	_ =	swait.ge [sflag:s23], $0x1  }
0xa3: {  	[sflag:s23] =	ssyncset.done $0x0  }
0xa4: {  	[sflag:s23] =	ssyncadd.s32 $0xFFFFFFFF  }
0xa5: {  	s5 =	sld [smem:$0x0]  }
0xa6: {  	s6 =	sand.u32 $0xFFFFFFFE, s1  }
0xa7: {  	p0 =	sne.s32 s1, s6  }
0xa8: {  	s6 =	sshll.u32 @p0 s6, $0xE  }
0xa9: {  	s6 =	sadd.s32 @p0 $0x11B8D, s6;
	s7 =	sshll.u32 @p0 s5, $0x11  }
0xaa: {  	s6 =	sor.u32 @p0 s7, s6  }
0xab: {  	[sflag:s6] =	ssyncadd.remote.s32 @p0 $0x1;
	_ =	sdelay $0x1  }
0xac: {  	s6 =	simm.s32 @p0 $0x1B8D  }
0xad: {  	_ =	swait.eq @p0 [sflag:s6], $0x1  }
0xae: {  	[sflag:s6] =	ssyncadd.s32 @p0 $0xFFFFFFFF  }
0xaf: {  	s7 =	sshll.u32 @!p0 s1, $0xE  }
0xb0: {  	s7 =	sor.u32 @!p0 $0x4000, s7;
	s6 =	simm.s32 @!p0 $0x1B8D  }
0xb1: {  	s5 =	sshll.u32 @!p0 s5, $0x11;
	s7 =	sadd.s32 @!p0 $0x11B8D, s7;
	_ =	swait.eq @!p0 [sflag:s6], $0x1  }
0xb2: {  	s5 =	sor.u32 @!p0 s5, s7;
	[sflag:s6] =	ssyncadd.s32 @!p0 $0xFFFFFFFF  }
0xb3: {  	s25 =	simm.s32 $0x1B8E;
	s24 =	sld [smem:$0x3FFE];
	[sflag:s5] =	ssyncadd.remote.s32 @!p0 $0x1  }
0xb4: {  	s26 =	simm.s32 $execute0_lowered;
	[smem:$0x3FD2] =	sst s25  }
0xb5: {  	s6 =	sshll.u32 s26, $0x1;
	_ =	strace $0x80000049;
	[dreg:$0x1] =	wrdreg $0xFFFFFFFF  }
0xb6: {  	s28 =	simm.s32 $_size_execute0_lowered;
	s4 =	sadd.s32 s4, s6;
	[dreg:$0x0] =	wrdreg $0x0  }
0xb7: {  	s6 =	sshll.u32 s28, $0x1;
	[dreg:$0x2] =	wrdreg s4  }
0xb8: {  	[dreg:$0x3] =	wrdreg s6  }
0xb9: {  	[dreg:$0x4] =	wrdreg $0xC0  }
0xba: {  	_ =	task [dreg:s22], $0x5FFFF  }
0xbb: {  	[dreg:$0x1] =	wrdreg $0xFFFFFFFF  }
0xbc: {  	[dreg:$0x0] =	wrdreg $0x60  }
0xbd: {  	[dreg:$0x2] =	wrdreg s18  }
0xbe: {  	[dreg:$0x3] =	wrdreg s24  }
0xbf: {  	[dreg:$0x4] =	wrdreg $0xA8000  }
0xc0: {  	[dreg:$0x5] =	wrdreg $0xA  }
0xc1: {  	_ =	task.clear_ibuf [dreg:s22], $0x6FFFF;
	_ =	strace $0x90000049  }
0xc2: {  	s29 =	simm.s32 $0xA;
	_ =	strace $0x8000004B  }
0xc3: {  	_ =	swait.ge [sflag:s29], $0x1  }
0xc4: {  	[sflag:s29] =	ssyncadd.s32 $0xFFFFFFFF  }
0xc5: {  	_ =	strace $0x9000004B  }
0xc6: {  	_ =	sfence  }
0xc7: {  	s30 =	sld [smem:$0x0];
	_ =	sdelay $0x2  }
0xc8: {  	s31 =	sshll.u32 s1, $0xD;
	s1 =	sshrl.u32 s1, $0x2  }
0xc9: {  	s4 =	sand.u32 $0x4000, s31;
	s1 =	sadd.s32 s1, s30  }
0xca: {  	s0 =	sor.u32 s4, s0;
	s1 =	sshll.u32 s1, $0x11  }
0xcb: {  	s0 =	sor.u32 s1, s0  }
0xcc: {  	s0 =	sadd.s32 $0x8F2B, s0  }
0xcd: {  	[sflag:s0] =	ssyncadd.remote.s32 $0x1  }
0xce: {  	_ =	sfence.sel $0xFFFF  }
0xcf: {  	[dreg:$0x0] =	wrdreg $0xFFFFFFFF;
	(pc) =	sbr.abs _section_cstart, $3  }
0xd0: {  	[dreg:$0x1] =	wrdreg $0xFFFFFFFF  }
0xd1: {  	_ =	task.clear_ibuf [dreg:s22], $0x2FFFF;
	_ =	strace $0x9FFFFFFF  }
0xd2: {  	(tm) =	ssettm $0x7FFFFFFF  }
0xd3: {  	_ =	shalt  }
tec
execute0_lowered:
.L_overlay_start_1:
0x0: {  	(tag) =	ssettag $0x1  }
0x1: {  	s2 =	rddreg [dreg:$0x0]  }
0x2: {  	s5 =	rddreg [dreg:$0x1]  }
0x3: {  	s3 =	rddreg [dreg:$0x2]  }
0x4: {  	s0 =	rddreg [dreg:$0x3];
	s1 =	stileid.u32  }
0x5: {  	s6 =	srdreg.scid;
	s4 =	simm.s32 $0x0;
	s17 =	simm.s32 $0x2800  }
0x6: {  	s18 =	simm.s32 $0x6800;
	s19 =	simm.s32 $0x1;
	s20 =	simm.s32 $0x2  }
0x7: {  	s21 =	simm.s32 $0x0;
	s7 =	smul.u32 $0x13C00, s1;
	s6 =	sand.u32 $0x1, s6  }
0x8: {  	[smem:$0x7FF] =	sst s4;
	s9 =	sadd.s32 $0x8E400, s5;
	s11 =	sadd.s32 $0xDC00, s5  }
0x9: {  	s25 =	smul.u32 $0x4F000, s1;
	s13 =	sshll.u32 s1, $0x1;
	s28 =	sshll.u32 s1, $0x6  }
0xa: {  	s8 =	smul.u32 $0x13C000, s6;
	_ =	strace $0x8000004A;
	s12 =	sshll.u32 s6, $0x5  }
0xb: {  	s6 =	ssub.s32 $0x2, s6;
	s10 =	sshrl.u32 s7, $0x3;
	s12 =	sor.u32 s13, s12  }
0xc: {  	s26 =	sshrl.u32 s6, $0x1;
	s10 =	sadd.s32 s10, s5;
	s7 =	sadd.s32 s7, s8  }
0xd: {  	s8 =	sshrl.u32 s25, $0x2;
	s14 =	smul.u32 $0x1400, s12;
	s13 =	ssub.s32 s6, s26  }
0xe: {  	s29 =	smul.u32 $0x280, s12;
	s6 =	sor.u32 $0x1C03, s28;
	s7 =	sshrl.u32 s7, $0x3  }
0xf: {  	s16 =	sadd.s32 s8, s3;
	s12 =	smax.u32 s13, $0x1;
	s15 =	sadd.s32 s7, s5  }
0x10: {  	s30 =	sshrl.u32 s14, $0x3;
	s5 =	sadd.s32 $0x17C00, s10;
	s7 =	sadd.s32 s9, s29  }
0x11: {  	s8 =	sadd.s32 s11, s29;
	s13 =	sshrl.u32 s16, $0x3;
	s31 =	sadd.s32 $0x280, s30  }
0x12: {  	s14 =	simm.s32 $0x3;
	s16 =	simm.s32 $0x80;
	s9 =	sadd.s32 s9, s31  }
0x13: {  	s10 =	sadd.s32 s11, s31;
	s11 =	sadd.s32 $0x98400, s15;
	s15 =	simm.s32 $0x1400  }
.LBB2_1:
0x14: {  	[spmem:s13], [sflag:s6] =	dma.local [hbm:s5], $0x2780  }
0x15: {  	_ =	swait.ge [sflag:s14], $0x2780  }
0x16: {  	[sflag:s14] =	ssyncset.done $0x0  }
0x17: {  	[sflag:s14] =	ssyncadd.s32 $0xFFFFD880  }
0x18: {  	[bflag:$0x0] =	sbarrier.arrive $0xFFFF  }
0x19: {  	[tilespmem:s4], [sflag:$0x3] =	stream.linear.gather [hbm4b:s7+s4], $0x1400, $0x38;
	[tilespmem:$0x1E400] =	vst v63  }
0x1a: {  	_ =	swait.ge [sflag:s14], $0x1400  }
0x1b: {  	[sflag:s14] =	ssyncset.done $0x0  }
0x1c: {  	[sflag:s14] =	ssyncadd.s32 $0xFFFFEC00  }
0x1d: {  	[tilespmem:s15], [sflag:$0x3] =	stream.linear.gather [hbm4b:s8+s4], $0x1400, $0x38;
	[tilespmem:$0x1E400] =	vst v63  }
0x1e: {  	_ =	swait.ge [sflag:s14], $0x1400  }
0x1f: {  	[sflag:s14] =	ssyncset.done $0x0  }
0x20: {  	[sflag:s14] =	ssyncadd.s32 $0xFFFFEC00  }
0x21: {  	[tilespmem:s17], [sflag:$0x1] =	stream.indirect.gather [hbm4b:s2+s16], $0x80, s4, s16, $0xb8;
	[tilespmem:$0x1E400] =	vst v63  }
0x22: {  	_ = 	snop  }
0x23: {  	[tilespmem:s18], [sflag:$0x2] =	stream.indirect.gather [hbm4b:s2+s16], $0x80, s16, s16, $0xb8;
	[tilespmem:$0x1E400] =	vst v63  }
0x24: {  	_ =	swait.ge [sflag:s19], $0x4000  }
0x25: {  	[sflag:s19] =	ssyncset.done $0x0  }
0x26: {  	s22 =	simm.s32 $0x1400;
	[sflag:s19] =	ssyncadd.s32 $0xFFFFC000  }
0x27: {  	[spmem:s3] =	stream.indirect.scatter.add.f32 [tilespmem:s17], [sflag:$0x3], $0x80, s22, s16, $0xb8;
	[tilespmem:$0x1E400] =	vst v63  }
0x28: {  	s30 =	smin.u32 s4, $0x24;
	_ =	swait.ge [sflag:s14], $0x4000  }
0x29: {  	s23 =	sshll.u32 s30, $0x7;
	[sflag:s14] =	ssyncset.done $0x0  }
0x2a: {  	s22 =	sadd.s32 $0x100, s23;
	[sflag:s14] =	ssyncadd.s32 $0xFFFFC000  }
0x2b: {  	[tilespmem:s17], [sflag:$0x1] =	stream.indirect.gather [hbm4b:s2+s16], $0x80, s22, s16, $0xb8;
	[tilespmem:$0x1E400] =	vst v63  }
0x2c: {  	_ =	swait.ge [sflag:s20], $0x4000  }
0x2d: {  	[sflag:s20] =	ssyncset.done $0x0  }
0x2e: {  	s31 =	simm.s32 $0x1480;
	[sflag:s20] =	ssyncadd.s32 $0xFFFFC000  }
0x2f: {  	[spmem:s3] =	stream.indirect.scatter.add.f32 [tilespmem:s18], [sflag:$0x3], $0x80, s31, s16, $0xb8;
	[tilespmem:$0x1E400] =	vst v63  }
0x30: {  	_ =	swait.ge [sflag:s14], $0x4000  }
0x31: {  	s24 =	sadd.s32 $0x180, s23;
	[sflag:s14] =	ssyncset.done $0x0  }
0x32: {  	s23 =	simm.s32 $0x1580;
	s22 =	simm.s32 $0x2;
	[sflag:s14] =	ssyncadd.s32 $0xFFFFC000  }
.LBB2_2:
0x33: {  	[tilespmem:s18], [sflag:$0x2] =	stream.indirect.gather [hbm4b:s2+s16], $0x80, s24, s16, $0xb8;
	[tilespmem:$0x1E400] =	vst v63  }
0x34: {  	s24 =	smov.u32 s22  }
0x35: {  	p0 =	sne.s32 s22, $0x26;
	s22 =	sadd.s32 $0x2, s22;
	_ =	swait.ge [sflag:s19], $0x4000  }
0x36: {  	[sflag:s19] =	ssyncset.done $0x0  }
0x37: {  	s25 =	sadd.s32 $0xFFFFFF80, s23;
	[sflag:s19] =	ssyncadd.s32 $0xFFFFC000  }
0x38: {  	[spmem:s3] =	stream.indirect.scatter.add.f32 [tilespmem:s17], [sflag:$0x3], $0x80, s25, s16, $0xb8;
	[tilespmem:$0x1E400] =	vst v63  }
0x39: {  	s24 =	smin.u32 s24, $0x24;
	_ =	swait.ge [sflag:s14], $0x4000  }
0x3a: {  	s24 =	sshll.u32 s24, $0x7;
	[sflag:s14] =	ssyncset.done $0x0  }
0x3b: {  	s25 =	sadd.s32 $0x100, s24;
	[sflag:s14] =	ssyncadd.s32 $0xFFFFC000  }
0x3c: {  	[tilespmem:s17], [sflag:$0x1] =	stream.indirect.gather [hbm4b:s2+s16], $0x80, s25, s16, $0xb8;
	[tilespmem:$0x1E400] =	vst v63  }
0x3d: {  	_ =	swait.ge [sflag:s20], $0x4000  }
0x3e: {  	[sflag:s20] =	ssyncset.done $0x0  }
.Ltmp0:
0x3f: {  	[sflag:s20] =	ssyncadd.s32 $0xFFFFC000;
	(pc) =	sbr.rel @p0 .LBB2_2-.Ltmp0, $4  }
0x40: {  	[spmem:s3] =	stream.indirect.scatter.add.f32 [tilespmem:s18], [sflag:$0x3], $0x80, s23, s16, $0xb8;
	[tilespmem:$0x1E400] =	vst v63  }
0x41: {  	_ =	swait.ge [sflag:s14], $0x4000  }
0x42: {  	[sflag:s14] =	ssyncset.done $0x0  }
0x43: {  	s24 =	sadd.s32 $0x180, s24;
	s23 =	sadd.s32 $0x100, s23;
	[sflag:s14] =	ssyncadd.s32 $0xFFFFC000  }
0x44: {  	[tilespmem:s18], [sflag:$0x2] =	stream.indirect.gather [hbm4b:s2+s16], $0x80, s24, s16, $0xb8;
	[tilespmem:$0x1E400] =	vst v63  }
0x45: {  	_ =	swait.ge [sflag:s19], $0x4000  }
0x46: {  	[sflag:s19] =	ssyncset.done $0x0  }
0x47: {  	[sflag:s19] =	ssyncadd.s32 $0xFFFFC000  }
0x48: {  	_ =	swait.ge [sflag:s20], $0x4000  }
0x49: {  	[sflag:s20] =	ssyncset.done $0x0  }
0x4a: {  	s22 =	simm.s32 $0x0;
	[sflag:s20] =	ssyncadd.s32 $0xFFFFC000  }
0x4b: {  	[tilespmem:s22], [sflag:$0x3] =	stream.linear.gather [hbm4b:s9+s22], $0x1400, $0x38;
	[tilespmem:$0x1E400] =	vst v63  }
0x4c: {  	_ =	swait.ge [sflag:s14], $0x1400  }
0x4d: {  	[sflag:s14] =	ssyncset.done $0x0  }
0x4e: {  	[sflag:s14] =	ssyncadd.s32 $0xFFFFEC00  }
0x4f: {  	[tilespmem:s15], [sflag:$0x3] =	stream.linear.gather [hbm4b:s10+s22], $0x1400, $0x38;
	[tilespmem:$0x1E400] =	vst v63  }
0x50: {  	_ =	swait.ge [sflag:s14], $0x1400  }
0x51: {  	[sflag:s14] =	ssyncset.done $0x0  }
0x52: {  	[sflag:s14] =	ssyncadd.s32 $0xFFFFEC00  }
0x53: {  	[tilespmem:s17], [sflag:$0x1] =	stream.indirect.gather [hbm4b:s2+s16], $0x80, s22, s16, $0xb8;
	[tilespmem:$0x1E400] =	vst v63  }
0x54: {  	_ = 	snop  }
0x55: {  	[tilespmem:s18], [sflag:$0x2] =	stream.indirect.gather [hbm4b:s2+s16], $0x80, s16, s16, $0xb8;
	[tilespmem:$0x1E400] =	vst v63  }
0x56: {  	_ =	swait.ge [sflag:s19], $0x4000  }
0x57: {  	[sflag:s19] =	ssyncset.done $0x0  }
0x58: {  	s23 =	simm.s32 $0x1400;
	[sflag:s19] =	ssyncadd.s32 $0xFFFFC000  }
0x59: {  	[spmem:s3] =	stream.indirect.scatter.add.f32 [tilespmem:s17], [sflag:$0x3], $0x80, s23, s16, $0xb8;
	[tilespmem:$0x1E400] =	vst v63  }
0x5a: {  	s22 =	smin.u32 s22, $0x24;
	_ =	swait.ge [sflag:s14], $0x4000  }
0x5b: {  	s30 =	sshll.u32 s22, $0x7;
	[sflag:s14] =	ssyncset.done $0x0  }
0x5c: {  	s22 =	sadd.s32 $0x100, s30;
	[sflag:s14] =	ssyncadd.s32 $0xFFFFC000  }
0x5d: {  	[tilespmem:s17], [sflag:$0x1] =	stream.indirect.gather [hbm4b:s2+s16], $0x80, s22, s16, $0xb8;
	[tilespmem:$0x1E400] =	vst v63  }
0x5e: {  	_ =	swait.ge [sflag:s20], $0x4000  }
0x5f: {  	[sflag:s20] =	ssyncset.done $0x0  }
0x60: {  	s31 =	simm.s32 $0x1480;
	[sflag:s20] =	ssyncadd.s32 $0xFFFFC000  }
0x61: {  	[spmem:s3] =	stream.indirect.scatter.add.f32 [tilespmem:s18], [sflag:$0x3], $0x80, s31, s16, $0xb8;
	[tilespmem:$0x1E400] =	vst v63  }
0x62: {  	_ =	swait.ge [sflag:s14], $0x4000  }
0x63: {  	s24 =	sadd.s32 $0x180, s30;
	[sflag:s14] =	ssyncset.done $0x0  }
0x64: {  	s23 =	simm.s32 $0x1580;
	s22 =	simm.s32 $0x2;
	[sflag:s14] =	ssyncadd.s32 $0xFFFFC000  }
.LBB2_4:
0x65: {  	[tilespmem:s18], [sflag:$0x2] =	stream.indirect.gather [hbm4b:s2+s16], $0x80, s24, s16, $0xb8;
	[tilespmem:$0x1E400] =	vst v63  }
0x66: {  	s24 =	smov.u32 s22  }
0x67: {  	p0 =	sne.s32 s22, $0x26;
	s22 =	sadd.s32 $0x2, s22;
	_ =	swait.ge [sflag:s19], $0x4000  }
0x68: {  	[sflag:s19] =	ssyncset.done $0x0  }
0x69: {  	s25 =	sadd.s32 $0xFFFFFF80, s23;
	[sflag:s19] =	ssyncadd.s32 $0xFFFFC000  }
0x6a: {  	[spmem:s3] =	stream.indirect.scatter.add.f32 [tilespmem:s17], [sflag:$0x3], $0x80, s25, s16, $0xb8;
	[tilespmem:$0x1E400] =	vst v63  }
0x6b: {  	s24 =	smin.u32 s24, $0x24;
	_ =	swait.ge [sflag:s14], $0x4000  }
0x6c: {  	s24 =	sshll.u32 s24, $0x7;
	[sflag:s14] =	ssyncset.done $0x0  }
0x6d: {  	s25 =	sadd.s32 $0x100, s24;
	[sflag:s14] =	ssyncadd.s32 $0xFFFFC000  }
0x6e: {  	[tilespmem:s17], [sflag:$0x1] =	stream.indirect.gather [hbm4b:s2+s16], $0x80, s25, s16, $0xb8;
	[tilespmem:$0x1E400] =	vst v63  }
0x6f: {  	_ =	swait.ge [sflag:s20], $0x4000  }
0x70: {  	[sflag:s20] =	ssyncset.done $0x0  }
.Ltmp1:
0x71: {  	[sflag:s20] =	ssyncadd.s32 $0xFFFFC000;
	(pc) =	sbr.rel @p0 .LBB2_4-.Ltmp1, $4  }
0x72: {  	[spmem:s3] =	stream.indirect.scatter.add.f32 [tilespmem:s18], [sflag:$0x3], $0x80, s23, s16, $0xb8;
	[tilespmem:$0x1E400] =	vst v63  }
0x73: {  	_ =	swait.ge [sflag:s14], $0x4000  }
0x74: {  	[sflag:s14] =	ssyncset.done $0x0  }
0x75: {  	s24 =	sadd.s32 $0x180, s24;
	s23 =	sadd.s32 $0x100, s23;
	[sflag:s14] =	ssyncadd.s32 $0xFFFFC000  }
0x76: {  	[tilespmem:s18], [sflag:$0x2] =	stream.indirect.gather [hbm4b:s2+s16], $0x80, s24, s16, $0xb8;
	[tilespmem:$0x1E400] =	vst v63  }
0x77: {  	_ =	swait.ge [sflag:s19], $0x4000  }
0x78: {  	[sflag:s19] =	ssyncset.done $0x0  }
0x79: {  	[sflag:s19] =	ssyncadd.s32 $0xFFFFC000  }
0x7a: {  	_ =	swait.ge [sflag:s20], $0x4000  }
0x7b: {  	s21 =	sadd.s32 $0x1, s21;
	[sflag:s20] =	ssyncset.done $0x0  }
0x7c: {  	p0 =	sne.s32 s21, s12;
	[sflag:s20] =	ssyncadd.s32 $0xFFFFC000  }
.Ltmp2:
0x7d: {  	[bflag:$0x0] =	sbarrier.arrive $0xFFFF;
	(pc) =	sbr.rel @p0 .LBB2_1-.Ltmp2, $4  }
0x7e: {  	[hbm:s11], [sflag:s6] =	dma.local [spmem:s13], $0x2780  }
0x7f: {  	_ =	swait.ge [sflag:s14], $0x2780  }
0x80: {  	[sflag:s14] =	ssyncset.done $0x0  }
0x81: {  	[sflag:s14] =	ssyncadd.s32 $0xFFFFD880  }
0x82: {  	_ =	sfence.sel $0x180000  }
0x83: {  	[bflag:$0x0] =	sbarrier.arrive $0xFFFF  }
0x84: {  	p0 =	sne.s32 s1, $0x0;
	_ =	strace $0x9000004A  }
0x85: {  	s0 =	sadd.s32 @!p0 $0x100000, s0;
	[bflag:$0x2] =	sbarrier.arrive $0xFFFF  }
0x86: {  	[sflag:s0] =	ssyncadd.tile.s32 @!p0 $0x1;
	_ =	shalt  }
.Lfunc_end2:
_tile_overlayer_lowered:
.L_overlay_start_2:
0x87: {  	(tag) =	ssettag $0x2  }
0x88: {  	s0 =	rddreg [dreg:$0x0];
	s2 =	stileid.u32  }
0x89: {  	s1 =	rddreg [dreg:$0x1];
	p0 =	sne.s32 s2, $0x0  }
0x8a: {  	s3 =	rddreg [dreg:$0x2];
	[bflag:$0x3] =	sbarrier.arrive $0xFFFF;
	s2 =	simm.s32 @!p0 $0x1C03  }
0x8b: {  	[timem:s3], [sflag:s2] =	dma.local @!p0 [hbm:s0], s1  }
0x8c: {  	s0 =	simm.s32 @!p0 $0x3  }
0x8d: {  	_ =	swait.ge @!p0 [sflag:s0], s1  }
0x8e: {  	s1 =	ssub.s32 @!p0 $0x0, s1;
	[sflag:s0] =	ssyncset.done @!p0 $0x0  }
0x8f: {  	[sflag:s0] =	ssyncadd.s32 @!p0 s1  }
0x90: {  	[bflag:$0x3] =	sbarrier.arrive $0xFFFF  }
0x91: {  	_ =	shalt  }

// kernel: sc_gcn_agg.8.cloned.1.call-start
scs
__scs_entry_jumppad:
0x0: {  	(pc) =	sbr.rel $0x88, $3  }
0x1: {  	(tag) =	ssettag $0x0;
	lr =	simm.s32 $0x1  }
0x2: {  	[smem:$0x3F98] =	sst lr;
	_ =	strace $0xD0000000  }
0x3: {  	_ = 	snop  }
0x4: {  	_ = 	snop  }
0x5: {  	_ = 	snop  }
0x6: {  	_ = 	snop  }
0x7: {  	_ = 	snop  }
__scs_overlays_trampoline_lowered:
0x8: {  	[smem:$0x3FA7] =	sst s0  }
0x9: {  	[smem:$0x3FA8] =	sst s1  }
0xa: {  	[smem:$0x3FA9] =	sst s2  }
0xb: {  	[smem:$0x3FAA] =	sst s3  }
0xc: {  	[smem:$0x3FAB] =	sst s4  }
0xd: {  	[smem:$0x3FAC] =	sst s5  }
0xe: {  	[smem:$0x3FAD] =	sst s6  }
0xf: {  	[smem:$0x3FAE] =	sst s7  }
0x10: {  	[smem:$0x3FAF] =	sst s8  }
0x11: {  	[smem:$0x3FB0] =	sst s9;
	s0 =	simm.s32 @!p0 $0x0  }
0x12: {  	s1 =	sld [smem:$0x3F96];
	s0 =	simm.s32 @p0 $0x1  }
0x13: {  	[smem:$0x3FB1] =	sst s0;
	s0 =	simm.s32 @!p1 $0x0  }
0x14: {  	s2 =	sld [smem:$0x3F95];
	s0 =	simm.s32 @p1 $0x1  }
0x15: {  	[smem:$0x3FB2] =	sst s0;
	s0 =	simm.s32 @!p2 $0x0  }
0x16: {  	s3 =	sld [smem:$0x3FDB];
	s0 =	simm.s32 @p2 $0x1  }
0x17: {  	s4 =	simm.s32 $0x1BF5;
	[smem:$0x3FB4] =	sst s0  }
0x18: {  	s0 =	sld [smem:$0x3F97];
	_ =	swait.ge [sflag:s4], $0x0  }
0x19: {  	s7 =	sld [smem:$0x3F98]  }
0x1a: {  	s8 =	sadd.s32 $0xFFFFE003, lr  }
0x1b: {  	s9 =	sadd.s32 $0xFFFFFEF7, lr;
	s5 =	simm.s32 $0xFFFFFFFF;
	p2 =	slt.u32 s8, $0xFFFFF086  }
0x1c: {  	p1 =	slt.u32 s9, $0xF7A;
	s5 =	simm.s32 @!p2 $0x0  }
0x1d: {  	s5 =	simm.s32 @p1 $0x1;
	p0 =	seq.s32 s7, s2  }
0x1e: {  	s7 =	smul.u32 @!p0 $0xF7A, s2;
	p2 =	seq.s32 @!p0 s5, $0x0  }
0x1f: {  	s9 =	smul.u32 $0xF7A, s1;
	s8 =	simm.s32 @!p0 $0x1BF5;
	p2 =	por !p2, p0  }
0x20: {  	[sflag:s8] =	ssyncset.s32 @!p0 $0xFFFFF086;
	s6 =	sadd.s32 @!p0 s3, s7;
	s7 =	simm.s32 @!p0 $0x108  }
0x21: {  	s3 =	sadd.s32 s3, s9;
	s6 =	sadd.s32 @!p0 $0x88, s6;
	s7 =	simm.s32 @p2 $0x1082  }
0x22: {  	[simem:s7], [sflag:s8] =	dma.local @!p0 [hbm:s6], $0xF7A  }
0x23: {  	s9 =	sor.u32 $0xD0000000, s2;
	s6 =	simm.s32 $0x108;
	_ =	swait.ge @!p0 [sflag:s8], $0x0  }
0x24: {  	s3 =	sadd.s32 $0x88, s3;
	s6 =	simm.s32 @!p1 $0x1082;
	[sflag:s4] =	ssyncset.s32 $0xFFFFF086  }
0x25: {  	[simem:s6], [sflag:s4] =	dma.local [hbm:s3], $0xF7A  }
0x26: {  	[smem:$0x3F98] =	sst s1;
	(tag) =	ssettag s2;
	_ =	strace s9  }
0x27: {  	s1 =	sld [smem:$0x3FA8]  }
0x28: {  	s2 =	sld [smem:$0x3FA9]  }
0x29: {  	s4 =	sld [smem:$0x3FAB]  }
0x2a: {  	p0 =	seq.s32 s5, $0x0;
	s5 =	sld [smem:$0x3FAC]  }
0x2b: {  	s6 =	sld [smem:$0x3FAD]  }
0x2c: {  	s7 =	sld [smem:$0x3FAE]  }
0x2d: {  	s3 =	simm.s32 $0x108;
	s8 =	sld [smem:$0x3FAF]  }
0x2e: {  	s3 =	simm.s32 @!p0 $0x1082;
	s9 =	sld [smem:$0x3FB0]  }
0x2f: {  	lr =	sadd.s32 s0, s3;
	s0 =	sld [smem:$0x3FA7]  }
0x30: {  	s3 =	sld [smem:$0x3FAA]  }
0x31: {  	[smem:$0x3FB3] =	sst s10  }
0x32: {  	s10 =	sld [smem:$0x3FB1];
	_ =	sdelay $0x3  }
0x33: {  	p0 =	seq.s32 s10, $0x1;
	s10 =	sld [smem:$0x3FB3];
	_ =	sdelay $0x3  }
0x34: {  	[smem:$0x3FB3] =	sst s10  }
0x35: {  	s10 =	sld [smem:$0x3FB2];
	_ =	sdelay $0x3  }
0x36: {  	p1 =	seq.s32 s10, $0x1;
	s10 =	sld [smem:$0x3FB3];
	_ =	sdelay $0x3  }
0x37: {  	[smem:$0x3FB3] =	sst s10  }
0x38: {  	s10 =	sld [smem:$0x3FB4]  }
0x39: {  	_ = 	snop;
	(pc) =	sbr.ind lr, $3  }
0x3a: {  	_ = 	snop  }
0x3b: {  	_ = 	snop  }
0x3c: {  	p2 =	seq.s32 s10, $0x1;
	s10 =	sld [smem:$0x3FB3]  }
0x3d: {  	_ =	shalt  }
0x3e: {  	_ =	shalt  }
0x3f: {  	_ =	shalt  }
0x40: {  	_ =	shalt  }
0x41: {  	_ =	shalt  }
0x42: {  	_ =	shalt  }
0x43: {  	_ =	shalt  }
0x44: {  	_ =	shalt  }
0x45: {  	_ =	shalt  }
0x46: {  	_ =	shalt  }
0x47: {  	_ =	shalt  }
0x48: {  	_ =	shalt  }
0x49: {  	_ =	shalt  }
0x4a: {  	_ =	shalt  }
0x4b: {  	_ =	shalt  }
0x4c: {  	_ =	shalt  }
0x4d: {  	_ =	shalt  }
0x4e: {  	_ =	shalt  }
0x4f: {  	_ =	shalt  }
0x50: {  	_ =	shalt  }
0x51: {  	_ =	shalt  }
0x52: {  	_ =	shalt  }
0x53: {  	_ =	shalt  }
0x54: {  	_ =	shalt  }
0x55: {  	_ =	shalt  }
0x56: {  	_ =	shalt  }
0x57: {  	_ =	shalt  }
0x58: {  	_ =	shalt  }
0x59: {  	_ =	shalt  }
0x5a: {  	_ =	shalt  }
0x5b: {  	_ =	shalt  }
0x5c: {  	_ =	shalt  }
0x5d: {  	_ =	shalt  }
0x5e: {  	_ =	shalt  }
0x5f: {  	_ =	shalt  }
0x60: {  	_ =	shalt  }
0x61: {  	_ =	shalt  }
0x62: {  	_ =	shalt  }
0x63: {  	_ =	shalt  }
0x64: {  	_ =	shalt  }
0x65: {  	_ =	shalt  }
0x66: {  	_ =	shalt  }
0x67: {  	_ =	shalt  }
0x68: {  	_ =	shalt  }
0x69: {  	_ =	shalt  }
0x6a: {  	_ =	shalt  }
0x6b: {  	_ =	shalt  }
0x6c: {  	_ =	shalt  }
0x6d: {  	_ =	shalt  }
0x6e: {  	_ =	shalt  }
0x6f: {  	_ =	shalt  }
0x70: {  	_ =	shalt  }
0x71: {  	_ =	shalt  }
0x72: {  	_ =	shalt  }
0x73: {  	_ =	shalt  }
0x74: {  	_ =	shalt  }
0x75: {  	_ =	shalt  }
0x76: {  	_ =	shalt  }
0x77: {  	_ =	shalt  }
0x78: {  	_ =	shalt  }
0x79: {  	_ =	shalt  }
0x7a: {  	_ =	shalt  }
0x7b: {  	_ =	shalt  }
0x7c: {  	_ =	shalt  }
0x7d: {  	_ =	shalt  }
0x7e: {  	_ =	shalt  }
0x7f: {  	_ =	shalt  }
0x80: {  	_ =	shalt  }
0x81: {  	_ =	shalt  }
0x82: {  	_ =	shalt  }
0x83: {  	_ =	shalt  }
0x84: {  	_ =	shalt  }
0x85: {  	_ =	shalt  }
0x86: {  	_ =	shalt  }
0x87: {  	_ =	shalt  }
.Lfunc_end0:
.L_simem_size_0:
called_computation.2_lowered:
.L_overlay_start_0:
0x88: {  	s2 =	sld [smem:$0x3FD9]  }
0x89: {  	s3 =	sld [smem:$0x3FFE];
	_ =	sdelay $0x1  }
0x8a: {  	s1 =	srdreg.scid  }
0x8b: {  	s0 =	sand.u32 $0x1, s1  }
0x8c: {  	s16 =	sshll.u32 s0, $0xA;
	s2 =	sadd.s32 s3, s2  }
0x8d: {  	s2 =	sadd.s32 s2, s16  }
0x8e: {  	[smem:$0x3FBF] =	sst s2  }
0x8f: {  	_ = 	snop  }
0x90: {  	(tm) =	ssettm $0x1  }
0x91: {  	s17 =	sld [smem:$0x3FFB];
	_ =	sdelay $0x3  }
0x92: {  	_ =	strace s17  }
0x93: {  	s2 =	sld [smem:$0x3FFC];
	_ =	sdelay $0x3  }
0x94: {  	_ =	strace s2  }
0x95: {  	s2 =	sld [smem:$0x3FFD];
	_ =	sdelay $0x3  }
0x96: {  	_ =	strace s2  }
0x97: {  	_ =	strace $0x8FFFFFFF  }
0x98: {  	s18 =	sld [smem:$0x3FDB];
	_ =	sdelay $0x1  }
0x99: {  	s19 =	simm.s32 $_scs_section_size  }
0x9a: {  	s4 =	simm.s32 $_size__tile_overlayer_lowered;
	s5 =	simm.s32 $_tile_overlayer_lowered  }
0x9b: {  	s22 =	simm.s32 $0x1BFF;
	s21 =	sshll.u32 s5, $0x1;
	s2 =	sadd.s32 s19, s18  }
0x9c: {  	s6 =	simm.s32 $0x0;
	s20 =	sshll.u32 s4, $0x1;
	s4 =	sadd.s32 s21, s2  }
0x9d: {  	[timem:s6], [sflag:s22] =	dma.local [hbm:s4], s20  }
0x9e: {  	_ =	swait.ge [sflag:s22], s20  }
0x9f: {  	s3 =	ssub.s32 $0x0, s20;
	[sflag:s22] =	ssyncset.done $0x0  }
0xa0: {  	[sflag:s22] =	ssyncadd.s32 s3;
	_ =	sdelay $0x1  }
0xa1: {  	s23 =	simm.s32 $0x1B8B  }
0xa2: {  	_ =	swait.ge [sflag:s23], $0x1  }
0xa3: {  	[sflag:s23] =	ssyncset.done $0x0  }
0xa4: {  	s25 =	simm.s32 $0x1B8E;
	s24 =	sld [smem:$0x3FFE];
	[sflag:s23] =	ssyncadd.s32 $0xFFFFFFFF  }
0xa5: {  	s26 =	simm.s32 $execute0_lowered;
	[smem:$0x3FD2] =	sst s25  }
0xa6: {  	s4 =	sshll.u32 s26, $0x1;
	_ =	strace $0x8000004C;
	[dreg:$0x1] =	wrdreg $0xFFFFFFFF  }
0xa7: {  	s28 =	simm.s32 $_size_execute0_lowered;
	s2 =	sadd.s32 s2, s4;
	[dreg:$0x0] =	wrdreg $0x0  }
0xa8: {  	s4 =	sshll.u32 s28, $0x1;
	[dreg:$0x2] =	wrdreg s2  }
0xa9: {  	[dreg:$0x3] =	wrdreg s4  }
0xaa: {  	[dreg:$0x4] =	wrdreg $0xC0  }
0xab: {  	_ =	task [dreg:s6], $0x5FFFF  }
0xac: {  	[dreg:$0x1] =	wrdreg $0xFFFFFFFF  }
0xad: {  	[dreg:$0x0] =	wrdreg $0x60  }
0xae: {  	[dreg:$0x2] =	wrdreg s24  }
0xaf: {  	[dreg:$0x3] =	wrdreg $0xA8000  }
0xb0: {  	[dreg:$0x4] =	wrdreg $0x9  }
0xb1: {  	_ =	task.clear_ibuf [dreg:s6], $0x5FFFF;
	_ =	strace $0x9000004C  }
0xb2: {  	s29 =	simm.s32 $0x9;
	_ =	strace $0x8000004E  }
0xb3: {  	_ =	swait.ge [sflag:s29], $0x1  }
0xb4: {  	[sflag:s29] =	ssyncadd.s32 $0xFFFFFFFF  }
0xb5: {  	_ =	strace $0x9000004E  }
0xb6: {  	_ =	sfence  }
0xb7: {  	s30 =	sld [smem:$0x0];
	_ =	sdelay $0x2  }
0xb8: {  	s31 =	sshll.u32 s1, $0xD;
	s1 =	sshrl.u32 s1, $0x2  }
0xb9: {  	s3 =	sand.u32 $0x4000, s31;
	s1 =	sadd.s32 s1, s30  }
0xba: {  	s0 =	sor.u32 s3, s0;
	s1 =	sshll.u32 s1, $0x11  }
0xbb: {  	s0 =	sor.u32 s1, s0  }
0xbc: {  	s0 =	sadd.s32 $0x8F2B, s0  }
0xbd: {  	[sflag:s0] =	ssyncadd.remote.s32 $0x1  }
0xbe: {  	_ =	sfence.sel $0xFFFF  }
0xbf: {  	[dreg:$0x0] =	wrdreg $0xFFFFFFFF;
	(pc) =	sbr.abs _section_cstart, $3  }
0xc0: {  	[dreg:$0x1] =	wrdreg $0xFFFFFFFF  }
0xc1: {  	_ =	task.clear_ibuf [dreg:s6], $0x2FFFF;
	_ =	strace $0x9FFFFFFF  }
0xc2: {  	(tm) =	ssettm $0x7FFFFFFF  }
0xc3: {  	_ =	shalt  }
tec
execute0_lowered:
.L_overlay_start_1:
0x0: {  	(tag) =	ssettag $0x1  }
0x1: {  	s5 =	rddreg [dreg:$0x0]  }
0x2: {  	s2 =	rddreg [dreg:$0x1]  }
0x3: {  	s0 =	rddreg [dreg:$0x2];
	s3 =	simm.s32 $0x0;
	s1 =	stileid.u32  }
0x4: {  	s4 =	srdreg.scid;
	s17 =	simm.s32 $0x2800;
	s18 =	simm.s32 $0x6800  }
0x5: {  	s19 =	simm.s32 $0x1;
	s20 =	simm.s32 $0x2;
	s21 =	simm.s32 $0x0  }
0x6: {  	[smem:$0x7FF] =	sst s3;
	s6 =	smul.u32 $0x13C00, s1;
	s7 =	sand.u32 $0x1, s4  }
0x7: {  	s4 =	sadd.s32 $0x3F400, s5;
	s9 =	sadd.s32 $0x8E400, s5;
	s11 =	sadd.s32 $0xDC00, s5  }
0x8: {  	s25 =	smul.u32 $0x4F000, s1;
	s13 =	sshll.u32 s1, $0x1;
	s28 =	sshll.u32 s1, $0x6  }
0x9: {  	_ =	strace $0x8000004D;
	s8 =	smul.u32 $0x13C000, s7;
	s12 =	sshll.u32 s7, $0x5  }
0xa: {  	s7 =	ssub.s32 $0x2, s7;
	s10 =	sshrl.u32 s6, $0x3;
	s12 =	sor.u32 s13, s12  }
0xb: {  	s26 =	sshrl.u32 s7, $0x1;
	s10 =	sadd.s32 s10, s5;
	s6 =	sadd.s32 s6, s8  }
0xc: {  	s8 =	sshrl.u32 s25, $0x2;
	s14 =	smul.u32 $0x1400, s12;
	s13 =	ssub.s32 s7, s26  }
0xd: {  	s29 =	smul.u32 $0x280, s12;
	s6 =	sshrl.u32 s6, $0x3;
	s16 =	sadd.s32 s8, s2  }
0xe: {  	s12 =	smax.u32 s13, $0x1;
	s15 =	sadd.s32 s6, s5;
	s30 =	sshrl.u32 s14, $0x3  }
0xf: {  	s5 =	sadd.s32 $0x17C00, s10;
	s6 =	sor.u32 $0x1C03, s28;
	s7 =	sadd.s32 s9, s29  }
0x10: {  	s8 =	sadd.s32 s11, s29;
	s13 =	sshrl.u32 s16, $0x3;
	s31 =	sadd.s32 $0x280, s30  }
0x11: {  	s14 =	simm.s32 $0x3;
	s16 =	simm.s32 $0x80;
	s9 =	sadd.s32 s9, s31  }
0x12: {  	s10 =	sadd.s32 s11, s31;
	s11 =	sadd.s32 $0x98400, s15;
	s15 =	simm.s32 $0x1400  }
.LBB2_1:
0x13: {  	[spmem:s13], [sflag:s6] =	dma.local [hbm:s5], $0x2780  }
0x14: {  	_ =	swait.ge [sflag:s14], $0x2780  }
0x15: {  	[sflag:s14] =	ssyncset.done $0x0  }
0x16: {  	[sflag:s14] =	ssyncadd.s32 $0xFFFFD880  }
0x17: {  	[bflag:$0x0] =	sbarrier.arrive $0xFFFF  }
0x18: {  	[tilespmem:s3], [sflag:$0x3] =	stream.linear.gather [hbm4b:s7+s3], $0x1400, $0x38;
	[tilespmem:$0x1E400] =	vst v63  }
0x19: {  	_ =	swait.ge [sflag:s14], $0x1400  }
0x1a: {  	[sflag:s14] =	ssyncset.done $0x0  }
0x1b: {  	[sflag:s14] =	ssyncadd.s32 $0xFFFFEC00  }
0x1c: {  	[tilespmem:s15], [sflag:$0x3] =	stream.linear.gather [hbm4b:s8+s3], $0x1400, $0x38;
	[tilespmem:$0x1E400] =	vst v63  }
0x1d: {  	_ =	swait.ge [sflag:s14], $0x1400  }
0x1e: {  	[sflag:s14] =	ssyncset.done $0x0  }
0x1f: {  	[sflag:s14] =	ssyncadd.s32 $0xFFFFEC00  }
0x20: {  	[tilespmem:s17], [sflag:$0x1] =	stream.indirect.gather [hbm4b:s4+s16], $0x80, s3, s16, $0xb8;
	[tilespmem:$0x1E400] =	vst v63  }
0x21: {  	_ = 	snop  }
0x22: {  	[tilespmem:s18], [sflag:$0x2] =	stream.indirect.gather [hbm4b:s4+s16], $0x80, s16, s16, $0xb8;
	[tilespmem:$0x1E400] =	vst v63  }
0x23: {  	_ =	swait.ge [sflag:s19], $0x4000  }
0x24: {  	[sflag:s19] =	ssyncset.done $0x0  }
0x25: {  	s22 =	simm.s32 $0x1400;
	[sflag:s19] =	ssyncadd.s32 $0xFFFFC000  }
0x26: {  	[spmem:s2] =	stream.indirect.scatter.add.f32 [tilespmem:s17], [sflag:$0x3], $0x80, s22, s16, $0xb8;
	[tilespmem:$0x1E400] =	vst v63  }
0x27: {  	s30 =	smin.u32 s3, $0x24;
	_ =	swait.ge [sflag:s14], $0x4000  }
0x28: {  	s23 =	sshll.u32 s30, $0x7;
	[sflag:s14] =	ssyncset.done $0x0  }
0x29: {  	s22 =	sadd.s32 $0x100, s23;
	[sflag:s14] =	ssyncadd.s32 $0xFFFFC000  }
0x2a: {  	[tilespmem:s17], [sflag:$0x1] =	stream.indirect.gather [hbm4b:s4+s16], $0x80, s22, s16, $0xb8;
	[tilespmem:$0x1E400] =	vst v63  }
0x2b: {  	_ =	swait.ge [sflag:s20], $0x4000  }
0x2c: {  	[sflag:s20] =	ssyncset.done $0x0  }
0x2d: {  	s31 =	simm.s32 $0x1480;
	[sflag:s20] =	ssyncadd.s32 $0xFFFFC000  }
0x2e: {  	[spmem:s2] =	stream.indirect.scatter.add.f32 [tilespmem:s18], [sflag:$0x3], $0x80, s31, s16, $0xb8;
	[tilespmem:$0x1E400] =	vst v63  }
0x2f: {  	_ =	swait.ge [sflag:s14], $0x4000  }
0x30: {  	s24 =	sadd.s32 $0x180, s23;
	[sflag:s14] =	ssyncset.done $0x0  }
0x31: {  	s23 =	simm.s32 $0x1580;
	s22 =	simm.s32 $0x2;
	[sflag:s14] =	ssyncadd.s32 $0xFFFFC000  }
.LBB2_2:
0x32: {  	[tilespmem:s18], [sflag:$0x2] =	stream.indirect.gather [hbm4b:s4+s16], $0x80, s24, s16, $0xb8;
	[tilespmem:$0x1E400] =	vst v63  }
0x33: {  	s24 =	smov.u32 s22  }
0x34: {  	p0 =	sne.s32 s22, $0x26;
	s22 =	sadd.s32 $0x2, s22;
	_ =	swait.ge [sflag:s19], $0x4000  }
0x35: {  	[sflag:s19] =	ssyncset.done $0x0  }
0x36: {  	s25 =	sadd.s32 $0xFFFFFF80, s23;
	[sflag:s19] =	ssyncadd.s32 $0xFFFFC000  }
0x37: {  	[spmem:s2] =	stream.indirect.scatter.add.f32 [tilespmem:s17], [sflag:$0x3], $0x80, s25, s16, $0xb8;
	[tilespmem:$0x1E400] =	vst v63  }
0x38: {  	s24 =	smin.u32 s24, $0x24;
	_ =	swait.ge [sflag:s14], $0x4000  }
0x39: {  	s24 =	sshll.u32 s24, $0x7;
	[sflag:s14] =	ssyncset.done $0x0  }
0x3a: {  	s25 =	sadd.s32 $0x100, s24;
	[sflag:s14] =	ssyncadd.s32 $0xFFFFC000  }
0x3b: {  	[tilespmem:s17], [sflag:$0x1] =	stream.indirect.gather [hbm4b:s4+s16], $0x80, s25, s16, $0xb8;
	[tilespmem:$0x1E400] =	vst v63  }
0x3c: {  	_ =	swait.ge [sflag:s20], $0x4000  }
0x3d: {  	[sflag:s20] =	ssyncset.done $0x0  }
.Ltmp0:
0x3e: {  	[sflag:s20] =	ssyncadd.s32 $0xFFFFC000;
	(pc) =	sbr.rel @p0 .LBB2_2-.Ltmp0, $4  }
0x3f: {  	[spmem:s2] =	stream.indirect.scatter.add.f32 [tilespmem:s18], [sflag:$0x3], $0x80, s23, s16, $0xb8;
	[tilespmem:$0x1E400] =	vst v63  }
0x40: {  	_ =	swait.ge [sflag:s14], $0x4000  }
0x41: {  	[sflag:s14] =	ssyncset.done $0x0  }
0x42: {  	s24 =	sadd.s32 $0x180, s24;
	s23 =	sadd.s32 $0x100, s23;
	[sflag:s14] =	ssyncadd.s32 $0xFFFFC000  }
0x43: {  	[tilespmem:s18], [sflag:$0x2] =	stream.indirect.gather [hbm4b:s4+s16], $0x80, s24, s16, $0xb8;
	[tilespmem:$0x1E400] =	vst v63  }
0x44: {  	_ =	swait.ge [sflag:s19], $0x4000  }
0x45: {  	[sflag:s19] =	ssyncset.done $0x0  }
0x46: {  	[sflag:s19] =	ssyncadd.s32 $0xFFFFC000  }
0x47: {  	_ =	swait.ge [sflag:s20], $0x4000  }
0x48: {  	[sflag:s20] =	ssyncset.done $0x0  }
0x49: {  	s22 =	simm.s32 $0x0;
	[sflag:s20] =	ssyncadd.s32 $0xFFFFC000  }
0x4a: {  	[tilespmem:s22], [sflag:$0x3] =	stream.linear.gather [hbm4b:s9+s22], $0x1400, $0x38;
	[tilespmem:$0x1E400] =	vst v63  }
0x4b: {  	_ =	swait.ge [sflag:s14], $0x1400  }
0x4c: {  	[sflag:s14] =	ssyncset.done $0x0  }
0x4d: {  	[sflag:s14] =	ssyncadd.s32 $0xFFFFEC00  }
0x4e: {  	[tilespmem:s15], [sflag:$0x3] =	stream.linear.gather [hbm4b:s10+s22], $0x1400, $0x38;
	[tilespmem:$0x1E400] =	vst v63  }
0x4f: {  	_ =	swait.ge [sflag:s14], $0x1400  }
0x50: {  	[sflag:s14] =	ssyncset.done $0x0  }
0x51: {  	[sflag:s14] =	ssyncadd.s32 $0xFFFFEC00  }
0x52: {  	[tilespmem:s17], [sflag:$0x1] =	stream.indirect.gather [hbm4b:s4+s16], $0x80, s22, s16, $0xb8;
	[tilespmem:$0x1E400] =	vst v63  }
0x53: {  	_ = 	snop  }
0x54: {  	[tilespmem:s18], [sflag:$0x2] =	stream.indirect.gather [hbm4b:s4+s16], $0x80, s16, s16, $0xb8;
	[tilespmem:$0x1E400] =	vst v63  }
0x55: {  	_ =	swait.ge [sflag:s19], $0x4000  }
0x56: {  	[sflag:s19] =	ssyncset.done $0x0  }
0x57: {  	s23 =	simm.s32 $0x1400;
	[sflag:s19] =	ssyncadd.s32 $0xFFFFC000  }
0x58: {  	[spmem:s2] =	stream.indirect.scatter.add.f32 [tilespmem:s17], [sflag:$0x3], $0x80, s23, s16, $0xb8;
	[tilespmem:$0x1E400] =	vst v63  }
0x59: {  	s22 =	smin.u32 s22, $0x24;
	_ =	swait.ge [sflag:s14], $0x4000  }
0x5a: {  	s30 =	sshll.u32 s22, $0x7;
	[sflag:s14] =	ssyncset.done $0x0  }
0x5b: {  	s22 =	sadd.s32 $0x100, s30;
	[sflag:s14] =	ssyncadd.s32 $0xFFFFC000  }
0x5c: {  	[tilespmem:s17], [sflag:$0x1] =	stream.indirect.gather [hbm4b:s4+s16], $0x80, s22, s16, $0xb8;
	[tilespmem:$0x1E400] =	vst v63  }
0x5d: {  	_ =	swait.ge [sflag:s20], $0x4000  }
0x5e: {  	[sflag:s20] =	ssyncset.done $0x0  }
0x5f: {  	s31 =	simm.s32 $0x1480;
	[sflag:s20] =	ssyncadd.s32 $0xFFFFC000  }
0x60: {  	[spmem:s2] =	stream.indirect.scatter.add.f32 [tilespmem:s18], [sflag:$0x3], $0x80, s31, s16, $0xb8;
	[tilespmem:$0x1E400] =	vst v63  }
0x61: {  	_ =	swait.ge [sflag:s14], $0x4000  }
0x62: {  	s24 =	sadd.s32 $0x180, s30;
	[sflag:s14] =	ssyncset.done $0x0  }
0x63: {  	s23 =	simm.s32 $0x1580;
	s22 =	simm.s32 $0x2;
	[sflag:s14] =	ssyncadd.s32 $0xFFFFC000  }
.LBB2_4:
0x64: {  	[tilespmem:s18], [sflag:$0x2] =	stream.indirect.gather [hbm4b:s4+s16], $0x80, s24, s16, $0xb8;
	[tilespmem:$0x1E400] =	vst v63  }
0x65: {  	s24 =	smov.u32 s22  }
0x66: {  	p0 =	sne.s32 s22, $0x26;
	s22 =	sadd.s32 $0x2, s22;
	_ =	swait.ge [sflag:s19], $0x4000  }
0x67: {  	[sflag:s19] =	ssyncset.done $0x0  }
0x68: {  	s25 =	sadd.s32 $0xFFFFFF80, s23;
	[sflag:s19] =	ssyncadd.s32 $0xFFFFC000  }
0x69: {  	[spmem:s2] =	stream.indirect.scatter.add.f32 [tilespmem:s17], [sflag:$0x3], $0x80, s25, s16, $0xb8;
	[tilespmem:$0x1E400] =	vst v63  }
0x6a: {  	s24 =	smin.u32 s24, $0x24;
	_ =	swait.ge [sflag:s14], $0x4000  }
0x6b: {  	s24 =	sshll.u32 s24, $0x7;
	[sflag:s14] =	ssyncset.done $0x0  }
0x6c: {  	s25 =	sadd.s32 $0x100, s24;
	[sflag:s14] =	ssyncadd.s32 $0xFFFFC000  }
0x6d: {  	[tilespmem:s17], [sflag:$0x1] =	stream.indirect.gather [hbm4b:s4+s16], $0x80, s25, s16, $0xb8;
	[tilespmem:$0x1E400] =	vst v63  }
0x6e: {  	_ =	swait.ge [sflag:s20], $0x4000  }
0x6f: {  	[sflag:s20] =	ssyncset.done $0x0  }
.Ltmp1:
0x70: {  	[sflag:s20] =	ssyncadd.s32 $0xFFFFC000;
	(pc) =	sbr.rel @p0 .LBB2_4-.Ltmp1, $4  }
0x71: {  	[spmem:s2] =	stream.indirect.scatter.add.f32 [tilespmem:s18], [sflag:$0x3], $0x80, s23, s16, $0xb8;
	[tilespmem:$0x1E400] =	vst v63  }
0x72: {  	_ =	swait.ge [sflag:s14], $0x4000  }
0x73: {  	[sflag:s14] =	ssyncset.done $0x0  }
0x74: {  	s24 =	sadd.s32 $0x180, s24;
	s23 =	sadd.s32 $0x100, s23;
	[sflag:s14] =	ssyncadd.s32 $0xFFFFC000  }
0x75: {  	[tilespmem:s18], [sflag:$0x2] =	stream.indirect.gather [hbm4b:s4+s16], $0x80, s24, s16, $0xb8;
	[tilespmem:$0x1E400] =	vst v63  }
0x76: {  	_ =	swait.ge [sflag:s19], $0x4000  }
0x77: {  	[sflag:s19] =	ssyncset.done $0x0  }
0x78: {  	[sflag:s19] =	ssyncadd.s32 $0xFFFFC000  }
0x79: {  	_ =	swait.ge [sflag:s20], $0x4000  }
0x7a: {  	s21 =	sadd.s32 $0x1, s21;
	[sflag:s20] =	ssyncset.done $0x0  }
0x7b: {  	p0 =	sne.s32 s21, s12;
	[sflag:s20] =	ssyncadd.s32 $0xFFFFC000  }
.Ltmp2:
0x7c: {  	[bflag:$0x0] =	sbarrier.arrive $0xFFFF;
	(pc) =	sbr.rel @p0 .LBB2_1-.Ltmp2, $4  }
0x7d: {  	[hbm:s11], [sflag:s6] =	dma.local [spmem:s13], $0x2780  }
0x7e: {  	_ =	swait.ge [sflag:s14], $0x2780  }
0x7f: {  	[sflag:s14] =	ssyncset.done $0x0  }
0x80: {  	[sflag:s14] =	ssyncadd.s32 $0xFFFFD880  }
0x81: {  	_ =	sfence.sel $0x180000  }
0x82: {  	[bflag:$0x0] =	sbarrier.arrive $0xFFFF  }
0x83: {  	p0 =	sne.s32 s1, $0x0;
	_ =	strace $0x9000004D  }
0x84: {  	s0 =	sadd.s32 @!p0 $0x100000, s0;
	[bflag:$0x2] =	sbarrier.arrive $0xFFFF  }
0x85: {  	[sflag:s0] =	ssyncadd.tile.s32 @!p0 $0x1;
	_ =	shalt  }
.Lfunc_end2:
_tile_overlayer_lowered:
.L_overlay_start_2:
0x86: {  	(tag) =	ssettag $0x2  }
0x87: {  	s0 =	rddreg [dreg:$0x0];
	s2 =	stileid.u32  }
0x88: {  	s1 =	rddreg [dreg:$0x1];
	p0 =	sne.s32 s2, $0x0  }
0x89: {  	s3 =	rddreg [dreg:$0x2];
	[bflag:$0x3] =	sbarrier.arrive $0xFFFF;
	s2 =	simm.s32 @!p0 $0x1C03  }
0x8a: {  	[timem:s3], [sflag:s2] =	dma.local @!p0 [hbm:s0], s1  }
0x8b: {  	s0 =	simm.s32 @!p0 $0x3  }
0x8c: {  	_ =	swait.ge @!p0 [sflag:s0], s1  }
0x8d: {  	s1 =	ssub.s32 @!p0 $0x0, s1;
	[sflag:s0] =	ssyncset.done @!p0 $0x0  }
0x8e: {  	[sflag:s0] =	ssyncadd.s32 @!p0 s1  }
0x8f: {  	[bflag:$0x3] =	sbarrier.arrive $0xFFFF  }
0x90: {  	_ =	shalt  }

// kernel: sc_gcn_ea.3.cloned.1.call-start
scs
__scs_entry_jumppad:
0x0: {  	(pc) =	sbr.rel $0x88, $3  }
0x1: {  	(tag) =	ssettag $0x0;
	lr =	simm.s32 $0x1  }
0x2: {  	[smem:$0x3F98] =	sst lr;
	_ =	strace $0xD0000000  }
0x3: {  	_ = 	snop  }
0x4: {  	_ = 	snop  }
0x5: {  	_ = 	snop  }
0x6: {  	_ = 	snop  }
0x7: {  	_ = 	snop  }
__scs_overlays_trampoline_lowered:
0x8: {  	[smem:$0x3FA7] =	sst s0  }
0x9: {  	[smem:$0x3FA8] =	sst s1  }
0xa: {  	[smem:$0x3FA9] =	sst s2  }
0xb: {  	[smem:$0x3FAA] =	sst s3  }
0xc: {  	[smem:$0x3FAB] =	sst s4  }
0xd: {  	[smem:$0x3FAC] =	sst s5  }
0xe: {  	[smem:$0x3FAD] =	sst s6  }
0xf: {  	[smem:$0x3FAE] =	sst s7  }
0x10: {  	[smem:$0x3FAF] =	sst s8  }
0x11: {  	[smem:$0x3FB0] =	sst s9;
	s0 =	simm.s32 @!p0 $0x0  }
0x12: {  	s1 =	sld [smem:$0x3F96];
	s0 =	simm.s32 @p0 $0x1  }
0x13: {  	[smem:$0x3FB1] =	sst s0;
	s0 =	simm.s32 @!p1 $0x0  }
0x14: {  	s2 =	sld [smem:$0x3F95];
	s0 =	simm.s32 @p1 $0x1  }
0x15: {  	[smem:$0x3FB2] =	sst s0;
	s0 =	simm.s32 @!p2 $0x0  }
0x16: {  	s3 =	sld [smem:$0x3FDB];
	s0 =	simm.s32 @p2 $0x1  }
0x17: {  	s4 =	simm.s32 $0x1BF5;
	[smem:$0x3FB4] =	sst s0  }
0x18: {  	s0 =	sld [smem:$0x3F97];
	_ =	swait.ge [sflag:s4], $0x0  }
0x19: {  	s7 =	sld [smem:$0x3F98]  }
0x1a: {  	s8 =	sadd.s32 $0xFFFFE003, lr  }
0x1b: {  	s9 =	sadd.s32 $0xFFFFFEF7, lr;
	s5 =	simm.s32 $0xFFFFFFFF;
	p2 =	slt.u32 s8, $0xFFFFF086  }
0x1c: {  	p1 =	slt.u32 s9, $0xF7A;
	s5 =	simm.s32 @!p2 $0x0  }
0x1d: {  	s5 =	simm.s32 @p1 $0x1;
	p0 =	seq.s32 s7, s2  }
0x1e: {  	s7 =	smul.u32 @!p0 $0xF7A, s2;
	p2 =	seq.s32 @!p0 s5, $0x0  }
0x1f: {  	s9 =	smul.u32 $0xF7A, s1;
	s8 =	simm.s32 @!p0 $0x1BF5;
	p2 =	por !p2, p0  }
0x20: {  	[sflag:s8] =	ssyncset.s32 @!p0 $0xFFFFF086;
	s6 =	sadd.s32 @!p0 s3, s7;
	s7 =	simm.s32 @!p0 $0x108  }
0x21: {  	s3 =	sadd.s32 s3, s9;
	s6 =	sadd.s32 @!p0 $0x88, s6;
	s7 =	simm.s32 @p2 $0x1082  }
0x22: {  	[simem:s7], [sflag:s8] =	dma.local @!p0 [hbm:s6], $0xF7A  }
0x23: {  	s9 =	sor.u32 $0xD0000000, s2;
	s6 =	simm.s32 $0x108;
	_ =	swait.ge @!p0 [sflag:s8], $0x0  }
0x24: {  	s3 =	sadd.s32 $0x88, s3;
	s6 =	simm.s32 @!p1 $0x1082;
	[sflag:s4] =	ssyncset.s32 $0xFFFFF086  }
0x25: {  	[simem:s6], [sflag:s4] =	dma.local [hbm:s3], $0xF7A  }
0x26: {  	[smem:$0x3F98] =	sst s1;
	(tag) =	ssettag s2;
	_ =	strace s9  }
0x27: {  	s1 =	sld [smem:$0x3FA8]  }
0x28: {  	s2 =	sld [smem:$0x3FA9]  }
0x29: {  	s4 =	sld [smem:$0x3FAB]  }
0x2a: {  	p0 =	seq.s32 s5, $0x0;
	s5 =	sld [smem:$0x3FAC]  }
0x2b: {  	s6 =	sld [smem:$0x3FAD]  }
0x2c: {  	s7 =	sld [smem:$0x3FAE]  }
0x2d: {  	s3 =	simm.s32 $0x108;
	s8 =	sld [smem:$0x3FAF]  }
0x2e: {  	s3 =	simm.s32 @!p0 $0x1082;
	s9 =	sld [smem:$0x3FB0]  }
0x2f: {  	lr =	sadd.s32 s0, s3;
	s0 =	sld [smem:$0x3FA7]  }
0x30: {  	s3 =	sld [smem:$0x3FAA]  }
0x31: {  	[smem:$0x3FB3] =	sst s10  }
0x32: {  	s10 =	sld [smem:$0x3FB1];
	_ =	sdelay $0x3  }
0x33: {  	p0 =	seq.s32 s10, $0x1;
	s10 =	sld [smem:$0x3FB3];
	_ =	sdelay $0x3  }
0x34: {  	[smem:$0x3FB3] =	sst s10  }
0x35: {  	s10 =	sld [smem:$0x3FB2];
	_ =	sdelay $0x3  }
0x36: {  	p1 =	seq.s32 s10, $0x1;
	s10 =	sld [smem:$0x3FB3];
	_ =	sdelay $0x3  }
0x37: {  	[smem:$0x3FB3] =	sst s10  }
0x38: {  	s10 =	sld [smem:$0x3FB4]  }
0x39: {  	_ = 	snop;
	(pc) =	sbr.ind lr, $3  }
0x3a: {  	_ = 	snop  }
0x3b: {  	_ = 	snop  }
0x3c: {  	p2 =	seq.s32 s10, $0x1;
	s10 =	sld [smem:$0x3FB3]  }
0x3d: {  	_ =	shalt  }
0x3e: {  	_ =	shalt  }
0x3f: {  	_ =	shalt  }
0x40: {  	_ =	shalt  }
0x41: {  	_ =	shalt  }
0x42: {  	_ =	shalt  }
0x43: {  	_ =	shalt  }
0x44: {  	_ =	shalt  }
0x45: {  	_ =	shalt  }
0x46: {  	_ =	shalt  }
0x47: {  	_ =	shalt  }
0x48: {  	_ =	shalt  }
0x49: {  	_ =	shalt  }
0x4a: {  	_ =	shalt  }
0x4b: {  	_ =	shalt  }
0x4c: {  	_ =	shalt  }
0x4d: {  	_ =	shalt  }
0x4e: {  	_ =	shalt  }
0x4f: {  	_ =	shalt  }
0x50: {  	_ =	shalt  }
0x51: {  	_ =	shalt  }
0x52: {  	_ =	shalt  }
0x53: {  	_ =	shalt  }
0x54: {  	_ =	shalt  }
0x55: {  	_ =	shalt  }
0x56: {  	_ =	shalt  }
0x57: {  	_ =	shalt  }
0x58: {  	_ =	shalt  }
0x59: {  	_ =	shalt  }
0x5a: {  	_ =	shalt  }
0x5b: {  	_ =	shalt  }
0x5c: {  	_ =	shalt  }
0x5d: {  	_ =	shalt  }
0x5e: {  	_ =	shalt  }
0x5f: {  	_ =	shalt  }
0x60: {  	_ =	shalt  }
0x61: {  	_ =	shalt  }
0x62: {  	_ =	shalt  }
0x63: {  	_ =	shalt  }
0x64: {  	_ =	shalt  }
0x65: {  	_ =	shalt  }
0x66: {  	_ =	shalt  }
0x67: {  	_ =	shalt  }
0x68: {  	_ =	shalt  }
0x69: {  	_ =	shalt  }
0x6a: {  	_ =	shalt  }
0x6b: {  	_ =	shalt  }
0x6c: {  	_ =	shalt  }
0x6d: {  	_ =	shalt  }
0x6e: {  	_ =	shalt  }
0x6f: {  	_ =	shalt  }
0x70: {  	_ =	shalt  }
0x71: {  	_ =	shalt  }
0x72: {  	_ =	shalt  }
0x73: {  	_ =	shalt  }
0x74: {  	_ =	shalt  }
0x75: {  	_ =	shalt  }
0x76: {  	_ =	shalt  }
0x77: {  	_ =	shalt  }
0x78: {  	_ =	shalt  }
0x79: {  	_ =	shalt  }
0x7a: {  	_ =	shalt  }
0x7b: {  	_ =	shalt  }
0x7c: {  	_ =	shalt  }
0x7d: {  	_ =	shalt  }
0x7e: {  	_ =	shalt  }
0x7f: {  	_ =	shalt  }
0x80: {  	_ =	shalt  }
0x81: {  	_ =	shalt  }
0x82: {  	_ =	shalt  }
0x83: {  	_ =	shalt  }
0x84: {  	_ =	shalt  }
0x85: {  	_ =	shalt  }
0x86: {  	_ =	shalt  }
0x87: {  	_ =	shalt  }
.Lfunc_end0:
.L_simem_size_0:
called_computation_lowered:
.L_overlay_start_0:
0x88: {  	s2 =	sld [smem:$0x3FD9]  }
0x89: {  	s3 =	sld [smem:$0x3FFE];
	_ =	sdelay $0x1  }
0x8a: {  	s1 =	srdreg.scid  }
0x8b: {  	s0 =	sand.u32 $0x1, s1  }
0x8c: {  	s16 =	sshll.u32 s0, $0xA;
	s2 =	sadd.s32 s3, s2  }
0x8d: {  	s2 =	sadd.s32 s2, s16  }
0x8e: {  	[smem:$0x3FBF] =	sst s2  }
0x8f: {  	_ = 	snop  }
0x90: {  	(tm) =	ssettm $0x1  }
0x91: {  	s17 =	sld [smem:$0x3FFB];
	_ =	sdelay $0x3  }
0x92: {  	_ =	strace s17  }
0x93: {  	s2 =	sld [smem:$0x3FFC];
	_ =	sdelay $0x3  }
0x94: {  	_ =	strace s2  }
0x95: {  	s2 =	sld [smem:$0x3FFD];
	_ =	sdelay $0x3  }
0x96: {  	_ =	strace s2  }
0x97: {  	_ =	strace $0x8FFFFFFF  }
0x98: {  	s18 =	sld [smem:$0x3FDB];
	_ =	sdelay $0x1  }
0x99: {  	s19 =	simm.s32 $_scs_section_size  }
0x9a: {  	s4 =	simm.s32 $_size__tile_overlayer_lowered;
	s5 =	simm.s32 $_tile_overlayer_lowered  }
0x9b: {  	s22 =	simm.s32 $0x1BFF;
	s21 =	sshll.u32 s5, $0x1;
	s2 =	sadd.s32 s19, s18  }
0x9c: {  	s6 =	simm.s32 $0x0;
	s20 =	sshll.u32 s4, $0x1;
	s4 =	sadd.s32 s21, s2  }
0x9d: {  	[timem:s6], [sflag:s22] =	dma.local [hbm:s4], s20  }
0x9e: {  	_ =	swait.ge [sflag:s22], s20  }
0x9f: {  	s3 =	ssub.s32 $0x0, s20;
	[sflag:s22] =	ssyncset.done $0x0  }
0xa0: {  	[sflag:s22] =	ssyncadd.s32 s3;
	_ =	sdelay $0x1  }
0xa1: {  	s23 =	simm.s32 $0x1B8B  }
0xa2: {  	_ =	swait.ge [sflag:s23], $0x1  }
0xa3: {  	[sflag:s23] =	ssyncset.done $0x0  }
0xa4: {  	s25 =	simm.s32 $0x1B8E;
	s24 =	sld [smem:$0x3FFE];
	[sflag:s23] =	ssyncadd.s32 $0xFFFFFFFF  }
0xa5: {  	s26 =	simm.s32 $execute0_lowered;
	[smem:$0x3FD2] =	sst s25  }
0xa6: {  	s4 =	sshll.u32 s26, $0x1;
	_ =	strace $0x80000046;
	[dreg:$0x1] =	wrdreg $0xFFFFFFFF  }
0xa7: {  	s28 =	simm.s32 $_size_execute0_lowered;
	s2 =	sadd.s32 s2, s4;
	[dreg:$0x0] =	wrdreg $0x0  }
0xa8: {  	s4 =	sshll.u32 s28, $0x1;
	[dreg:$0x2] =	wrdreg s2  }
0xa9: {  	[dreg:$0x3] =	wrdreg s4  }
0xaa: {  	[dreg:$0x4] =	wrdreg $0xC0  }
0xab: {  	_ =	task [dreg:s6], $0x5FFFF  }
0xac: {  	[dreg:$0x1] =	wrdreg $0xFFFFFFFF  }
0xad: {  	[dreg:$0x0] =	wrdreg $0x60  }
0xae: {  	[dreg:$0x2] =	wrdreg s24  }
0xaf: {  	[dreg:$0x3] =	wrdreg $0xA8000  }
0xb0: {  	[dreg:$0x4] =	wrdreg $0x9  }
0xb1: {  	_ =	task.clear_ibuf [dreg:s6], $0x5FFFF;
	_ =	strace $0x90000046  }
0xb2: {  	s29 =	simm.s32 $0x9;
	_ =	strace $0x80000048  }
0xb3: {  	_ =	swait.ge [sflag:s29], $0x1  }
0xb4: {  	[sflag:s29] =	ssyncadd.s32 $0xFFFFFFFF  }
0xb5: {  	_ =	strace $0x90000048  }
0xb6: {  	_ =	sfence  }
0xb7: {  	s30 =	sld [smem:$0x0];
	_ =	sdelay $0x2  }
0xb8: {  	s31 =	sshll.u32 s1, $0xD;
	s1 =	sshrl.u32 s1, $0x2  }
0xb9: {  	s3 =	sand.u32 $0x4000, s31;
	s1 =	sadd.s32 s1, s30  }
0xba: {  	s0 =	sor.u32 s3, s0;
	s1 =	sshll.u32 s1, $0x11  }
0xbb: {  	s0 =	sor.u32 s1, s0  }
0xbc: {  	s0 =	sadd.s32 $0x8F2B, s0  }
0xbd: {  	[sflag:s0] =	ssyncadd.remote.s32 $0x1  }
0xbe: {  	_ =	sfence.sel $0xFFFF  }
0xbf: {  	[dreg:$0x0] =	wrdreg $0xFFFFFFFF;
	(pc) =	sbr.abs _section_cstart, $3  }
0xc0: {  	[dreg:$0x1] =	wrdreg $0xFFFFFFFF  }
0xc1: {  	_ =	task.clear_ibuf [dreg:s6], $0x2FFFF;
	_ =	strace $0x9FFFFFFF  }
0xc2: {  	(tm) =	ssettm $0x7FFFFFFF  }
0xc3: {  	_ =	shalt  }
tec
execute0_lowered:
.L_overlay_start_1:
0x0: {  	(tag) =	ssettag $0x1  }
0x1: {  	s5 =	rddreg [dreg:$0x0]  }
0x2: {  	s2 =	rddreg [dreg:$0x1]  }
0x3: {  	s0 =	rddreg [dreg:$0x2];
	s1 =	stileid.u32  }
0x4: {  	s4 =	srdreg.scid;
	s3 =	simm.s32 $0x0;
	s16 =	simm.s32 $0x3  }
0x5: {  	s17 =	simm.s32 $0x1400;
	s18 =	simm.s32 $0x2800;
	s19 =	simm.s32 $0x6800  }
0x6: {  	s20 =	simm.s32 $0x1;
	s21 =	simm.s32 $0x80;
	s6 =	smul.u32 $0x13C00, s1  }
0x7: {  	s7 =	sand.u32 $0x1, s4;
	[smem:$0x7FF] =	sst s3;
	s4 =	sadd.s32 $0x9C7E00, s5  }
0x8: {  	s10 =	sadd.s32 $0xDC00, s5;
	s11 =	smul.u32 $0x4F000, s1;
	s30 =	sshll.u32 s1, $0x6  }
0x9: {  	s8 =	smul.u32 $0x13C000, s7;
	_ =	strace $0x80000047;
	s22 =	sshll.u32 s7, $0x4  }
0xa: {  	s23 =	ssub.s32 $0x2, s7;
	s9 =	sshrl.u32 s6, $0x3;
	s24 =	sor.u32 s1, s22  }
0xb: {  	s25 =	sshrl.u32 s23, $0x1;
	s26 =	sshrl.u32 s11, $0x2;
	s28 =	smul.u32 $0x500, s24  }
0xc: {  	s22 =	simm.s32 $0x2;
	s9 =	sadd.s32 s9, s5;
	s29 =	smul.u32 $0x2800, s24  }
0xd: {  	s6 =	sadd.s32 s6, s8;
	s14 =	ssub.s32 s23, s25;
	s31 =	smul.u32 $0x28000, s24  }
0xe: {  	s15 =	sadd.s32 s26, s2;
	s12 =	smul.u32 $0x50, s24;
	s23 =	simm.s32 $0x0  }
0xf: {  	s6 =	sshrl.u32 s6, $0x3;
	s14 =	smax.u32 s14, $0x1;
	s15 =	sshrl.u32 s15, $0x3  }
0x10: {  	s13 =	sadd.s32 s6, s5;
	s5 =	sadd.s32 $0x17C00, s9;
	s6 =	sor.u32 $0x1C03, s30  }
0x11: {  	s8 =	sshrl.u32 s29, $0x3;
	s7 =	sadd.s32 s10, s28;
	s11 =	sor.u32 $0x2, s12  }
0x12: {  	s12 =	sor.u32 $0x3, s12;
	s10 =	sadd.s32 s10, s8;
	s8 =	sadd.s32 s4, s31  }
0x13: {  	s13 =	sadd.s32 $0x3F400, s13;
	s9 =	sadd.s32 $0x280, s10;
	s10 =	sadd.s32 $0x800, s8  }
.LBB2_1:
0x14: {  	[spmem:s15], [sflag:s6] =	dma.local [hbm:s5], $0x2780  }
0x15: {  	_ =	swait.ge [sflag:s16], $0x2780  }
0x16: {  	[sflag:s16] =	ssyncset.done $0x0  }
0x17: {  	[sflag:s16] =	ssyncadd.s32 $0xFFFFD880  }
0x18: {  	[tilespmem:s3], [sflag:$0x3] =	stream.linear.gather [hbm4b:s7+s3], $0x1400, $0x38;
	[tilespmem:$0x1E400] =	vst v63  }
0x19: {  	_ =	swait.ge [sflag:s16], $0x1400  }
0x1a: {  	[sflag:s16] =	ssyncset.done $0x0  }
0x1b: {  	[sflag:s16] =	ssyncadd.s32 $0xFFFFEC00  }
0x1c: {  	[tilespmem:s17], [sflag:$0x3] =	stream.linear.gather [hbm4b:s9+s3], $0x1400, $0x38;
	[tilespmem:$0x1E400] =	vst v63  }
0x1d: {  	_ =	swait.ge [sflag:s16], $0x1400  }
0x1e: {  	[sflag:s16] =	ssyncset.done $0x0  }
0x1f: {  	[sflag:s16] =	ssyncadd.s32 $0xFFFFEC00  }
0x20: {  	[bflag:$0x0] =	sbarrier.arrive $0xFFFF  }
0x21: {  	[tilespmem:s18], [sflag:$0x1] =	stream.linear.gather [hbm4b:s8+s3], $0x4000, $0x38;
	[tilespmem:$0x1E400] =	vst v63  }
0x22: {  	_ = 	snop  }
0x23: {  	[tilespmem:s19], [sflag:$0x2] =	stream.linear.gather [hbm4b:s10+s3], $0x4000, $0x38;
	[tilespmem:$0x1E400] =	vst v63  }
0x24: {  	_ =	swait.ge [sflag:s20], $0x4000  }
0x25: {  	s24 =	smin.u32 s3, $0x4C;
	[sflag:s20] =	ssyncset.done $0x0  }
0x26: {  	s25 =	simm.s32 $0x0;
	s26 =	sadd.s32 s24, s11;
	[sflag:s20] =	ssyncadd.s32 $0xFFFFC000  }
0x27: {  	[spmem:s2] =	stream.indirect.scatter.add.f32 [tilespmem:s18], [sflag:$0x3], $0x80, s25, s21, $0xb8;
	[tilespmem:$0x1E400] =	vst v63  }
0x28: {  	s30 =	sshll.u32 s26, $0xB;
	_ =	swait.ge [sflag:s16], $0x4000  }
0x29: {  	s25 =	sand.u32 $0xFFF000, s30;
	[sflag:s16] =	ssyncset.done $0x0  }
0x2a: {  	s25 =	sadd.s32 s4, s25;
	[sflag:s16] =	ssyncadd.s32 $0xFFFFC000  }
0x2b: {  	[tilespmem:s18], [sflag:$0x1] =	stream.linear.gather [hbm4b:s25+s3], $0x4000, $0x38;
	[tilespmem:$0x1E400] =	vst v63  }
0x2c: {  	_ =	swait.ge [sflag:s22], $0x4000  }
0x2d: {  	[sflag:s22] =	ssyncset.done $0x0  }
0x2e: {  	s31 =	sadd.s32 s24, s12;
	[sflag:s22] =	ssyncadd.s32 $0xFFFFC000  }
0x2f: {  	[spmem:s2] =	stream.indirect.scatter.add.f32 [tilespmem:s19], [sflag:$0x3], $0x80, s21, s21, $0xb8;
	[tilespmem:$0x1E400] =	vst v63  }
0x30: {  	s24 =	simm.s32 $0x2;
	s25 =	sshll.u32 s31, $0xB;
	_ =	swait.ge [sflag:s16], $0x4000  }
0x31: {  	s26 =	sadd.s32 s4, s25;
	s25 =	simm.s32 $0x80;
	[sflag:s16] =	ssyncset.done $0x0  }
.LBB2_2:
0x32: {  	p0 =	sne.s32 s24, $0x4E;
	[sflag:s16] =	ssyncadd.s32 $0xFFFFC000;
	s25 =	sadd.s32 $0x100, s25  }
0x33: {  	[tilespmem:s19], [sflag:$0x2] =	stream.linear.gather [hbm4b:s26+s3], $0x4000, $0x38;
	[tilespmem:$0x1E400] =	vst v63  }
0x34: {  	s26 =	smov.u32 s24;
	s24 =	sadd.s32 $0x2, s24;
	_ =	swait.ge [sflag:s20], $0x4000  }
0x35: {  	s28 =	sadd.s32 $0xFFFFFF80, s25;
	s26 =	smin.u32 s26, $0x4C;
	[sflag:s20] =	ssyncset.done $0x0  }
0x36: {  	s29 =	sadd.s32 s26, s11;
	s26 =	sadd.s32 s26, s12;
	[sflag:s20] =	ssyncadd.s32 $0xFFFFC000  }
0x37: {  	[spmem:s2] =	stream.indirect.scatter.add.f32 [tilespmem:s18], [sflag:$0x3], $0x80, s28, s21, $0xb8;
	[tilespmem:$0x1E400] =	vst v63  }
0x38: {  	s26 =	sshll.u32 s26, $0xB;
	s28 =	sshll.u32 s29, $0xB;
	_ =	swait.ge [sflag:s16], $0x4000  }
0x39: {  	s28 =	sand.u32 $0xFFF000, s28;
	[sflag:s16] =	ssyncset.done $0x0  }
0x3a: {  	s28 =	sadd.s32 s4, s28;
	[sflag:s16] =	ssyncadd.s32 $0xFFFFC000  }
0x3b: {  	[tilespmem:s18], [sflag:$0x1] =	stream.linear.gather [hbm4b:s28+s3], $0x4000, $0x38;
	[tilespmem:$0x1E400] =	vst v63  }
0x3c: {  	_ =	swait.ge [sflag:s22], $0x4000  }
.Ltmp0:
0x3d: {  	[sflag:s22] =	ssyncset.done $0x0;
	(pc) =	sbr.rel @p0 .LBB2_2-.Ltmp0, $4  }
0x3e: {  	[sflag:s22] =	ssyncadd.s32 $0xFFFFC000  }
0x3f: {  	[spmem:s2] =	stream.indirect.scatter.add.f32 [tilespmem:s19], [sflag:$0x3], $0x80, s25, s21, $0xb8;
	[tilespmem:$0x1E400] =	vst v63  }
0x40: {  	_ =	swait.ge [sflag:s16], $0x4000  }
0x41: {  	s26 =	sadd.s32 s4, s26;
	[sflag:s16] =	ssyncset.done $0x0  }
0x42: {  	[sflag:s16] =	ssyncadd.s32 $0xFFFFC000  }
0x43: {  	[tilespmem:s19], [sflag:$0x2] =	stream.linear.gather [hbm4b:s26+s3], $0x4000, $0x38;
	[tilespmem:$0x1E400] =	vst v63  }
0x44: {  	_ =	swait.ge [sflag:s20], $0x4000  }
0x45: {  	[sflag:s20] =	ssyncset.done $0x0  }
0x46: {  	[sflag:s20] =	ssyncadd.s32 $0xFFFFC000  }
0x47: {  	_ =	swait.ge [sflag:s22], $0x4000  }
0x48: {  	s23 =	sadd.s32 $0x1, s23;
	[sflag:s22] =	ssyncset.done $0x0  }
0x49: {  	p0 =	sne.s32 s23, s14;
	[sflag:s22] =	ssyncadd.s32 $0xFFFFC000  }
.Ltmp1:
0x4a: {  	[bflag:$0x0] =	sbarrier.arrive $0xFFFF;
	(pc) =	sbr.rel @p0 .LBB2_1-.Ltmp1, $4  }
0x4b: {  	[hbm:s13], [sflag:s6] =	dma.local [spmem:s15], $0x2780  }
0x4c: {  	_ =	swait.ge [sflag:s16], $0x2780  }
0x4d: {  	[sflag:s16] =	ssyncset.done $0x0  }
0x4e: {  	[sflag:s16] =	ssyncadd.s32 $0xFFFFD880  }
0x4f: {  	_ =	sfence.sel $0x180000  }
0x50: {  	[bflag:$0x0] =	sbarrier.arrive $0xFFFF  }
0x51: {  	p0 =	sne.s32 s1, $0x0;
	_ =	strace $0x90000047  }
0x52: {  	s0 =	sadd.s32 @!p0 $0x100000, s0;
	[bflag:$0x2] =	sbarrier.arrive $0xFFFF  }
0x53: {  	[sflag:s0] =	ssyncadd.tile.s32 @!p0 $0x1;
	_ =	shalt  }
.Lfunc_end2:
_tile_overlayer_lowered:
.L_overlay_start_2:
0x54: {  	(tag) =	ssettag $0x2  }
0x55: {  	s0 =	rddreg [dreg:$0x0];
	s2 =	stileid.u32  }
0x56: {  	s1 =	rddreg [dreg:$0x1];
	p0 =	sne.s32 s2, $0x0  }
0x57: {  	s3 =	rddreg [dreg:$0x2];
	[bflag:$0x3] =	sbarrier.arrive $0xFFFF;
	s2 =	simm.s32 @!p0 $0x1C03  }
0x58: {  	[timem:s3], [sflag:s2] =	dma.local @!p0 [hbm:s0], s1  }
0x59: {  	s0 =	simm.s32 @!p0 $0x3  }
0x5a: {  	_ =	swait.ge @!p0 [sflag:s0], s1  }
0x5b: {  	s1 =	ssub.s32 @!p0 $0x0, s1;
	[sflag:s0] =	ssyncset.done @!p0 $0x0  }
0x5c: {  	[sflag:s0] =	ssyncadd.s32 @!p0 s1  }
0x5d: {  	[bflag:$0x3] =	sbarrier.arrive $0xFFFF  }
0x5e: {  	_ =	shalt  }

</sc_bundles>
